<compile_context>
chip_gen: v7x
topology: tpu7x:2x2x1
jax: 0.10.2.dev20260603
libtpu: 0.0.44.dev20260713+nightly
codegen_flags: <defaults>
</compile_context>

<pallas_src>
import functools

import jax
import jax.numpy as jnp
from jax import lax
from jax.experimental import pallas as pl
from jax.experimental.pallas import tpu as pltpu
from jax.experimental.pallas import tpu_sc as plsc

N = 10000
E = 320000
D = 128
H = 256

NC = 2
NS = 16
NW = NC * NS
K = 128
K2 = 320
CH2 = 32
CHP2 = 4
EP = NW * CH2 * K2
HCH = CH2 * K2 // K
NP = 10112
RPT = NP // NS

@functools.lru_cache(maxsize=None)
def _mesh():
    return plsc.VectorSubcoreMesh(
        core_axis_name="c", subcore_axis_name="s", num_cores=NC, num_subcores=NS
    )


def _zero_slice_chunks():
    out = []
    off = 0
    while off < RPT:
        sz = min(K, RPT - off)
        out.append((off, sz))
        off += sz
    return out


def _zero_vmem(ref, rows, cols):
    z = jnp.zeros((16,), jnp.float32)

    def body(i, _):
        r = i // (cols // 16)
        c = (i % (cols // 16)) * 16
        ref[r, pl.ds(c, 16)] = z
        return 0

    lax.fori_loop(0, rows * (cols // 16), body, 0)


@functools.lru_cache(maxsize=None)
def _sc_hist_kernel():
    return pl.kernel(
        _sc_hist_body,
        out_type=jax.ShapeDtypeStruct((NC, NP, 16), jnp.float32),
        mesh=_mesh(),
        scratch_types=[
            pltpu.VMEM((HCH, K), jnp.int32),
            pltpu.VMEM((K, 16), jnp.float32),
            pltpu.VMEM_SHARED((NP, 16), jnp.float32),
        ],
    )


def _sc_hist_body(dst_hbm, out_hbm, dst_v, ones_v, deg_sh):
    cid = lax.axis_index("c")
    sid = lax.axis_index("s")
    wid = cid * NS + sid

    _zero_vmem(ones_v, K, 16)
    for off, sz in _zero_slice_chunks():
        pltpu.sync_copy(
            ones_v.at[pl.ds(0, sz)], deg_sh.at[pl.ds(sid * RPT + off, sz)]
        )

    one = jnp.ones((16,), jnp.float32)

    def fill(i, _):
        ones_v[i, pl.ds(0, 16)] = one
        return 0

    lax.fori_loop(0, K, fill, 0)
    plsc.subcore_barrier()

    pltpu.sync_copy(dst_hbm.at[wid], dst_v)

    def body(j, _):
        pltpu.sync_copy(ones_v, deg_sh.at[dst_v.at[j]], add=True)
        return 0

    lax.fori_loop(0, HCH, body, 0)
    plsc.subcore_barrier()
    pltpu.sync_copy(
        deg_sh.at[pl.ds(sid * RPT, RPT)], out_hbm.at[cid].at[pl.ds(sid * RPT, RPT)]
    )


@functools.lru_cache(maxsize=None)
def _sc_agg_kernel():
    return pl.kernel(
        _sc_agg_body,
        out_type=jax.ShapeDtypeStruct((NC, NP, D), jnp.float32),
        mesh=_mesh(),
        scratch_types=[
            pltpu.VMEM((CHP2 * K2,), jnp.int32),
            pltpu.VMEM((CHP2 * K2,), jnp.int32),
            pltpu.VMEM((K2, D), jnp.float32),
            pltpu.VMEM_SHARED((NP, D), jnp.float32),
            pltpu.SemaphoreType.DMA,
        ],
    )


def _sc_agg_body(x_hbm, src_hbm, dst_hbm, out_hbm, src_v, dst_v, rows_v, acc_sh, gsem):
    cid = lax.axis_index("c")
    sid = lax.axis_index("s")
    wid = cid * NS + sid

    _zero_vmem(rows_v, K, D)
    for off, sz in _zero_slice_chunks():
        pltpu.sync_copy(
            rows_v.at[pl.ds(0, sz)], acc_sh.at[pl.ds(sid * RPT + off, sz)]
        )
    plsc.subcore_barrier()

    for ph in range(CH2 // CHP2):
        base = wid * CH2 * K2 + ph * CHP2 * K2
        pltpu.sync_copy(src_hbm.at[pl.ds(base, CHP2 * K2)], src_v)
        pltpu.sync_copy(dst_hbm.at[pl.ds(base, CHP2 * K2)], dst_v)

        def body(j, _):
            si = src_v.at[pl.ds(j * K2, K2)]
            di = dst_v.at[pl.ds(j * K2, K2)]
            pltpu.async_copy(x_hbm.at[si], rows_v, gsem).wait()
            pltpu.sync_copy(rows_v, acc_sh.at[di], add=True)
            return 0

        lax.fori_loop(0, CHP2, body, 0)
    plsc.subcore_barrier()
    pltpu.sync_copy(
        acc_sh.at[pl.ds(sid * RPT, RPT)], out_hbm.at[cid].at[pl.ds(sid * RPT, RPT)]
    )


def _tc_scale_body(degp_ref, emb_ref, dinv_ref, y0_ref):
    deg = degp_ref[0] + degp_ref[1] + 1.0
    dinv = lax.rsqrt(deg)
    dinv_ref[...] = dinv
    y0_ref[...] = emb_ref[...] * dinv


def _tc_scale(degp, emb_p):
    return pl.pallas_call(
        _tc_scale_body,
        out_shape=(
            jax.ShapeDtypeStruct((NP, 1), jnp.float32),
            jax.ShapeDtypeStruct((NP, D), jnp.float32),
        ),
    )(degp, emb_p)


def _tc_mm_body(aggp_ref, y0_ref, dinv_ref, W1_ref, b1_ref, W2_ref, y1_ref):
    dinv = dinv_ref[...]
    g1 = (aggp_ref[0] + aggp_ref[1] + y0_ref[...]) * dinv
    h1 = jnp.dot(g1, W1_ref[...], preferred_element_type=jnp.float32) + b1_ref[...]
    x2 = jnp.dot(h1, W2_ref[...], preferred_element_type=jnp.float32)
    y1_ref[...] = x2 * dinv


def _tc_mm(aggp, y0, dinv, W1, b1, W2):
    blk = 2048
    grid = NP // blk
    return pl.pallas_call(
        _tc_mm_body,
        grid=(grid,),
        in_specs=[
            pl.BlockSpec((2, blk, D), lambda i: (0, i, 0)),
            pl.BlockSpec((blk, D), lambda i: (i, 0)),
            pl.BlockSpec((blk, 1), lambda i: (i, 0)),
            pl.BlockSpec((D, H), lambda i: (0, 0)),
            pl.BlockSpec((1, H), lambda i: (0, 0)),
            pl.BlockSpec((H, D), lambda i: (0, 0)),
        ],
        out_specs=pl.BlockSpec((blk, D), lambda i: (i, 0)),
        out_shape=jax.ShapeDtypeStruct((NP, D), jnp.float32),
    )(aggp, y0, dinv, W1, b1, W2)


def _tc_bn_body(aggp_ref, y1_ref, dinv_ref, b2_ref, gamma_ref, beta_ref, out_ref):
    h2 = (aggp_ref[0] + aggp_ref[1] + y1_ref[...]) * dinv_ref[...] + b2_ref[...]
    mean = jnp.mean(h2, axis=0, keepdims=True)
    var = jnp.mean(h2 * h2, axis=0, keepdims=True) - mean * mean
    inv = lax.rsqrt(var + 1e-5)
    out_ref[...] = (h2 - mean) * inv * gamma_ref[...] + beta_ref[...]


def _tc_bn(aggp, y1, dinv, b2, gamma, beta):
    return pl.pallas_call(
        _tc_bn_body,
        grid=(1,),
        in_specs=[
            pl.BlockSpec((2, N, D), lambda i: (0, 0, 0)),
            pl.BlockSpec((N, D), lambda i: (0, 0)),
            pl.BlockSpec((N, 1), lambda i: (0, 0)),
            pl.BlockSpec((1, D), lambda i: (0, 0)),
            pl.BlockSpec((1, D), lambda i: (0, 0)),
            pl.BlockSpec((1, D), lambda i: (0, 0)),
        ],
        out_specs=pl.BlockSpec((N, D), lambda i: (0, 0)),
        out_shape=jax.ShapeDtypeStruct((N, D), jnp.float32),
    )(aggp, y1, dinv, b2, gamma, beta)


def kernel(edge_index, emb, W1, b1, W2, b2, gamma, beta):
    src = edge_index[0].astype(jnp.int32)
    dst = edge_index[1].astype(jnp.int32)
    pad = jnp.arange(EP - E, dtype=jnp.int32)
    src_p = jnp.concatenate([src, pad % N])
    dst_p = jnp.concatenate([dst, N + pad % (NP - N)])
    emb_p = jnp.concatenate([emb, jnp.zeros((NP - N, D), emb.dtype)], axis=0)

    degp = _sc_hist_kernel()(dst_p.reshape(NW, HCH, K))[:, :, :1]
    dinv, y0 = _tc_scale(degp, emb_p)
    agg0 = _sc_agg_kernel()(y0, src_p, dst_p)
    y1 = _tc_mm(agg0, y0, dinv, W1, b1.reshape(1, H), W2)
    agg1 = _sc_agg_kernel()(y1, src_p, dst_p)
    out = _tc_bn(
        agg1, y1, dinv, b2.reshape(1, D), gamma.reshape(1, D), beta.reshape(1, D)
    )
    return out

# --- scband reference (transcript-rebuilt; emitter-appended) ---
"""Pipeline reference for scband-lstmgnn-75239237091589 (READ-ONLY COPY).

The authoritative reference and input builder live on the scoring server;
editing this copy changes nothing except your own understanding.
"""

import jax, jax.numpy as jnp
import numpy as np

N = 10000
E = 320000
D = 128
H = 256


def setup_inputs(seed: int = 0) -> dict:
    key = jax.random.key(seed)
    ks = jax.random.split(key, 8)
    edge_index = jax.random.randint(ks[0], (2, E), 0, N)
    emb = jax.random.normal(ks[1], (N, D), dtype=jnp.float32) * 0.05
    W1 = jax.random.normal(ks[2], (D, H), dtype=jnp.float32) * (1.0 / np.sqrt(D))
    b1 = jnp.zeros((H,), dtype=jnp.float32)
    W2 = jax.random.normal(ks[3], (H, D), dtype=jnp.float32) * (1.0 / np.sqrt(H))
    b2 = jnp.zeros((D,), dtype=jnp.float32)
    gamma = jnp.ones((D,), dtype=jnp.float32)
    beta = jnp.zeros((D,), dtype=jnp.float32)
    return {"edge_index": edge_index, "emb": emb, "W1": W1, "b1": b1,
            "W2": W2, "b2": b2, "gamma": gamma, "beta": beta}


def _gcn_conv(x, src, dst, W, b):
    # x: [N, din]; GCNConv: linear transform, symmetric-normalized scatter-add aggregation
    n = x.shape[0]
    x = x @ W
    # add self loops (PyG GCNConv default)
    loop = jnp.arange(n, dtype=src.dtype)
    s = jnp.concatenate([src, loop])
    d = jnp.concatenate([dst, loop])
    deg = jnp.zeros((n,), dtype=x.dtype).at[d].add(1.0)
    dinv = jnp.where(deg > 0, 1.0 / jnp.sqrt(deg), 0.0)
    norm = dinv[s] * dinv[d]
    msg = jnp.take(x, s, axis=0) * norm[:, None]
    out = jnp.zeros((n, x.shape[1]), dtype=x.dtype).at[d].add(msg)
    return out + b


def reference(edge_index, emb, W1, b1, W2, b2, gamma, beta):
    src = edge_index[0]
    dst = edge_index[1]
    h = _gcn_conv(emb, src, dst, W1, b1)
    # dropout is identity in eval mode
    h = _gcn_conv(h, src, dst, W2, b2)
    # BatchNorm1d over node dimension (batch statistics)
    mean = jnp.mean(h, axis=0)
    var = jnp.var(h, axis=0)
    out = (h - mean) / jnp.sqrt(var + 1e-5) * gamma + beta
    return out

if __name__ == "__main__":
    import jax
    _d = setup_inputs()
    print(jax.jit(kernel)(*tuple(_d.values())))

</pallas_src>

<mosaic_0001>
#map = affine_map<(d0, d1) -> (0, 0, 0)>
module attributes {stable_mosaic.version = 14 : i64} {
  func.func @_sc_hist_body(%arg0: i32, %arg1: i32, %arg2: memref<32x80x128xi32, #tpu.memory_space<hbm>>, %arg3: memref<2x10112x16xf32, #tpu.memory_space<hbm>>, %arg4: memref<80x128xi32, #tpu.memory_space<vmem>>, %arg5: memref<128x16xf32, #tpu.memory_space<vmem>>, %arg6: memref<10112x16xf32, #tpu.memory_space<vmem_shared>>) attributes {dimension_semantics = [#tpu.dimension_semantics<core_parallel>, #tpu.dimension_semantics<subcore_parallel>], iteration_bounds = array<i64: 2, 16>, scalar_prefetch = 0 : i64, scratch_operands = 3 : i64, tpu.core_type = #tpu.core_type<sc_vector_subcore>, window_params = [{transform_indices = #map}, {transform_indices = #map}]} {
    %mul3A = arith.constant 16 : i32
    %mul3A_0 = arith.muli %arg0, %mul3A : i32
    %add3A = arith.addi %mul3A_0, %arg1 : i32
    %broadcast_in_dim3A = arith.constant 0.000000e+00 : f32
    %broadcast_in_dim3A_1 = vector.broadcast %broadcast_in_dim3A : f32 to vector<16xf32>
    %scan3A = arith.constant 0 : i32
    %scan3A_2 = arith.constant 0 : i32
    %scan3A_3 = arith.constant 128 : i32
    %scan3A_4 = arith.addi %scan3A_2, %scan3A_3 : i32
    %scan3A_5 = arith.constant 1 : i32
    %scan3A_6 = scf.for %scan3A_49 = %scan3A_2 to %scan3A_4 step %scan3A_5 iter_args(%scan3A_50 = %scan3A) -> (i32)  : i32 {
      %jit3A = arith.constant 1 : i32
      %div3A = arith.divsi %scan3A_49, %jit3A : i32
      %sign3A = arith.constant 0 : i32
      %sign3A_51 = arith.cmpi sgt, %scan3A_49, %sign3A : i32
      %sign3A_52 = arith.extui %sign3A_51 : i1 to i32
      %sign3A_53 = arith.constant 0 : i32
      %sign3A_54 = arith.cmpi slt, %scan3A_49, %sign3A_53 : i32
      %sign3A_55 = arith.extui %sign3A_54 : i1 to i32
      %sign3A_56 = arith.subi %sign3A_52, %sign3A_55 : i32
      %sign3A_57 = arith.constant 0 : i32
      %sign3A_58 = arith.cmpi sgt, %jit3A, %sign3A_57 : i32
      %sign3A_59 = arith.extui %sign3A_58 : i1 to i32
      %sign3A_60 = arith.constant 0 : i32
      %sign3A_61 = arith.cmpi slt, %jit3A, %sign3A_60 : i32
      %sign3A_62 = arith.extui %sign3A_61 : i1 to i32
      %sign3A_63 = arith.subi %sign3A_59, %sign3A_62 : i32
      %ne3A = arith.cmpi ne, %sign3A_56, %sign3A_63 : i32
      %rem3A = arith.remsi %scan3A_49, %jit3A : i32
      %ne3A_64 = arith.constant 0 : i32
      %ne3A_65 = arith.cmpi ne, %rem3A, %ne3A_64 : i32
      %and3A = arith.andi %ne3A, %ne3A_65 : i1
      %sub3A = arith.constant 1 : i32
      %sub3A_66 = arith.subi %div3A, %sub3A : i32
      %select_n3A = arith.select %and3A, %sub3A_66, %div3A : i32
      %jit3A_67 = arith.constant 1 : i32
      %eq3A = arith.constant 0 : i32
      %eq3A_68 = arith.cmpi eq, %jit3A_67, %eq3A : i32
      %jit3A_69 = arith.constant 1 : i32
      %select_n3A_70 = arith.select %eq3A_68, %jit3A_69, %jit3A_67 : i32
      %rem3A_71 = arith.remsi %scan3A_49, %select_n3A_70 : i32
      %ne3A_72 = arith.constant 0 : i32
      %ne3A_73 = arith.cmpi ne, %rem3A_71, %ne3A_72 : i32
      %lt3A = arith.constant 0 : i32
      %lt3A_74 = arith.cmpi slt, %rem3A_71, %lt3A : i32
      %lt3A_75 = arith.constant 0 : i32
      %lt3A_76 = arith.cmpi slt, %select_n3A_70, %lt3A_75 : i32
      %ne3A_77 = arith.xori %lt3A_74, %lt3A_76 : i1
      %and3A_78 = arith.andi %ne3A_77, %ne3A_73 : i1
      %add3A_79 = arith.addi %rem3A_71, %select_n3A_70 : i32
      %select_n3A_80 = arith.select %and3A_78, %add3A_79, %rem3A_71 : i32
      %mul3A_81 = arith.constant 16 : i32
      %mul3A_82 = arith.muli %select_n3A_80, %mul3A_81 : i32
      %swap3A = arith.index_cast %select_n3A : i32 to index
      %swap3A_83 = arith.index_cast %mul3A_82 : i32 to index
      %swap3A_84 = tpu.vector_load %arg5[%swap3A, %swap3A_83] {strides = array<i32>} : memref<128x16xf32, #tpu.memory_space<vmem>>, vector<1x16xf32>,
      %swap3A_85 = vector.shape_cast %swap3A_84 : vector<1x16xf32> to vector<16xf32>
      %swap3A_86 = vector.shape_cast %broadcast_in_dim3A_1 : vector<16xf32> to vector<1x16xf32>
      tpu.vector_store %arg5[%swap3A, %swap3A_83], %swap3A_86 {strides = array<i32>} : memref<128x16xf32, #tpu.memory_space<vmem>>, vector<1x16xf32>,
      %scan3A_87 = arith.constant 0 : i32
      scf.yield %scan3A_87 : i32
    }
    %scan3A_7 = arith.constant 128 : i32
    %mul3A_8 = arith.constant 632 : i32
    %mul3A_9 = arith.muli %arg1, %mul3A_8 : i32
    %add3A_10 = arith.constant 0 : i32
    %add3A_11 = arith.addi %mul3A_9, %add3A_10 : i32
    "tpu.region"() ({
      %run_scoped3A = tpu.sem_alloc : memref<!tpu.dma_semaphore, #tpu.memory_space<semaphore_mem>>
      %dma_start3A = arith.constant 0 : i32
      %dma_start3A_49 = arith.constant 0 : i32
      %dma_start3A_50 = tpu.memref_slice %arg5[%dma_start3A, %dma_start3A_49] : memref<128x16xf32, #tpu.memory_space<vmem>> -> memref<128x16xf32, #tpu.memory_space<vmem>>
      %dma_start3A_51 = arith.constant 0 : i32
      %dma_start3A_52 = tpu.memref_slice %arg6[%add3A_11, %dma_start3A_51] : memref<10112x16xf32, #tpu.memory_space<vmem_shared>> -> memref<128x16xf32, #tpu.memory_space<vmem_shared>>
      %dma_start3A_53 = arith.constant 0 : i32
      %dma_start3A_54 = tpu.memref_slice %arg6[%add3A_11, %dma_start3A_53] : memref<10112x16xf32, #tpu.memory_space<vmem_shared>> -> memref<128x16xf32, #tpu.memory_space<vmem_shared>>
      %dma_start3A_55 = arith.constant 0 : i32
      %dma_start3A_56 = arith.constant 0 : i32
      %dma_start3A_57 = tpu.memref_slice %arg5[%dma_start3A_55, %dma_start3A_56] : memref<128x16xf32, #tpu.memory_space<vmem>> -> memref<128x16xf32, #tpu.memory_space<vmem>>
      tpu.enqueue_dma source(%dma_start3A_57 : memref<128x16xf32, #tpu.memory_space<vmem>>) target(%dma_start3A_54 : memref<128x16xf32, #tpu.memory_space<vmem_shared>>) target_semaphore(%run_scoped3A : memref<!tpu.dma_semaphore, #tpu.memory_space<semaphore_mem>>)
      %dma_wait3A = arith.constant 0 : i32
      %dma_wait3A_58 = arith.constant 0 : i32
      %dma_wait3A_59 = tpu.memref_slice %arg5[%dma_wait3A, %dma_wait3A_58] : memref<128x16xf32, #tpu.memory_space<vmem>> -> memref<128x16xf32, #tpu.memory_space<vmem>>
      %dma_wait3A_60 = arith.constant 0 : i32
      %dma_wait3A_61 = tpu.memref_slice %arg6[%add3A_11, %dma_wait3A_60] : memref<10112x16xf32, #tpu.memory_space<vmem_shared>> -> memref<128x16xf32, #tpu.memory_space<vmem_shared>>
      %dma_wait3A_62 = arith.constant 0 : i32
      %dma_wait3A_63 = tpu.memref_slice %arg6[%add3A_11, %dma_wait3A_62] : memref<10112x16xf32, #tpu.memory_space<vmem_shared>> -> memref<128x16xf32, #tpu.memory_space<vmem_shared>>
      %dma_wait3A_64 = arith.constant 0 : i32
      %dma_wait3A_65 = arith.constant 0 : i32
      %dma_wait3A_66 = tpu.memref_slice %arg5[%dma_wait3A_64, %dma_wait3A_65] : memref<128x16xf32, #tpu.memory_space<vmem>> -> memref<128x16xf32, #tpu.memory_space<vmem>>
      tpu.wait_dma2 semaphore(%run_scoped3A : memref<!tpu.dma_semaphore, #tpu.memory_space<semaphore_mem>>) src(%dma_wait3A_66 : memref<128x16xf32, #tpu.memory_space<vmem>>) dst(%dma_wait3A_63 : memref<128x16xf32, #tpu.memory_space<vmem_shared>>)
      tpu.yield
    }) : () -> ()
    %mul3A_12 = arith.constant 632 : i32
    %mul3A_13 = arith.muli %arg1, %mul3A_12 : i32
    %add3A_14 = arith.constant 128 : i32
    %add3A_15 = arith.addi %mul3A_13, %add3A_14 : i32
    "tpu.region"() ({
      %run_scoped3A = tpu.sem_alloc : memref<!tpu.dma_semaphore, #tpu.memory_space<semaphore_mem>>
      %dma_start3A = arith.constant 0 : i32
      %dma_start3A_49 = arith.constant 0 : i32
      %dma_start3A_50 = tpu.memref_slice %arg5[%dma_start3A, %dma_start3A_49] : memref<128x16xf32, #tpu.memory_space<vmem>> -> memref<128x16xf32, #tpu.memory_space<vmem>>
      %dma_start3A_51 = arith.constant 0 : i32
      %dma_start3A_52 = tpu.memref_slice %arg6[%add3A_15, %dma_start3A_51] : memref<10112x16xf32, #tpu.memory_space<vmem_shared>> -> memref<128x16xf32, #tpu.memory_space<vmem_shared>>
      %dma_start3A_53 = arith.constant 0 : i32
      %dma_start3A_54 = tpu.memref_slice %arg6[%add3A_15, %dma_start3A_53] : memref<10112x16xf32, #tpu.memory_space<vmem_shared>> -> memref<128x16xf32, #tpu.memory_space<vmem_shared>>
      %dma_start3A_55 = arith.constant 0 : i32
      %dma_start3A_56 = arith.constant 0 : i32
      %dma_start3A_57 = tpu.memref_slice %arg5[%dma_start3A_55, %dma_start3A_56] : memref<128x16xf32, #tpu.memory_space<vmem>> -> memref<128x16xf32, #tpu.memory_space<vmem>>
      tpu.enqueue_dma source(%dma_start3A_57 : memref<128x16xf32, #tpu.memory_space<vmem>>) target(%dma_start3A_54 : memref<128x16xf32, #tpu.memory_space<vmem_shared>>) target_semaphore(%run_scoped3A : memref<!tpu.dma_semaphore, #tpu.memory_space<semaphore_mem>>)
      %dma_wait3A = arith.constant 0 : i32
      %dma_wait3A_58 = arith.constant 0 : i32
      %dma_wait3A_59 = tpu.memref_slice %arg5[%dma_wait3A, %dma_wait3A_58] : memref<128x16xf32, #tpu.memory_space<vmem>> -> memref<128x16xf32, #tpu.memory_space<vmem>>
      %dma_wait3A_60 = arith.constant 0 : i32
      %dma_wait3A_61 = tpu.memref_slice %arg6[%add3A_15, %dma_wait3A_60] : memref<10112x16xf32, #tpu.memory_space<vmem_shared>> -> memref<128x16xf32, #tpu.memory_space<vmem_shared>>
      %dma_wait3A_62 = arith.constant 0 : i32
      %dma_wait3A_63 = tpu.memref_slice %arg6[%add3A_15, %dma_wait3A_62] : memref<10112x16xf32, #tpu.memory_space<vmem_shared>> -> memref<128x16xf32, #tpu.memory_space<vmem_shared>>
      %dma_wait3A_64 = arith.constant 0 : i32
      %dma_wait3A_65 = arith.constant 0 : i32
      %dma_wait3A_66 = tpu.memref_slice %arg5[%dma_wait3A_64, %dma_wait3A_65] : memref<128x16xf32, #tpu.memory_space<vmem>> -> memref<128x16xf32, #tpu.memory_space<vmem>>
      tpu.wait_dma2 semaphore(%run_scoped3A : memref<!tpu.dma_semaphore, #tpu.memory_space<semaphore_mem>>) src(%dma_wait3A_66 : memref<128x16xf32, #tpu.memory_space<vmem>>) dst(%dma_wait3A_63 : memref<128x16xf32, #tpu.memory_space<vmem_shared>>)
      tpu.yield
    }) : () -> ()
    %mul3A_16 = arith.constant 632 : i32
    %mul3A_17 = arith.muli %arg1, %mul3A_16 : i32
    %add3A_18 = arith.constant 256 : i32
    %add3A_19 = arith.addi %mul3A_17, %add3A_18 : i32
    "tpu.region"() ({
      %run_scoped3A = tpu.sem_alloc : memref<!tpu.dma_semaphore, #tpu.memory_space<semaphore_mem>>
      %dma_start3A = arith.constant 0 : i32
      %dma_start3A_49 = arith.constant 0 : i32
      %dma_start3A_50 = tpu.memref_slice %arg5[%dma_start3A, %dma_start3A_49] : memref<128x16xf32, #tpu.memory_space<vmem>> -> memref<128x16xf32, #tpu.memory_space<vmem>>
      %dma_start3A_51 = arith.constant 0 : i32
      %dma_start3A_52 = tpu.memref_slice %arg6[%add3A_19, %dma_start3A_51] : memref<10112x16xf32, #tpu.memory_space<vmem_shared>> -> memref<128x16xf32, #tpu.memory_space<vmem_shared>>
      %dma_start3A_53 = arith.constant 0 : i32
      %dma_start3A_54 = tpu.memref_slice %arg6[%add3A_19, %dma_start3A_53] : memref<10112x16xf32, #tpu.memory_space<vmem_shared>> -> memref<128x16xf32, #tpu.memory_space<vmem_shared>>
      %dma_start3A_55 = arith.constant 0 : i32
      %dma_start3A_56 = arith.constant 0 : i32
      %dma_start3A_57 = tpu.memref_slice %arg5[%dma_start3A_55, %dma_start3A_56] : memref<128x16xf32, #tpu.memory_space<vmem>> -> memref<128x16xf32, #tpu.memory_space<vmem>>
      tpu.enqueue_dma source(%dma_start3A_57 : memref<128x16xf32, #tpu.memory_space<vmem>>) target(%dma_start3A_54 : memref<128x16xf32, #tpu.memory_space<vmem_shared>>) target_semaphore(%run_scoped3A : memref<!tpu.dma_semaphore, #tpu.memory_space<semaphore_mem>>)
      %dma_wait3A = arith.constant 0 : i32
      %dma_wait3A_58 = arith.constant 0 : i32
      %dma_wait3A_59 = tpu.memref_slice %arg5[%dma_wait3A, %dma_wait3A_58] : memref<128x16xf32, #tpu.memory_space<vmem>> -> memref<128x16xf32, #tpu.memory_space<vmem>>
      %dma_wait3A_60 = arith.constant 0 : i32
      %dma_wait3A_61 = tpu.memref_slice %arg6[%add3A_19, %dma_wait3A_60] : memref<10112x16xf32, #tpu.memory_space<vmem_shared>> -> memref<128x16xf32, #tpu.memory_space<vmem_shared>>
      %dma_wait3A_62 = arith.constant 0 : i32
      %dma_wait3A_63 = tpu.memref_slice %arg6[%add3A_19, %dma_wait3A_62] : memref<10112x16xf32, #tpu.memory_space<vmem_shared>> -> memref<128x16xf32, #tpu.memory_space<vmem_shared>>
      %dma_wait3A_64 = arith.constant 0 : i32
      %dma_wait3A_65 = arith.constant 0 : i32
      %dma_wait3A_66 = tpu.memref_slice %arg5[%dma_wait3A_64, %dma_wait3A_65] : memref<128x16xf32, #tpu.memory_space<vmem>> -> memref<128x16xf32, #tpu.memory_space<vmem>>
      tpu.wait_dma2 semaphore(%run_scoped3A : memref<!tpu.dma_semaphore, #tpu.memory_space<semaphore_mem>>) src(%dma_wait3A_66 : memref<128x16xf32, #tpu.memory_space<vmem>>) dst(%dma_wait3A_63 : memref<128x16xf32, #tpu.memory_space<vmem_shared>>)
      tpu.yield
    }) : () -> ()
    %mul3A_20 = arith.constant 632 : i32
    %mul3A_21 = arith.muli %arg1, %mul3A_20 : i32
    %add3A_22 = arith.constant 384 : i32
    %add3A_23 = arith.addi %mul3A_21, %add3A_22 : i32
    "tpu.region"() ({
      %run_scoped3A = tpu.sem_alloc : memref<!tpu.dma_semaphore, #tpu.memory_space<semaphore_mem>>
      %dma_start3A = arith.constant 0 : i32
      %dma_start3A_49 = arith.constant 0 : i32
      %dma_start3A_50 = tpu.memref_slice %arg5[%dma_start3A, %dma_start3A_49] : memref<128x16xf32, #tpu.memory_space<vmem>> -> memref<128x16xf32, #tpu.memory_space<vmem>>
      %dma_start3A_51 = arith.constant 0 : i32
      %dma_start3A_52 = tpu.memref_slice %arg6[%add3A_23, %dma_start3A_51] : memref<10112x16xf32, #tpu.memory_space<vmem_shared>> -> memref<128x16xf32, #tpu.memory_space<vmem_shared>>
      %dma_start3A_53 = arith.constant 0 : i32
      %dma_start3A_54 = tpu.memref_slice %arg6[%add3A_23, %dma_start3A_53] : memref<10112x16xf32, #tpu.memory_space<vmem_shared>> -> memref<128x16xf32, #tpu.memory_space<vmem_shared>>
      %dma_start3A_55 = arith.constant 0 : i32
      %dma_start3A_56 = arith.constant 0 : i32
      %dma_start3A_57 = tpu.memref_slice %arg5[%dma_start3A_55, %dma_start3A_56] : memref<128x16xf32, #tpu.memory_space<vmem>> -> memref<128x16xf32, #tpu.memory_space<vmem>>
      tpu.enqueue_dma source(%dma_start3A_57 : memref<128x16xf32, #tpu.memory_space<vmem>>) target(%dma_start3A_54 : memref<128x16xf32, #tpu.memory_space<vmem_shared>>) target_semaphore(%run_scoped3A : memref<!tpu.dma_semaphore, #tpu.memory_space<semaphore_mem>>)
      %dma_wait3A = arith.constant 0 : i32
      %dma_wait3A_58 = arith.constant 0 : i32
      %dma_wait3A_59 = tpu.memref_slice %arg5[%dma_wait3A, %dma_wait3A_58] : memref<128x16xf32, #tpu.memory_space<vmem>> -> memref<128x16xf32, #tpu.memory_space<vmem>>
      %dma_wait3A_60 = arith.constant 0 : i32
      %dma_wait3A_61 = tpu.memref_slice %arg6[%add3A_23, %dma_wait3A_60] : memref<10112x16xf32, #tpu.memory_space<vmem_shared>> -> memref<128x16xf32, #tpu.memory_space<vmem_shared>>
      %dma_wait3A_62 = arith.constant 0 : i32
      %dma_wait3A_63 = tpu.memref_slice %arg6[%add3A_23, %dma_wait3A_62] : memref<10112x16xf32, #tpu.memory_space<vmem_shared>> -> memref<128x16xf32, #tpu.memory_space<vmem_shared>>
      %dma_wait3A_64 = arith.constant 0 : i32
      %dma_wait3A_65 = arith.constant 0 : i32
      %dma_wait3A_66 = tpu.memref_slice %arg5[%dma_wait3A_64, %dma_wait3A_65] : memref<128x16xf32, #tpu.memory_space<vmem>> -> memref<128x16xf32, #tpu.memory_space<vmem>>
      tpu.wait_dma2 semaphore(%run_scoped3A : memref<!tpu.dma_semaphore, #tpu.memory_space<semaphore_mem>>) src(%dma_wait3A_66 : memref<128x16xf32, #tpu.memory_space<vmem>>) dst(%dma_wait3A_63 : memref<128x16xf32, #tpu.memory_space<vmem_shared>>)
      tpu.yield
    }) : () -> ()
    %mul3A_24 = arith.constant 632 : i32
    %mul3A_25 = arith.muli %arg1, %mul3A_24 : i32
    %add3A_26 = arith.constant 512 : i32
    %add3A_27 = arith.addi %mul3A_25, %add3A_26 : i32
    "tpu.region"() ({
      %run_scoped3A = tpu.sem_alloc : memref<!tpu.dma_semaphore, #tpu.memory_space<semaphore_mem>>
      %dma_start3A = arith.constant 0 : i32
      %dma_start3A_49 = arith.constant 0 : i32
      %dma_start3A_50 = tpu.memref_slice %arg5[%dma_start3A, %dma_start3A_49] : memref<128x16xf32, #tpu.memory_space<vmem>> -> memref<120x16xf32, #tpu.memory_space<vmem>>
      %dma_start3A_51 = arith.constant 0 : i32
      %dma_start3A_52 = tpu.memref_slice %arg6[%add3A_27, %dma_start3A_51] : memref<10112x16xf32, #tpu.memory_space<vmem_shared>> -> memref<120x16xf32, #tpu.memory_space<vmem_shared>>
      %dma_start3A_53 = arith.constant 0 : i32
      %dma_start3A_54 = tpu.memref_slice %arg6[%add3A_27, %dma_start3A_53] : memref<10112x16xf32, #tpu.memory_space<vmem_shared>> -> memref<120x16xf32, #tpu.memory_space<vmem_shared>>
      %dma_start3A_55 = arith.constant 0 : i32
      %dma_start3A_56 = arith.constant 0 : i32
      %dma_start3A_57 = tpu.memref_slice %arg5[%dma_start3A_55, %dma_start3A_56] : memref<128x16xf32, #tpu.memory_space<vmem>> -> memref<120x16xf32, #tpu.memory_space<vmem>>
      tpu.enqueue_dma source(%dma_start3A_57 : memref<120x16xf32, #tpu.memory_space<vmem>>) target(%dma_start3A_54 : memref<120x16xf32, #tpu.memory_space<vmem_shared>>) target_semaphore(%run_scoped3A : memref<!tpu.dma_semaphore, #tpu.memory_space<semaphore_mem>>)
      %dma_wait3A = arith.constant 0 : i32
      %dma_wait3A_58 = arith.constant 0 : i32
      %dma_wait3A_59 = tpu.memref_slice %arg5[%dma_wait3A, %dma_wait3A_58] : memref<128x16xf32, #tpu.memory_space<vmem>> -> memref<120x16xf32, #tpu.memory_space<vmem>>
      %dma_wait3A_60 = arith.constant 0 : i32
      %dma_wait3A_61 = tpu.memref_slice %arg6[%add3A_27, %dma_wait3A_60] : memref<10112x16xf32, #tpu.memory_space<vmem_shared>> -> memref<120x16xf32, #tpu.memory_space<vmem_shared>>
      %dma_wait3A_62 = arith.constant 0 : i32
      %dma_wait3A_63 = tpu.memref_slice %arg6[%add3A_27, %dma_wait3A_62] : memref<10112x16xf32, #tpu.memory_space<vmem_shared>> -> memref<120x16xf32, #tpu.memory_space<vmem_shared>>
      %dma_wait3A_64 = arith.constant 0 : i32
      %dma_wait3A_65 = arith.constant 0 : i32
      %dma_wait3A_66 = tpu.memref_slice %arg5[%dma_wait3A_64, %dma_wait3A_65] : memref<128x16xf32, #tpu.memory_space<vmem>> -> memref<120x16xf32, #tpu.memory_space<vmem>>
      tpu.wait_dma2 semaphore(%run_scoped3A : memref<!tpu.dma_semaphore, #tpu.memory_space<semaphore_mem>>) src(%dma_wait3A_66 : memref<120x16xf32, #tpu.memory_space<vmem>>) dst(%dma_wait3A_63 : memref<120x16xf32, #tpu.memory_space<vmem_shared>>)
      tpu.yield
    }) : () -> ()
    %broadcast_in_dim3A_28 = arith.constant 1.000000e+00 : f32
    %broadcast_in_dim3A_29 = vector.broadcast %broadcast_in_dim3A_28 : f32 to vector<16xf32>
    %scan3A_30 = arith.constant 0 : i32
    %scan3A_31 = arith.constant 0 : i32
    %scan3A_32 = arith.constant 128 : i32
    %scan3A_33 = arith.addi %scan3A_31, %scan3A_32 : i32
    %scan3A_34 = arith.constant 1 : i32
    %scan3A_35 = scf.for %scan3A_49 = %scan3A_31 to %scan3A_33 step %scan3A_34 iter_args(%scan3A_50 = %scan3A_30) -> (i32)  : i32 {
      %swap3A = arith.index_cast %scan3A_49 : i32 to index
      %swap3A_51 = arith.constant 0 : index
      %swap3A_52 = tpu.vector_load %arg5[%swap3A, %swap3A_51] {strides = array<i32>} : memref<128x16xf32, #tpu.memory_space<vmem>>, vector<1x16xf32>,
      %swap3A_53 = vector.shape_cast %swap3A_52 : vector<1x16xf32> to vector<16xf32>
      %swap3A_54 = vector.shape_cast %broadcast_in_dim3A_29 : vector<16xf32> to vector<1x16xf32>
      tpu.vector_store %arg5[%swap3A, %swap3A_51], %swap3A_54 {strides = array<i32>} : memref<128x16xf32, #tpu.memory_space<vmem>>, vector<1x16xf32>,
      %scan3A_55 = arith.constant 0 : i32
      scf.yield %scan3A_55 : i32
    }
    %scan3A_36 = arith.constant 128 : i32
    %barrier3A = arith.constant 0 : index
    tpu.barrier barrier_id(%barrier3A)
    "tpu.region"() ({
      %run_scoped3A = tpu.sem_alloc : memref<!tpu.dma_semaphore, #tpu.memory_space<semaphore_mem>>
      %dma_start3A = arith.constant 0 : i32
      %dma_start3A_49 = arith.constant 0 : i32
      %dma_start3A_50 = tpu.memref_slice %arg2[%add3A, %dma_start3A, %dma_start3A_49] : memref<32x80x128xi32, #tpu.memory_space<hbm>> -> memref<1x80x128xi32, #tpu.memory_space<hbm>>
      %dma_start3A_51 = tpu.memref_squeeze %dma_start3A_50 : memref<1x80x128xi32, #tpu.memory_space<hbm>> -> memref<80x128xi32, #tpu.memory_space<hbm>>
      %dma_start3A_52 = arith.constant 0 : i32
      %dma_start3A_53 = arith.constant 0 : i32
      %dma_start3A_54 = tpu.memref_slice %arg2[%add3A, %dma_start3A_52, %dma_start3A_53] : memref<32x80x128xi32, #tpu.memory_space<hbm>> -> memref<1x80x128xi32, #tpu.memory_space<hbm>>
      %dma_start3A_55 = tpu.memref_squeeze %dma_start3A_54 : memref<1x80x128xi32, #tpu.memory_space<hbm>> -> memref<80x128xi32, #tpu.memory_space<hbm>>
      tpu.enqueue_dma source(%dma_start3A_55 : memref<80x128xi32, #tpu.memory_space<hbm>>) target(%arg4 : memref<80x128xi32, #tpu.memory_space<vmem>>) target_semaphore(%run_scoped3A : memref<!tpu.dma_semaphore, #tpu.memory_space<semaphore_mem>>)
      %dma_wait3A = arith.constant 0 : i32
      %dma_wait3A_56 = arith.constant 0 : i32
      %dma_wait3A_57 = tpu.memref_slice %arg2[%add3A, %dma_wait3A, %dma_wait3A_56] : memref<32x80x128xi32, #tpu.memory_space<hbm>> -> memref<1x80x128xi32, #tpu.memory_space<hbm>>
      %dma_wait3A_58 = tpu.memref_squeeze %dma_wait3A_57 : memref<1x80x128xi32, #tpu.memory_space<hbm>> -> memref<80x128xi32, #tpu.memory_space<hbm>>
      %dma_wait3A_59 = arith.constant 0 : i32
      %dma_wait3A_60 = arith.constant 0 : i32
      %dma_wait3A_61 = tpu.memref_slice %arg2[%add3A, %dma_wait3A_59, %dma_wait3A_60] : memref<32x80x128xi32, #tpu.memory_space<hbm>> -> memref<1x80x128xi32, #tpu.memory_space<hbm>>
      %dma_wait3A_62 = tpu.memref_squeeze %dma_wait3A_61 : memref<1x80x128xi32, #tpu.memory_space<hbm>> -> memref<80x128xi32, #tpu.memory_space<hbm>>
      tpu.wait_dma2 semaphore(%run_scoped3A : memref<!tpu.dma_semaphore, #tpu.memory_space<semaphore_mem>>) src(%dma_wait3A_62 : memref<80x128xi32, #tpu.memory_space<hbm>>) dst(%arg4 : memref<80x128xi32, #tpu.memory_space<vmem>>)
      tpu.yield
    }) : () -> ()
    %scan3A_37 = arith.constant 0 : i32
    %scan3A_38 = arith.constant 0 : i32
    %scan3A_39 = arith.constant 80 : i32
    %scan3A_40 = arith.addi %scan3A_38, %scan3A_39 : i32
    %scan3A_41 = arith.constant 1 : i32
    %scan3A_42 = scf.for %scan3A_49 = %scan3A_38 to %scan3A_40 step %scan3A_41 iter_args(%scan3A_50 = %scan3A_37) -> (i32)  : i32 {
      "tpu.region"() ({
        %run_scoped3A = tpu.sem_alloc : memref<!tpu.dma_semaphore, #tpu.memory_space<semaphore_mem>>
        %dma_start3A = arith.constant 0 : i32
        %dma_start3A_52 = tpu.memref_slice %arg4[%scan3A_49, %dma_start3A] : memref<80x128xi32, #tpu.memory_space<vmem>> -> memref<1x128xi32, #tpu.memory_space<vmem>>
        %dma_start3A_53 = tpu.memref_squeeze %dma_start3A_52 : memref<1x128xi32, #tpu.memory_space<vmem>> -> memref<128xi32, #tpu.memory_space<vmem>>
        %dma_start3A_54 = arith.constant 0 : i32
        %dma_start3A_55 = arith.constant 0 : i32
        %dma_start3A_56 = tpu.memref_slice %arg6[%dma_start3A_54, %dma_start3A_55] : memref<10112x16xf32, #tpu.memory_space<vmem_shared>> -> memref<10112x16xf32, #tpu.memory_space<vmem_shared>>
        tpu.enqueue_indirect_dma source(%arg5 : memref<128x16xf32, #tpu.memory_space<vmem>>) target(%dma_start3A_56 : memref<10112x16xf32, #tpu.memory_space<vmem_shared>>) offsets(%dma_start3A_53 : memref<128xi32, #tpu.memory_space<vmem>>) semaphore(%run_scoped3A : memref<!tpu.dma_semaphore, #tpu.memory_space<semaphore_mem>>) {add = true}
        %dma_wait3A = arith.constant 0 : i32
        %dma_wait3A_57 = tpu.memref_slice %arg4[%scan3A_49, %dma_wait3A] : memref<80x128xi32, #tpu.memory_space<vmem>> -> memref<1x128xi32, #tpu.memory_space<vmem>>
        %dma_wait3A_58 = tpu.memref_squeeze %dma_wait3A_57 : memref<1x128xi32, #tpu.memory_space<vmem>> -> memref<128xi32, #tpu.memory_space<vmem>>
        %dma_wait3A_59 = arith.constant 0 : i32
        %dma_wait3A_60 = arith.constant 0 : i32
        %dma_wait3A_61 = tpu.memref_slice %arg6[%dma_wait3A_59, %dma_wait3A_60] : memref<10112x16xf32, #tpu.memory_space<vmem_shared>> -> memref<10112x16xf32, #tpu.memory_space<vmem_shared>>
        tpu.wait_indirect_dma semaphore(%run_scoped3A : memref<!tpu.dma_semaphore, #tpu.memory_space<semaphore_mem>>) src(%arg5 : memref<128x16xf32, #tpu.memory_space<vmem>>) dst(%dma_wait3A_61 : memref<10112x16xf32, #tpu.memory_space<vmem_shared>>)
        tpu.yield
      }) : () -> ()
      %scan3A_51 = arith.constant 0 : i32
      scf.yield %scan3A_51 : i32
    }
    %scan3A_43 = arith.constant 80 : i32
    %barrier3A_44 = arith.constant 0 : index
    tpu.barrier barrier_id(%barrier3A_44)
    %mul3A_45 = arith.constant 632 : i32
    %mul3A_46 = arith.muli %arg1, %mul3A_45 : i32
    %mul3A_47 = arith.constant 632 : i32
    %mul3A_48 = arith.muli %arg1, %mul3A_47 : i32
    "tpu.region"() ({
      %run_scoped3A = tpu.sem_alloc : memref<!tpu.dma_semaphore, #tpu.memory_space<semaphore_mem>>
      %dma_start3A = arith.constant 0 : i32
      %dma_start3A_49 = arith.constant 0 : i32
      %dma_start3A_50 = tpu.memref_slice %arg3[%arg0, %dma_start3A, %dma_start3A_49] : memref<2x10112x16xf32, #tpu.memory_space<hbm>> -> memref<1x10112x16xf32, #tpu.memory_space<hbm>>
      %dma_start3A_51 = tpu.memref_squeeze %dma_start3A_50 : memref<1x10112x16xf32, #tpu.memory_space<hbm>> -> memref<10112x16xf32, #tpu.memory_space<hbm>>
      %dma_start3A_52 = arith.constant 0 : i32
      %dma_start3A_53 = tpu.memref_slice %dma_start3A_51[%mul3A_48, %dma_start3A_52] : memref<10112x16xf32, #tpu.memory_space<hbm>> -> memref<632x16xf32, #tpu.memory_space<hbm>>
      %dma_start3A_54 = arith.constant 0 : i32
      %dma_start3A_55 = tpu.memref_slice %arg6[%mul3A_46, %dma_start3A_54] : memref<10112x16xf32, #tpu.memory_space<vmem_shared>> -> memref<632x16xf32, #tpu.memory_space<vmem_shared>>
      tpu.enqueue_dma source(%dma_start3A_55 : memref<632x16xf32, #tpu.memory_space<vmem_shared>>) target(%dma_start3A_53 : memref<632x16xf32, #tpu.memory_space<hbm>>) target_semaphore(%run_scoped3A : memref<!tpu.dma_semaphore, #tpu.memory_space<semaphore_mem>>)
      %dma_wait3A = arith.constant 0 : i32
      %dma_wait3A_56 = arith.constant 0 : i32
      %dma_wait3A_57 = tpu.memref_slice %arg3[%arg0, %dma_wait3A, %dma_wait3A_56] : memref<2x10112x16xf32, #tpu.memory_space<hbm>> -> memref<1x10112x16xf32, #tpu.memory_space<hbm>>
      %dma_wait3A_58 = tpu.memref_squeeze %dma_wait3A_57 : memref<1x10112x16xf32, #tpu.memory_space<hbm>> -> memref<10112x16xf32, #tpu.memory_space<hbm>>
      %dma_wait3A_59 = arith.constant 0 : i32
      %dma_wait3A_60 = tpu.memref_slice %dma_wait3A_58[%mul3A_48, %dma_wait3A_59] : memref<10112x16xf32, #tpu.memory_space<hbm>> -> memref<632x16xf32, #tpu.memory_space<hbm>>
      %dma_wait3A_61 = arith.constant 0 : i32
      %dma_wait3A_62 = tpu.memref_slice %arg6[%mul3A_46, %dma_wait3A_61] : memref<10112x16xf32, #tpu.memory_space<vmem_shared>> -> memref<632x16xf32, #tpu.memory_space<vmem_shared>>
      tpu.wait_dma2 semaphore(%run_scoped3A : memref<!tpu.dma_semaphore, #tpu.memory_space<semaphore_mem>>) src(%dma_wait3A_62 : memref<632x16xf32, #tpu.memory_space<vmem_shared>>) dst(%dma_wait3A_60 : memref<632x16xf32, #tpu.memory_space<hbm>>)
      tpu.yield
    }) : () -> ()
    return
  }
}

#map = affine_map<(d0, d1) -> (0, 0)>
#map1 = affine_map<(d0, d1) -> (0)>
#map2 = affine_map<(d0, d1) -> (0, 0, 0)>
module attributes {stable_mosaic.version = 14 : i64} {
  func.func @_sc_agg_body(%arg0: i32, %arg1: i32, %arg2: memref<10112x128xf32, #tpu.memory_space<hbm>>, %arg3: memref<327680xi32, #tpu.memory_space<hbm>>, %arg4: memref<327680xi32, #tpu.memory_space<hbm>>, %arg5: memref<2x10112x128xf32, #tpu.memory_space<hbm>>, %arg6: memref<1280xi32, #tpu.memory_space<vmem>>, %arg7: memref<1280xi32, #tpu.memory_space<vmem>>, %arg8: memref<320x128xf32, #tpu.memory_space<vmem>>, %arg9: memref<10112x128xf32, #tpu.memory_space<vmem_shared>>, %arg10: memref<!tpu.dma_semaphore, #tpu.memory_space<semaphore_mem>>) attributes {dimension_semantics = [#tpu.dimension_semantics<core_parallel>, #tpu.dimension_semantics<subcore_parallel>], iteration_bounds = array<i64: 2, 16>, scalar_prefetch = 0 : i64, scratch_operands = 5 : i64, tpu.core_type = #tpu.core_type<sc_vector_subcore>, window_params = [{transform_indices = #map}, {transform_indices = #map1}, {transform_indices = #map1}, {transform_indices = #map2}]} {
    %mul3A = arith.constant 16 : i32
    %mul3A_0 = arith.muli %arg0, %mul3A : i32
    %add3A = arith.addi %mul3A_0, %arg1 : i32
    %broadcast_in_dim3A = arith.constant 0.000000e+00 : f32
    %broadcast_in_dim3A_1 = vector.broadcast %broadcast_in_dim3A : f32 to vector<16xf32>
    %scan3A = arith.constant 0 : i32
    %scan3A_2 = arith.constant 0 : i32
    %scan3A_3 = arith.constant 1024 : i32
    %scan3A_4 = arith.addi %scan3A_2, %scan3A_3 : i32
    %scan3A_5 = arith.constant 1 : i32
    %scan3A_6 = scf.for %scan3A_137 = %scan3A_2 to %scan3A_4 step %scan3A_5 iter_args(%scan3A_138 = %scan3A) -> (i32)  : i32 {
      %jit3A = arith.constant 8 : i32
      %div3A = arith.divsi %scan3A_137, %jit3A : i32
      %sign3A = arith.constant 0 : i32
      %sign3A_139 = arith.cmpi sgt, %scan3A_137, %sign3A : i32
      %sign3A_140 = arith.extui %sign3A_139 : i1 to i32
      %sign3A_141 = arith.constant 0 : i32
      %sign3A_142 = arith.cmpi slt, %scan3A_137, %sign3A_141 : i32
      %sign3A_143 = arith.extui %sign3A_142 : i1 to i32
      %sign3A_144 = arith.subi %sign3A_140, %sign3A_143 : i32
      %sign3A_145 = arith.constant 0 : i32
      %sign3A_146 = arith.cmpi sgt, %jit3A, %sign3A_145 : i32
      %sign3A_147 = arith.extui %sign3A_146 : i1 to i32
      %sign3A_148 = arith.constant 0 : i32
      %sign3A_149 = arith.cmpi slt, %jit3A, %sign3A_148 : i32
      %sign3A_150 = arith.extui %sign3A_149 : i1 to i32
      %sign3A_151 = arith.subi %sign3A_147, %sign3A_150 : i32
      %ne3A = arith.cmpi ne, %sign3A_144, %sign3A_151 : i32
      %rem3A = arith.remsi %scan3A_137, %jit3A : i32
      %ne3A_152 = arith.constant 0 : i32
      %ne3A_153 = arith.cmpi ne, %rem3A, %ne3A_152 : i32
      %and3A = arith.andi %ne3A, %ne3A_153 : i1
      %sub3A = arith.constant 1 : i32
      %sub3A_154 = arith.subi %div3A, %sub3A : i32
      %select_n3A = arith.select %and3A, %sub3A_154, %div3A : i32
      %jit3A_155 = arith.constant 8 : i32
      %eq3A = arith.constant 0 : i32
      %eq3A_156 = arith.cmpi eq, %jit3A_155, %eq3A : i32
      %jit3A_157 = arith.constant 1 : i32
      %select_n3A_158 = arith.select %eq3A_156, %jit3A_157, %jit3A_155 : i32
      %rem3A_159 = arith.remsi %scan3A_137, %select_n3A_158 : i32
      %ne3A_160 = arith.constant 0 : i32
      %ne3A_161 = arith.cmpi ne, %rem3A_159, %ne3A_160 : i32
      %lt3A = arith.constant 0 : i32
      %lt3A_162 = arith.cmpi slt, %rem3A_159, %lt3A : i32
      %lt3A_163 = arith.constant 0 : i32
      %lt3A_164 = arith.cmpi slt, %select_n3A_158, %lt3A_163 : i32
      %ne3A_165 = arith.xori %lt3A_162, %lt3A_164 : i1
      %and3A_166 = arith.andi %ne3A_165, %ne3A_161 : i1
      %add3A_167 = arith.addi %rem3A_159, %select_n3A_158 : i32
      %select_n3A_168 = arith.select %and3A_166, %add3A_167, %rem3A_159 : i32
      %mul3A_169 = arith.constant 16 : i32
      %mul3A_170 = arith.muli %select_n3A_168, %mul3A_169 : i32
      %swap3A = arith.index_cast %select_n3A : i32 to index
      %swap3A_171 = arith.index_cast %mul3A_170 : i32 to index
      %swap3A_172 = tpu.vector_load %arg8[%swap3A, %swap3A_171] {strides = array<i32>} : memref<320x128xf32, #tpu.memory_space<vmem>>, vector<1x16xf32>,
      %swap3A_173 = vector.shape_cast %swap3A_172 : vector<1x16xf32> to vector<16xf32>
      %swap3A_174 = vector.shape_cast %broadcast_in_dim3A_1 : vector<16xf32> to vector<1x16xf32>
      tpu.vector_store %arg8[%swap3A, %swap3A_171], %swap3A_174 {strides = array<i32>} : memref<320x128xf32, #tpu.memory_space<vmem>>, vector<1x16xf32>,
      %scan3A_175 = arith.constant 0 : i32
      scf.yield %scan3A_175 : i32
    }
    %scan3A_7 = arith.constant 1024 : i32
    %mul3A_8 = arith.constant 632 : i32
    %mul3A_9 = arith.muli %arg1, %mul3A_8 : i32
    %add3A_10 = arith.constant 0 : i32
    %add3A_11 = arith.addi %mul3A_9, %add3A_10 : i32
    "tpu.region"() ({
      %run_scoped3A = tpu.sem_alloc : memref<!tpu.dma_semaphore, #tpu.memory_space<semaphore_mem>>
      %dma_start3A = arith.constant 0 : i32
      %dma_start3A_137 = arith.constant 0 : i32
      %dma_start3A_138 = tpu.memref_slice %arg8[%dma_start3A, %dma_start3A_137] : memref<320x128xf32, #tpu.memory_space<vmem>> -> memref<128x128xf32, #tpu.memory_space<vmem>>
      %dma_start3A_139 = arith.constant 0 : i32
      %dma_start3A_140 = tpu.memref_slice %arg9[%add3A_11, %dma_start3A_139] : memref<10112x128xf32, #tpu.memory_space<vmem_shared>> -> memref<128x128xf32, #tpu.memory_space<vmem_shared>>
      %dma_start3A_141 = arith.constant 0 : i32
      %dma_start3A_142 = tpu.memref_slice %arg9[%add3A_11, %dma_start3A_141] : memref<10112x128xf32, #tpu.memory_space<vmem_shared>> -> memref<128x128xf32, #tpu.memory_space<vmem_shared>>
      %dma_start3A_143 = arith.constant 0 : i32
      %dma_start3A_144 = arith.constant 0 : i32
      %dma_start3A_145 = tpu.memref_slice %arg8[%dma_start3A_143, %dma_start3A_144] : memref<320x128xf32, #tpu.memory_space<vmem>> -> memref<128x128xf32, #tpu.memory_space<vmem>>
      tpu.enqueue_dma source(%dma_start3A_145 : memref<128x128xf32, #tpu.memory_space<vmem>>) target(%dma_start3A_142 : memref<128x128xf32, #tpu.memory_space<vmem_shared>>) target_semaphore(%run_scoped3A : memref<!tpu.dma_semaphore, #tpu.memory_space<semaphore_mem>>)
      %dma_wait3A = arith.constant 0 : i32
      %dma_wait3A_146 = arith.constant 0 : i32
      %dma_wait3A_147 = tpu.memref_slice %arg8[%dma_wait3A, %dma_wait3A_146] : memref<320x128xf32, #tpu.memory_space<vmem>> -> memref<128x128xf32, #tpu.memory_space<vmem>>
      %dma_wait3A_148 = arith.constant 0 : i32
      %dma_wait3A_149 = tpu.memref_slice %arg9[%add3A_11, %dma_wait3A_148] : memref<10112x128xf32, #tpu.memory_space<vmem_shared>> -> memref<128x128xf32, #tpu.memory_space<vmem_shared>>
      %dma_wait3A_150 = arith.constant 0 : i32
      %dma_wait3A_151 = tpu.memref_slice %arg9[%add3A_11, %dma_wait3A_150] : memref<10112x128xf32, #tpu.memory_space<vmem_shared>> -> memref<128x128xf32, #tpu.memory_space<vmem_shared>>
      %dma_wait3A_152 = arith.constant 0 : i32
      %dma_wait3A_153 = arith.constant 0 : i32
      %dma_wait3A_154 = tpu.memref_slice %arg8[%dma_wait3A_152, %dma_wait3A_153] : memref<320x128xf32, #tpu.memory_space<vmem>> -> memref<128x128xf32, #tpu.memory_space<vmem>>
      tpu.wait_dma2 semaphore(%run_scoped3A : memref<!tpu.dma_semaphore, #tpu.memory_space<semaphore_mem>>) src(%dma_wait3A_154 : memref<128x128xf32, #tpu.memory_space<vmem>>) dst(%dma_wait3A_151 : memref<128x128xf32, #tpu.memory_space<vmem_shared>>)
      tpu.yield
    }) : () -> ()
    %mul3A_12 = arith.constant 632 : i32
    %mul3A_13 = arith.muli %arg1, %mul3A_12 : i32
    %add3A_14 = arith.constant 128 : i32
    %add3A_15 = arith.addi %mul3A_13, %add3A_14 : i32
    "tpu.region"() ({
      %run_scoped3A = tpu.sem_alloc : memref<!tpu.dma_semaphore, #tpu.memory_space<semaphore_mem>>
      %dma_start3A = arith.constant 0 : i32
      %dma_start3A_137 = arith.constant 0 : i32
      %dma_start3A_138 = tpu.memref_slice %arg8[%dma_start3A, %dma_start3A_137] : memref<320x128xf32, #tpu.memory_space<vmem>> -> memref<128x128xf32, #tpu.memory_space<vmem>>
      %dma_start3A_139 = arith.constant 0 : i32
      %dma_start3A_140 = tpu.memref_slice %arg9[%add3A_15, %dma_start3A_139] : memref<10112x128xf32, #tpu.memory_space<vmem_shared>> -> memref<128x128xf32, #tpu.memory_space<vmem_shared>>
      %dma_start3A_141 = arith.constant 0 : i32
      %dma_start3A_142 = tpu.memref_slice %arg9[%add3A_15, %dma_start3A_141] : memref<10112x128xf32, #tpu.memory_space<vmem_shared>> -> memref<128x128xf32, #tpu.memory_space<vmem_shared>>
      %dma_start3A_143 = arith.constant 0 : i32
      %dma_start3A_144 = arith.constant 0 : i32
      %dma_start3A_145 = tpu.memref_slice %arg8[%dma_start3A_143, %dma_start3A_144] : memref<320x128xf32, #tpu.memory_space<vmem>> -> memref<128x128xf32, #tpu.memory_space<vmem>>
      tpu.enqueue_dma source(%dma_start3A_145 : memref<128x128xf32, #tpu.memory_space<vmem>>) target(%dma_start3A_142 : memref<128x128xf32, #tpu.memory_space<vmem_shared>>) target_semaphore(%run_scoped3A : memref<!tpu.dma_semaphore, #tpu.memory_space<semaphore_mem>>)
      %dma_wait3A = arith.constant 0 : i32
      %dma_wait3A_146 = arith.constant 0 : i32
      %dma_wait3A_147 = tpu.memref_slice %arg8[%dma_wait3A, %dma_wait3A_146] : memref<320x128xf32, #tpu.memory_space<vmem>> -> memref<128x128xf32, #tpu.memory_space<vmem>>
      %dma_wait3A_148 = arith.constant 0 : i32
      %dma_wait3A_149 = tpu.memref_slice %arg9[%add3A_15, %dma_wait3A_148] : memref<10112x128xf32, #tpu.memory_space<vmem_shared>> -> memref<128x128xf32, #tpu.memory_space<vmem_shared>>
      %dma_wait3A_150 = arith.constant 0 : i32
      %dma_wait3A_151 = tpu.memref_slice %arg9[%add3A_15, %dma_wait3A_150] : memref<10112x128xf32, #tpu.memory_space<vmem_shared>> -> memref<128x128xf32, #tpu.memory_space<vmem_shared>>
      %dma_wait3A_152 = arith.constant 0 : i32
      %dma_wait3A_153 = arith.constant 0 : i32
      %dma_wait3A_154 = tpu.memref_slice %arg8[%dma_wait3A_152, %dma_wait3A_153] : memref<320x128xf32, #tpu.memory_space<vmem>> -> memref<128x128xf32, #tpu.memory_space<vmem>>
      tpu.wait_dma2 semaphore(%run_scoped3A : memref<!tpu.dma_semaphore, #tpu.memory_space<semaphore_mem>>) src(%dma_wait3A_154 : memref<128x128xf32, #tpu.memory_space<vmem>>) dst(%dma_wait3A_151 : memref<128x128xf32, #tpu.memory_space<vmem_shared>>)
      tpu.yield
    }) : () -> ()
    %mul3A_16 = arith.constant 632 : i32
    %mul3A_17 = arith.muli %arg1, %mul3A_16 : i32
    %add3A_18 = arith.constant 256 : i32
    %add3A_19 = arith.addi %mul3A_17, %add3A_18 : i32
    "tpu.region"() ({
      %run_scoped3A = tpu.sem_alloc : memref<!tpu.dma_semaphore, #tpu.memory_space<semaphore_mem>>
      %dma_start3A = arith.constant 0 : i32
      %dma_start3A_137 = arith.constant 0 : i32
      %dma_start3A_138 = tpu.memref_slice %arg8[%dma_start3A, %dma_start3A_137] : memref<320x128xf32, #tpu.memory_space<vmem>> -> memref<128x128xf32, #tpu.memory_space<vmem>>
      %dma_start3A_139 = arith.constant 0 : i32
      %dma_start3A_140 = tpu.memref_slice %arg9[%add3A_19, %dma_start3A_139] : memref<10112x128xf32, #tpu.memory_space<vmem_shared>> -> memref<128x128xf32, #tpu.memory_space<vmem_shared>>
      %dma_start3A_141 = arith.constant 0 : i32
      %dma_start3A_142 = tpu.memref_slice %arg9[%add3A_19, %dma_start3A_141] : memref<10112x128xf32, #tpu.memory_space<vmem_shared>> -> memref<128x128xf32, #tpu.memory_space<vmem_shared>>
      %dma_start3A_143 = arith.constant 0 : i32
      %dma_start3A_144 = arith.constant 0 : i32
      %dma_start3A_145 = tpu.memref_slice %arg8[%dma_start3A_143, %dma_start3A_144] : memref<320x128xf32, #tpu.memory_space<vmem>> -> memref<128x128xf32, #tpu.memory_space<vmem>>
      tpu.enqueue_dma source(%dma_start3A_145 : memref<128x128xf32, #tpu.memory_space<vmem>>) target(%dma_start3A_142 : memref<128x128xf32, #tpu.memory_space<vmem_shared>>) target_semaphore(%run_scoped3A : memref<!tpu.dma_semaphore, #tpu.memory_space<semaphore_mem>>)
      %dma_wait3A = arith.constant 0 : i32
      %dma_wait3A_146 = arith.constant 0 : i32
      %dma_wait3A_147 = tpu.memref_slice %arg8[%dma_wait3A, %dma_wait3A_146] : memref<320x128xf32, #tpu.memory_space<vmem>> -> memref<128x128xf32, #tpu.memory_space<vmem>>
      %dma_wait3A_148 = arith.constant 0 : i32
      %dma_wait3A_149 = tpu.memref_slice %arg9[%add3A_19, %dma_wait3A_148] : memref<10112x128xf32, #tpu.memory_space<vmem_shared>> -> memref<128x128xf32, #tpu.memory_space<vmem_shared>>
      %dma_wait3A_150 = arith.constant 0 : i32
      %dma_wait3A_151 = tpu.memref_slice %arg9[%add3A_19, %dma_wait3A_150] : memref<10112x128xf32, #tpu.memory_space<vmem_shared>> -> memref<128x128xf32, #tpu.memory_space<vmem_shared>>
      %dma_wait3A_152 = arith.constant 0 : i32
      %dma_wait3A_153 = arith.constant 0 : i32
      %dma_wait3A_154 = tpu.memref_slice %arg8[%dma_wait3A_152, %dma_wait3A_153] : memref<320x128xf32, #tpu.memory_space<vmem>> -> memref<128x128xf32, #tpu.memory_space<vmem>>
      tpu.wait_dma2 semaphore(%run_scoped3A : memref<!tpu.dma_semaphore, #tpu.memory_space<semaphore_mem>>) src(%dma_wait3A_154 : memref<128x128xf32, #tpu.memory_space<vmem>>) dst(%dma_wait3A_151 : memref<128x128xf32, #tpu.memory_space<vmem_shared>>)
      tpu.yield
    }) : () -> ()
    %mul3A_20 = arith.constant 632 : i32
    %mul3A_21 = arith.muli %arg1, %mul3A_20 : i32
    %add3A_22 = arith.constant 384 : i32
    %add3A_23 = arith.addi %mul3A_21, %add3A_22 : i32
    "tpu.region"() ({
      %run_scoped3A = tpu.sem_alloc : memref<!tpu.dma_semaphore, #tpu.memory_space<semaphore_mem>>
      %dma_start3A = arith.constant 0 : i32
      %dma_start3A_137 = arith.constant 0 : i32
      %dma_start3A_138 = tpu.memref_slice %arg8[%dma_start3A, %dma_start3A_137] : memref<320x128xf32, #tpu.memory_space<vmem>> -> memref<128x128xf32, #tpu.memory_space<vmem>>
      %dma_start3A_139 = arith.constant 0 : i32
      %dma_start3A_140 = tpu.memref_slice %arg9[%add3A_23, %dma_start3A_139] : memref<10112x128xf32, #tpu.memory_space<vmem_shared>> -> memref<128x128xf32, #tpu.memory_space<vmem_shared>>
      %dma_start3A_141 = arith.constant 0 : i32
      %dma_start3A_142 = tpu.memref_slice %arg9[%add3A_23, %dma_start3A_141] : memref<10112x128xf32, #tpu.memory_space<vmem_shared>> -> memref<128x128xf32, #tpu.memory_space<vmem_shared>>
      %dma_start3A_143 = arith.constant 0 : i32
      %dma_start3A_144 = arith.constant 0 : i32
      %dma_start3A_145 = tpu.memref_slice %arg8[%dma_start3A_143, %dma_start3A_144] : memref<320x128xf32, #tpu.memory_space<vmem>> -> memref<128x128xf32, #tpu.memory_space<vmem>>
      tpu.enqueue_dma source(%dma_start3A_145 : memref<128x128xf32, #tpu.memory_space<vmem>>) target(%dma_start3A_142 : memref<128x128xf32, #tpu.memory_space<vmem_shared>>) target_semaphore(%run_scoped3A : memref<!tpu.dma_semaphore, #tpu.memory_space<semaphore_mem>>)
      %dma_wait3A = arith.constant 0 : i32
      %dma_wait3A_146 = arith.constant 0 : i32
      %dma_wait3A_147 = tpu.memref_slice %arg8[%dma_wait3A, %dma_wait3A_146] : memref<320x128xf32, #tpu.memory_space<vmem>> -> memref<128x128xf32, #tpu.memory_space<vmem>>
      %dma_wait3A_148 = arith.constant 0 : i32
      %dma_wait3A_149 = tpu.memref_slice %arg9[%add3A_23, %dma_wait3A_148] : memref<10112x128xf32, #tpu.memory_space<vmem_shared>> -> memref<128x128xf32, #tpu.memory_space<vmem_shared>>
      %dma_wait3A_150 = arith.constant 0 : i32
      %dma_wait3A_151 = tpu.memref_slice %arg9[%add3A_23, %dma_wait3A_150] : memref<10112x128xf32, #tpu.memory_space<vmem_shared>> -> memref<128x128xf32, #tpu.memory_space<vmem_shared>>
      %dma_wait3A_152 = arith.constant 0 : i32
      %dma_wait3A_153 = arith.constant 0 : i32
      %dma_wait3A_154 = tpu.memref_slice %arg8[%dma_wait3A_152, %dma_wait3A_153] : memref<320x128xf32, #tpu.memory_space<vmem>> -> memref<128x128xf32, #tpu.memory_space<vmem>>
      tpu.wait_dma2 semaphore(%run_scoped3A : memref<!tpu.dma_semaphore, #tpu.memory_space<semaphore_mem>>) src(%dma_wait3A_154 : memref<128x128xf32, #tpu.memory_space<vmem>>) dst(%dma_wait3A_151 : memref<128x128xf32, #tpu.memory_space<vmem_shared>>)
      tpu.yield
    }) : () -> ()
    %mul3A_24 = arith.constant 632 : i32
    %mul3A_25 = arith.muli %arg1, %mul3A_24 : i32
    %add3A_26 = arith.constant 512 : i32
    %add3A_27 = arith.addi %mul3A_25, %add3A_26 : i32
    "tpu.region"() ({
      %run_scoped3A = tpu.sem_alloc : memref<!tpu.dma_semaphore, #tpu.memory_space<semaphore_mem>>
      %dma_start3A = arith.constant 0 : i32
      %dma_start3A_137 = arith.constant 0 : i32
      %dma_start3A_138 = tpu.memref_slice %arg8[%dma_start3A, %dma_start3A_137] : memref<320x128xf32, #tpu.memory_space<vmem>> -> memref<120x128xf32, #tpu.memory_space<vmem>>
      %dma_start3A_139 = arith.constant 0 : i32
      %dma_start3A_140 = tpu.memref_slice %arg9[%add3A_27, %dma_start3A_139] : memref<10112x128xf32, #tpu.memory_space<vmem_shared>> -> memref<120x128xf32, #tpu.memory_space<vmem_shared>>
      %dma_start3A_141 = arith.constant 0 : i32
      %dma_start3A_142 = tpu.memref_slice %arg9[%add3A_27, %dma_start3A_141] : memref<10112x128xf32, #tpu.memory_space<vmem_shared>> -> memref<120x128xf32, #tpu.memory_space<vmem_shared>>
      %dma_start3A_143 = arith.constant 0 : i32
      %dma_start3A_144 = arith.constant 0 : i32
      %dma_start3A_145 = tpu.memref_slice %arg8[%dma_start3A_143, %dma_start3A_144] : memref<320x128xf32, #tpu.memory_space<vmem>> -> memref<120x128xf32, #tpu.memory_space<vmem>>
      tpu.enqueue_dma source(%dma_start3A_145 : memref<120x128xf32, #tpu.memory_space<vmem>>) target(%dma_start3A_142 : memref<120x128xf32, #tpu.memory_space<vmem_shared>>) target_semaphore(%run_scoped3A : memref<!tpu.dma_semaphore, #tpu.memory_space<semaphore_mem>>)
      %dma_wait3A = arith.constant 0 : i32
      %dma_wait3A_146 = arith.constant 0 : i32
      %dma_wait3A_147 = tpu.memref_slice %arg8[%dma_wait3A, %dma_wait3A_146] : memref<320x128xf32, #tpu.memory_space<vmem>> -> memref<120x128xf32, #tpu.memory_space<vmem>>
      %dma_wait3A_148 = arith.constant 0 : i32
      %dma_wait3A_149 = tpu.memref_slice %arg9[%add3A_27, %dma_wait3A_148] : memref<10112x128xf32, #tpu.memory_space<vmem_shared>> -> memref<120x128xf32, #tpu.memory_space<vmem_shared>>
      %dma_wait3A_150 = arith.constant 0 : i32
      %dma_wait3A_151 = tpu.memref_slice %arg9[%add3A_27, %dma_wait3A_150] : memref<10112x128xf32, #tpu.memory_space<vmem_shared>> -> memref<120x128xf32, #tpu.memory_space<vmem_shared>>
      %dma_wait3A_152 = arith.constant 0 : i32
      %dma_wait3A_153 = arith.constant 0 : i32
      %dma_wait3A_154 = tpu.memref_slice %arg8[%dma_wait3A_152, %dma_wait3A_153] : memref<320x128xf32, #tpu.memory_space<vmem>> -> memref<120x128xf32, #tpu.memory_space<vmem>>
      tpu.wait_dma2 semaphore(%run_scoped3A : memref<!tpu.dma_semaphore, #tpu.memory_space<semaphore_mem>>) src(%dma_wait3A_154 : memref<120x128xf32, #tpu.memory_space<vmem>>) dst(%dma_wait3A_151 : memref<120x128xf32, #tpu.memory_space<vmem_shared>>)
      tpu.yield
    }) : () -> ()
    %barrier3A = arith.constant 0 : index
    tpu.barrier barrier_id(%barrier3A)
    %mul3A_28 = arith.constant 32 : i32
    %mul3A_29 = arith.muli %add3A, %mul3A_28 : i32
    %mul3A_30 = arith.constant 320 : i32
    %mul3A_31 = arith.muli %mul3A_29, %mul3A_30 : i32
    %add3A_32 = arith.constant 0 : i32
    %add3A_33 = arith.addi %mul3A_31, %add3A_32 : i32
    "tpu.region"() ({
      %run_scoped3A = tpu.sem_alloc : memref<!tpu.dma_semaphore, #tpu.memory_space<semaphore_mem>>
      %dma_start3A = tpu.memref_slice %arg3[%add3A_33] : memref<327680xi32, #tpu.memory_space<hbm>> -> memref<1280xi32, #tpu.memory_space<hbm>>
      %dma_start3A_137 = tpu.memref_slice %arg3[%add3A_33] : memref<327680xi32, #tpu.memory_space<hbm>> -> memref<1280xi32, #tpu.memory_space<hbm>>
      tpu.enqueue_dma source(%dma_start3A_137 : memref<1280xi32, #tpu.memory_space<hbm>>) target(%arg6 : memref<1280xi32, #tpu.memory_space<vmem>>) target_semaphore(%run_scoped3A : memref<!tpu.dma_semaphore, #tpu.memory_space<semaphore_mem>>)
      %dma_wait3A = tpu.memref_slice %arg3[%add3A_33] : memref<327680xi32, #tpu.memory_space<hbm>> -> memref<1280xi32, #tpu.memory_space<hbm>>
      %dma_wait3A_138 = tpu.memref_slice %arg3[%add3A_33] : memref<327680xi32, #tpu.memory_space<hbm>> -> memref<1280xi32, #tpu.memory_space<hbm>>
      tpu.wait_dma2 semaphore(%run_scoped3A : memref<!tpu.dma_semaphore, #tpu.memory_space<semaphore_mem>>) src(%dma_wait3A_138 : memref<1280xi32, #tpu.memory_space<hbm>>) dst(%arg6 : memref<1280xi32, #tpu.memory_space<vmem>>)
      tpu.yield
    }) : () -> ()
    "tpu.region"() ({
      %run_scoped3A = tpu.sem_alloc : memref<!tpu.dma_semaphore, #tpu.memory_space<semaphore_mem>>
      %dma_start3A = tpu.memref_slice %arg4[%add3A_33] : memref<327680xi32, #tpu.memory_space<hbm>> -> memref<1280xi32, #tpu.memory_space<hbm>>
      %dma_start3A_137 = tpu.memref_slice %arg4[%add3A_33] : memref<327680xi32, #tpu.memory_space<hbm>> -> memref<1280xi32, #tpu.memory_space<hbm>>
      tpu.enqueue_dma source(%dma_start3A_137 : memref<1280xi32, #tpu.memory_space<hbm>>) target(%arg7 : memref<1280xi32, #tpu.memory_space<vmem>>) target_semaphore(%run_scoped3A : memref<!tpu.dma_semaphore, #tpu.memory_space<semaphore_mem>>)
      %dma_wait3A = tpu.memref_slice %arg4[%add3A_33] : memref<327680xi32, #tpu.memory_space<hbm>> -> memref<1280xi32, #tpu.memory_space<hbm>>
      %dma_wait3A_138 = tpu.memref_slice %arg4[%add3A_33] : memref<327680xi32, #tpu.memory_space<hbm>> -> memref<1280xi32, #tpu.memory_space<hbm>>
      tpu.wait_dma2 semaphore(%run_scoped3A : memref<!tpu.dma_semaphore, #tpu.memory_space<semaphore_mem>>) src(%dma_wait3A_138 : memref<1280xi32, #tpu.memory_space<hbm>>) dst(%arg7 : memref<1280xi32, #tpu.memory_space<vmem>>)
      tpu.yield
    }) : () -> ()
    %scan3A_34 = arith.constant 0 : i32
    %scan3A_35 = arith.constant 0 : i32
    %scan3A_36 = arith.constant 4 : i32
    %scan3A_37 = arith.addi %scan3A_35, %scan3A_36 : i32
    %scan3A_38 = arith.constant 1 : i32
    %scan3A_39 = scf.for %scan3A_137 = %scan3A_35 to %scan3A_37 step %scan3A_38 iter_args(%scan3A_138 = %scan3A_34) -> (i32)  : i32 {
      %mul3A_139 = arith.constant 320 : i32
      %mul3A_140 = arith.muli %scan3A_137, %mul3A_139 : i32
      %mul3A_141 = arith.constant 320 : i32
      %mul3A_142 = arith.muli %scan3A_137, %mul3A_141 : i32
      %dma_start3A = tpu.memref_slice %arg6[%mul3A_140] : memref<1280xi32, #tpu.memory_space<vmem>> -> memref<320xi32, #tpu.memory_space<vmem>>
      %dma_start3A_143 = arith.constant 0 : i32
      %dma_start3A_144 = arith.constant 0 : i32
      %dma_start3A_145 = tpu.memref_slice %arg2[%dma_start3A_143, %dma_start3A_144] : memref<10112x128xf32, #tpu.memory_space<hbm>> -> memref<10112x128xf32, #tpu.memory_space<hbm>>
      tpu.enqueue_indirect_dma source(%dma_start3A_145 : memref<10112x128xf32, #tpu.memory_space<hbm>>) target(%arg8 : memref<320x128xf32, #tpu.memory_space<vmem>>) offsets(%dma_start3A : memref<320xi32, #tpu.memory_space<vmem>>) semaphore(%arg10 : memref<!tpu.dma_semaphore, #tpu.memory_space<semaphore_mem>>)
      %dma_wait3A = tpu.memref_slice %arg6[%mul3A_140] : memref<1280xi32, #tpu.memory_space<vmem>> -> memref<320xi32, #tpu.memory_space<vmem>>
      %dma_wait3A_146 = arith.constant 0 : i32
      %dma_wait3A_147 = arith.constant 0 : i32
      %dma_wait3A_148 = tpu.memref_slice %arg2[%dma_wait3A_146, %dma_wait3A_147] : memref<10112x128xf32, #tpu.memory_space<hbm>> -> memref<10112x128xf32, #tpu.memory_space<hbm>>
      tpu.wait_indirect_dma semaphore(%arg10 : memref<!tpu.dma_semaphore, #tpu.memory_space<semaphore_mem>>) src(%dma_wait3A_148 : memref<10112x128xf32, #tpu.memory_space<hbm>>) dst(%arg8 : memref<320x128xf32, #tpu.memory_space<vmem>>)
      "tpu.region"() ({
        %run_scoped3A = tpu.sem_alloc : memref<!tpu.dma_semaphore, #tpu.memory_space<semaphore_mem>>
        %dma_start3A_150 = tpu.memref_slice %arg7[%mul3A_142] : memref<1280xi32, #tpu.memory_space<vmem>> -> memref<320xi32, #tpu.memory_space<vmem>>
        %dma_start3A_151 = arith.constant 0 : i32
        %dma_start3A_152 = arith.constant 0 : i32
        %dma_start3A_153 = tpu.memref_slice %arg9[%dma_start3A_151, %dma_start3A_152] : memref<10112x128xf32, #tpu.memory_space<vmem_shared>> -> memref<10112x128xf32, #tpu.memory_space<vmem_shared>>
        tpu.enqueue_indirect_dma source(%arg8 : memref<320x128xf32, #tpu.memory_space<vmem>>) target(%dma_start3A_153 : memref<10112x128xf32, #tpu.memory_space<vmem_shared>>) offsets(%dma_start3A_150 : memref<320xi32, #tpu.memory_space<vmem>>) semaphore(%run_scoped3A : memref<!tpu.dma_semaphore, #tpu.memory_space<semaphore_mem>>) {add = true}
        %dma_wait3A_154 = tpu.memref_slice %arg7[%mul3A_142] : memref<1280xi32, #tpu.memory_space<vmem>> -> memref<320xi32, #tpu.memory_space<vmem>>
        %dma_wait3A_155 = arith.constant 0 : i32
        %dma_wait3A_156 = arith.constant 0 : i32
        %dma_wait3A_157 = tpu.memref_slice %arg9[%dma_wait3A_155, %dma_wait3A_156] : memref<10112x128xf32, #tpu.memory_space<vmem_shared>> -> memref<10112x128xf32, #tpu.memory_space<vmem_shared>>
        tpu.wait_indirect_dma semaphore(%run_scoped3A : memref<!tpu.dma_semaphore, #tpu.memory_space<semaphore_mem>>) src(%arg8 : memref<320x128xf32, #tpu.memory_space<vmem>>) dst(%dma_wait3A_157 : memref<10112x128xf32, #tpu.memory_space<vmem_shared>>)
        tpu.yield
      }) : () -> ()
      %scan3A_149 = arith.constant 0 : i32
      scf.yield %scan3A_149 : i32
    }
    %scan3A_40 = arith.constant 4 : i32
    %mul3A_41 = arith.constant 32 : i32
    %mul3A_42 = arith.muli %add3A, %mul3A_41 : i32
    %mul3A_43 = arith.constant 320 : i32
    %mul3A_44 = arith.muli %mul3A_42, %mul3A_43 : i32
    %add3A_45 = arith.constant 1280 : i32
    %add3A_46 = arith.addi %mul3A_44, %add3A_45 : i32
    "tpu.region"() ({
      %run_scoped3A = tpu.sem_alloc : memref<!tpu.dma_semaphore, #tpu.memory_space<semaphore_mem>>
      %dma_start3A = tpu.memref_slice %arg3[%add3A_46] : memref<327680xi32, #tpu.memory_space<hbm>> -> memref<1280xi32, #tpu.memory_space<hbm>>
      %dma_start3A_137 = tpu.memref_slice %arg3[%add3A_46] : memref<327680xi32, #tpu.memory_space<hbm>> -> memref<1280xi32, #tpu.memory_space<hbm>>
      tpu.enqueue_dma source(%dma_start3A_137 : memref<1280xi32, #tpu.memory_space<hbm>>) target(%arg6 : memref<1280xi32, #tpu.memory_space<vmem>>) target_semaphore(%run_scoped3A : memref<!tpu.dma_semaphore, #tpu.memory_space<semaphore_mem>>)
      %dma_wait3A = tpu.memref_slice %arg3[%add3A_46] : memref<327680xi32, #tpu.memory_space<hbm>> -> memref<1280xi32, #tpu.memory_space<hbm>>
      %dma_wait3A_138 = tpu.memref_slice %arg3[%add3A_46] : memref<327680xi32, #tpu.memory_space<hbm>> -> memref<1280xi32, #tpu.memory_space<hbm>>
      tpu.wait_dma2 semaphore(%run_scoped3A : memref<!tpu.dma_semaphore, #tpu.memory_space<semaphore_mem>>) src(%dma_wait3A_138 : memref<1280xi32, #tpu.memory_space<hbm>>) dst(%arg6 : memref<1280xi32, #tpu.memory_space<vmem>>)
      tpu.yield
    }) : () -> ()
    "tpu.region"() ({
      %run_scoped3A = tpu.sem_alloc : memref<!tpu.dma_semaphore, #tpu.memory_space<semaphore_mem>>
      %dma_start3A = tpu.memref_slice %arg4[%add3A_46] : memref<327680xi32, #tpu.memory_space<hbm>> -> memref<1280xi32, #tpu.memory_space<hbm>>
      %dma_start3A_137 = tpu.memref_slice %arg4[%add3A_46] : memref<327680xi32, #tpu.memory_space<hbm>> -> memref<1280xi32, #tpu.memory_space<hbm>>
      tpu.enqueue_dma source(%dma_start3A_137 : memref<1280xi32, #tpu.memory_space<hbm>>) target(%arg7 : memref<1280xi32, #tpu.memory_space<vmem>>) target_semaphore(%run_scoped3A : memref<!tpu.dma_semaphore, #tpu.memory_space<semaphore_mem>>)
      %dma_wait3A = tpu.memref_slice %arg4[%add3A_46] : memref<327680xi32, #tpu.memory_space<hbm>> -> memref<1280xi32, #tpu.memory_space<hbm>>
      %dma_wait3A_138 = tpu.memref_slice %arg4[%add3A_46] : memref<327680xi32, #tpu.memory_space<hbm>> -> memref<1280xi32, #tpu.memory_space<hbm>>
      tpu.wait_dma2 semaphore(%run_scoped3A : memref<!tpu.dma_semaphore, #tpu.memory_space<semaphore_mem>>) src(%dma_wait3A_138 : memref<1280xi32, #tpu.memory_space<hbm>>) dst(%arg7 : memref<1280xi32, #tpu.memory_space<vmem>>)
      tpu.yield
    }) : () -> ()
    %scan3A_47 = arith.constant 0 : i32
    %scan3A_48 = arith.constant 0 : i32
    %scan3A_49 = arith.constant 4 : i32
    %scan3A_50 = arith.addi %scan3A_48, %scan3A_49 : i32
    %scan3A_51 = arith.constant 1 : i32
    %scan3A_52 = scf.for %scan3A_137 = %scan3A_48 to %scan3A_50 step %scan3A_51 iter_args(%scan3A_138 = %scan3A_47) -> (i32)  : i32 {
      %mul3A_139 = arith.constant 320 : i32
      %mul3A_140 = arith.muli %scan3A_137, %mul3A_139 : i32
      %mul3A_141 = arith.constant 320 : i32
      %mul3A_142 = arith.muli %scan3A_137, %mul3A_141 : i32
      %dma_start3A = tpu.memref_slice %arg6[%mul3A_140] : memref<1280xi32, #tpu.memory_space<vmem>> -> memref<320xi32, #tpu.memory_space<vmem>>
      %dma_start3A_143 = arith.constant 0 : i32
      %dma_start3A_144 = arith.constant 0 : i32
      %dma_start3A_145 = tpu.memref_slice %arg2[%dma_start3A_143, %dma_start3A_144] : memref<10112x128xf32, #tpu.memory_space<hbm>> -> memref<10112x128xf32, #tpu.memory_space<hbm>>
      tpu.enqueue_indirect_dma source(%dma_start3A_145 : memref<10112x128xf32, #tpu.memory_space<hbm>>) target(%arg8 : memref<320x128xf32, #tpu.memory_space<vmem>>) offsets(%dma_start3A : memref<320xi32, #tpu.memory_space<vmem>>) semaphore(%arg10 : memref<!tpu.dma_semaphore, #tpu.memory_space<semaphore_mem>>)
      %dma_wait3A = tpu.memref_slice %arg6[%mul3A_140] : memref<1280xi32, #tpu.memory_space<vmem>> -> memref<320xi32, #tpu.memory_space<vmem>>
      %dma_wait3A_146 = arith.constant 0 : i32
      %dma_wait3A_147 = arith.constant 0 : i32
      %dma_wait3A_148 = tpu.memref_slice %arg2[%dma_wait3A_146, %dma_wait3A_147] : memref<10112x128xf32, #tpu.memory_space<hbm>> -> memref<10112x128xf32, #tpu.memory_space<hbm>>
      tpu.wait_indirect_dma semaphore(%arg10 : memref<!tpu.dma_semaphore, #tpu.memory_space<semaphore_mem>>) src(%dma_wait3A_148 : memref<10112x128xf32, #tpu.memory_space<hbm>>) dst(%arg8 : memref<320x128xf32, #tpu.memory_space<vmem>>)
      "tpu.region"() ({
        %run_scoped3A = tpu.sem_alloc : memref<!tpu.dma_semaphore, #tpu.memory_space<semaphore_mem>>
        %dma_start3A_150 = tpu.memref_slice %arg7[%mul3A_142] : memref<1280xi32, #tpu.memory_space<vmem>> -> memref<320xi32, #tpu.memory_space<vmem>>
        %dma_start3A_151 = arith.constant 0 : i32
        %dma_start3A_152 = arith.constant 0 : i32
        %dma_start3A_153 = tpu.memref_slice %arg9[%dma_start3A_151, %dma_start3A_152] : memref<10112x128xf32, #tpu.memory_space<vmem_shared>> -> memref<10112x128xf32, #tpu.memory_space<vmem_shared>>
        tpu.enqueue_indirect_dma source(%arg8 : memref<320x128xf32, #tpu.memory_space<vmem>>) target(%dma_start3A_153 : memref<10112x128xf32, #tpu.memory_space<vmem_shared>>) offsets(%dma_start3A_150 : memref<320xi32, #tpu.memory_space<vmem>>) semaphore(%run_scoped3A : memref<!tpu.dma_semaphore, #tpu.memory_space<semaphore_mem>>) {add = true}
        %dma_wait3A_154 = tpu.memref_slice %arg7[%mul3A_142] : memref<1280xi32, #tpu.memory_space<vmem>> -> memref<320xi32, #tpu.memory_space<vmem>>
        %dma_wait3A_155 = arith.constant 0 : i32
        %dma_wait3A_156 = arith.constant 0 : i32
        %dma_wait3A_157 = tpu.memref_slice %arg9[%dma_wait3A_155, %dma_wait3A_156] : memref<10112x128xf32, #tpu.memory_space<vmem_shared>> -> memref<10112x128xf32, #tpu.memory_space<vmem_shared>>
        tpu.wait_indirect_dma semaphore(%run_scoped3A : memref<!tpu.dma_semaphore, #tpu.memory_space<semaphore_mem>>) src(%arg8 : memref<320x128xf32, #tpu.memory_space<vmem>>) dst(%dma_wait3A_157 : memref<10112x128xf32, #tpu.memory_space<vmem_shared>>)
        tpu.yield
      }) : () -> ()
      %scan3A_149 = arith.constant 0 : i32
      scf.yield %scan3A_149 : i32
    }
    %scan3A_53 = arith.constant 4 : i32
    %mul3A_54 = arith.constant 32 : i32
    %mul3A_55 = arith.muli %add3A, %mul3A_54 : i32
    %mul3A_56 = arith.constant 320 : i32
    %mul3A_57 = arith.muli %mul3A_55, %mul3A_56 : i32
    %add3A_58 = arith.constant 2560 : i32
    %add3A_59 = arith.addi %mul3A_57, %add3A_58 : i32
    "tpu.region"() ({
      %run_scoped3A = tpu.sem_alloc : memref<!tpu.dma_semaphore, #tpu.memory_space<semaphore_mem>>
      %dma_start3A = tpu.memref_slice %arg3[%add3A_59] : memref<327680xi32, #tpu.memory_space<hbm>> -> memref<1280xi32, #tpu.memory_space<hbm>>
      %dma_start3A_137 = tpu.memref_slice %arg3[%add3A_59] : memref<327680xi32, #tpu.memory_space<hbm>> -> memref<1280xi32, #tpu.memory_space<hbm>>
      tpu.enqueue_dma source(%dma_start3A_137 : memref<1280xi32, #tpu.memory_space<hbm>>) target(%arg6 : memref<1280xi32, #tpu.memory_space<vmem>>) target_semaphore(%run_scoped3A : memref<!tpu.dma_semaphore, #tpu.memory_space<semaphore_mem>>)
      %dma_wait3A = tpu.memref_slice %arg3[%add3A_59] : memref<327680xi32, #tpu.memory_space<hbm>> -> memref<1280xi32, #tpu.memory_space<hbm>>
      %dma_wait3A_138 = tpu.memref_slice %arg3[%add3A_59] : memref<327680xi32, #tpu.memory_space<hbm>> -> memref<1280xi32, #tpu.memory_space<hbm>>
      tpu.wait_dma2 semaphore(%run_scoped3A : memref<!tpu.dma_semaphore, #tpu.memory_space<semaphore_mem>>) src(%dma_wait3A_138 : memref<1280xi32, #tpu.memory_space<hbm>>) dst(%arg6 : memref<1280xi32, #tpu.memory_space<vmem>>)
      tpu.yield
    }) : () -> ()
    "tpu.region"() ({
      %run_scoped3A = tpu.sem_alloc : memref<!tpu.dma_semaphore, #tpu.memory_space<semaphore_mem>>
      %dma_start3A = tpu.memref_slice %arg4[%add3A_59] : memref<327680xi32, #tpu.memory_space<hbm>> -> memref<1280xi32, #tpu.memory_space<hbm>>
      %dma_start3A_137 = tpu.memref_slice %arg4[%add3A_59] : memref<327680xi32, #tpu.memory_space<hbm>> -> memref<1280xi32, #tpu.memory_space<hbm>>
      tpu.enqueue_dma source(%dma_start3A_137 : memref<1280xi32, #tpu.memory_space<hbm>>) target(%arg7 : memref<1280xi32, #tpu.memory_space<vmem>>) target_semaphore(%run_scoped3A : memref<!tpu.dma_semaphore, #tpu.memory_space<semaphore_mem>>)
      %dma_wait3A = tpu.memref_slice %arg4[%add3A_59] : memref<327680xi32, #tpu.memory_space<hbm>> -> memref<1280xi32, #tpu.memory_space<hbm>>
      %dma_wait3A_138 = tpu.memref_slice %arg4[%add3A_59] : memref<327680xi32, #tpu.memory_space<hbm>> -> memref<1280xi32, #tpu.memory_space<hbm>>
      tpu.wait_dma2 semaphore(%run_scoped3A : memref<!tpu.dma_semaphore, #tpu.memory_space<semaphore_mem>>) src(%dma_wait3A_138 : memref<1280xi32, #tpu.memory_space<hbm>>) dst(%arg7 : memref<1280xi32, #tpu.memory_space<vmem>>)
      tpu.yield
    }) : () -> ()
    %scan3A_60 = arith.constant 0 : i32
    %scan3A_61 = arith.constant 0 : i32
    %scan3A_62 = arith.constant 4 : i32
    %scan3A_63 = arith.addi %scan3A_61, %scan3A_62 : i32
    %scan3A_64 = arith.constant 1 : i32
    %scan3A_65 = scf.for %scan3A_137 = %scan3A_61 to %scan3A_63 step %scan3A_64 iter_args(%scan3A_138 = %scan3A_60) -> (i32)  : i32 {
      %mul3A_139 = arith.constant 320 : i32
      %mul3A_140 = arith.muli %scan3A_137, %mul3A_139 : i32
      %mul3A_141 = arith.constant 320 : i32
      %mul3A_142 = arith.muli %scan3A_137, %mul3A_141 : i32
      %dma_start3A = tpu.memref_slice %arg6[%mul3A_140] : memref<1280xi32, #tpu.memory_space<vmem>> -> memref<320xi32, #tpu.memory_space<vmem>>
      %dma_start3A_143 = arith.constant 0 : i32
      %dma_start3A_144 = arith.constant 0 : i32
      %dma_start3A_145 = tpu.memref_slice %arg2[%dma_start3A_143, %dma_start3A_144] : memref<10112x128xf32, #tpu.memory_space<hbm>> -> memref<10112x128xf32, #tpu.memory_space<hbm>>
      tpu.enqueue_indirect_dma source(%dma_start3A_145 : memref<10112x128xf32, #tpu.memory_space<hbm>>) target(%arg8 : memref<320x128xf32, #tpu.memory_space<vmem>>) offsets(%dma_start3A : memref<320xi32, #tpu.memory_space<vmem>>) semaphore(%arg10 : memref<!tpu.dma_semaphore, #tpu.memory_space<semaphore_mem>>)
      %dma_wait3A = tpu.memref_slice %arg6[%mul3A_140] : memref<1280xi32, #tpu.memory_space<vmem>> -> memref<320xi32, #tpu.memory_space<vmem>>
      %dma_wait3A_146 = arith.constant 0 : i32
      %dma_wait3A_147 = arith.constant 0 : i32
      %dma_wait3A_148 = tpu.memref_slice %arg2[%dma_wait3A_146, %dma_wait3A_147] : memref<10112x128xf32, #tpu.memory_space<hbm>> -> memref<10112x128xf32, #tpu.memory_space<hbm>>
      tpu.wait_indirect_dma semaphore(%arg10 : memref<!tpu.dma_semaphore, #tpu.memory_space<semaphore_mem>>) src(%dma_wait3A_148 : memref<10112x128xf32, #tpu.memory_space<hbm>>) dst(%arg8 : memref<320x128xf32, #tpu.memory_space<vmem>>)
      "tpu.region"() ({
        %run_scoped3A = tpu.sem_alloc : memref<!tpu.dma_semaphore, #tpu.memory_space<semaphore_mem>>
        %dma_start3A_150 = tpu.memref_slice %arg7[%mul3A_142] : memref<1280xi32, #tpu.memory_space<vmem>> -> memref<320xi32, #tpu.memory_space<vmem>>
        %dma_start3A_151 = arith.constant 0 : i32
        %dma_start3A_152 = arith.constant 0 : i32
        %dma_start3A_153 = tpu.memref_slice %arg9[%dma_start3A_151, %dma_start3A_152] : memref<10112x128xf32, #tpu.memory_space<vmem_shared>> -> memref<10112x128xf32, #tpu.memory_space<vmem_shared>>
        tpu.enqueue_indirect_dma source(%arg8 : memref<320x128xf32, #tpu.memory_space<vmem>>) target(%dma_start3A_153 : memref<10112x128xf32, #tpu.memory_space<vmem_shared>>) offsets(%dma_start3A_150 : memref<320xi32, #tpu.memory_space<vmem>>) semaphore(%run_scoped3A : memref<!tpu.dma_semaphore, #tpu.memory_space<semaphore_mem>>) {add = true}
        %dma_wait3A_154 = tpu.memref_slice %arg7[%mul3A_142] : memref<1280xi32, #tpu.memory_space<vmem>> -> memref<320xi32, #tpu.memory_space<vmem>>
        %dma_wait3A_155 = arith.constant 0 : i32
        %dma_wait3A_156 = arith.constant 0 : i32
        %dma_wait3A_157 = tpu.memref_slice %arg9[%dma_wait3A_155, %dma_wait3A_156] : memref<10112x128xf32, #tpu.memory_space<vmem_shared>> -> memref<10112x128xf32, #tpu.memory_space<vmem_shared>>
        tpu.wait_indirect_dma semaphore(%run_scoped3A : memref<!tpu.dma_semaphore, #tpu.memory_space<semaphore_mem>>) src(%arg8 : memref<320x128xf32, #tpu.memory_space<vmem>>) dst(%dma_wait3A_157 : memref<10112x128xf32, #tpu.memory_space<vmem_shared>>)
        tpu.yield
      }) : () -> ()
      %scan3A_149 = arith.constant 0 : i32
      scf.yield %scan3A_149 : i32
    }
    %scan3A_66 = arith.constant 4 : i32
    %mul3A_67 = arith.constant 32 : i32
    %mul3A_68 = arith.muli %add3A, %mul3A_67 : i32
    %mul3A_69 = arith.constant 320 : i32
    %mul3A_70 = arith.muli %mul3A_68, %mul3A_69 : i32
    %add3A_71 = arith.constant 3840 : i32
    %add3A_72 = arith.addi %mul3A_70, %add3A_71 : i32
    "tpu.region"() ({
      %run_scoped3A = tpu.sem_alloc : memref<!tpu.dma_semaphore, #tpu.memory_space<semaphore_mem>>
      %dma_start3A = tpu.memref_slice %arg3[%add3A_72] : memref<327680xi32, #tpu.memory_space<hbm>> -> memref<1280xi32, #tpu.memory_space<hbm>>
      %dma_start3A_137 = tpu.memref_slice %arg3[%add3A_72] : memref<327680xi32, #tpu.memory_space<hbm>> -> memref<1280xi32, #tpu.memory_space<hbm>>
      tpu.enqueue_dma source(%dma_start3A_137 : memref<1280xi32, #tpu.memory_space<hbm>>) target(%arg6 : memref<1280xi32, #tpu.memory_space<vmem>>) target_semaphore(%run_scoped3A : memref<!tpu.dma_semaphore, #tpu.memory_space<semaphore_mem>>)
      %dma_wait3A = tpu.memref_slice %arg3[%add3A_72] : memref<327680xi32, #tpu.memory_space<hbm>> -> memref<1280xi32, #tpu.memory_space<hbm>>
      %dma_wait3A_138 = tpu.memref_slice %arg3[%add3A_72] : memref<327680xi32, #tpu.memory_space<hbm>> -> memref<1280xi32, #tpu.memory_space<hbm>>
      tpu.wait_dma2 semaphore(%run_scoped3A : memref<!tpu.dma_semaphore, #tpu.memory_space<semaphore_mem>>) src(%dma_wait3A_138 : memref<1280xi32, #tpu.memory_space<hbm>>) dst(%arg6 : memref<1280xi32, #tpu.memory_space<vmem>>)
      tpu.yield
    }) : () -> ()
    "tpu.region"() ({
      %run_scoped3A = tpu.sem_alloc : memref<!tpu.dma_semaphore, #tpu.memory_space<semaphore_mem>>
      %dma_start3A = tpu.memref_slice %arg4[%add3A_72] : memref<327680xi32, #tpu.memory_space<hbm>> -> memref<1280xi32, #tpu.memory_space<hbm>>
      %dma_start3A_137 = tpu.memref_slice %arg4[%add3A_72] : memref<327680xi32, #tpu.memory_space<hbm>> -> memref<1280xi32, #tpu.memory_space<hbm>>
      tpu.enqueue_dma source(%dma_start3A_137 : memref<1280xi32, #tpu.memory_space<hbm>>) target(%arg7 : memref<1280xi32, #tpu.memory_space<vmem>>) target_semaphore(%run_scoped3A : memref<!tpu.dma_semaphore, #tpu.memory_space<semaphore_mem>>)
      %dma_wait3A = tpu.memref_slice %arg4[%add3A_72] : memref<327680xi32, #tpu.memory_space<hbm>> -> memref<1280xi32, #tpu.memory_space<hbm>>
      %dma_wait3A_138 = tpu.memref_slice %arg4[%add3A_72] : memref<327680xi32, #tpu.memory_space<hbm>> -> memref<1280xi32, #tpu.memory_space<hbm>>
      tpu.wait_dma2 semaphore(%run_scoped3A : memref<!tpu.dma_semaphore, #tpu.memory_space<semaphore_mem>>) src(%dma_wait3A_138 : memref<1280xi32, #tpu.memory_space<hbm>>) dst(%arg7 : memref<1280xi32, #tpu.memory_space<vmem>>)
      tpu.yield
    }) : () -> ()
    %scan3A_73 = arith.constant 0 : i32
    %scan3A_74 = arith.constant 0 : i32
    %scan3A_75 = arith.constant 4 : i32
    %scan3A_76 = arith.addi %scan3A_74, %scan3A_75 : i32
    %scan3A_77 = arith.constant 1 : i32
    %scan3A_78 = scf.for %scan3A_137 = %scan3A_74 to %scan3A_76 step %scan3A_77 iter_args(%scan3A_138 = %scan3A_73) -> (i32)  : i32 {
      %mul3A_139 = arith.constant 320 : i32
      %mul3A_140 = arith.muli %scan3A_137, %mul3A_139 : i32
      %mul3A_141 = arith.constant 320 : i32
      %mul3A_142 = arith.muli %scan3A_137, %mul3A_141 : i32
      %dma_start3A = tpu.memref_slice %arg6[%mul3A_140] : memref<1280xi32, #tpu.memory_space<vmem>> -> memref<320xi32, #tpu.memory_space<vmem>>
      %dma_start3A_143 = arith.constant 0 : i32
      %dma_start3A_144 = arith.constant 0 : i32
      %dma_start3A_145 = tpu.memref_slice %arg2[%dma_start3A_143, %dma_start3A_144] : memref<10112x128xf32, #tpu.memory_space<hbm>> -> memref<10112x128xf32, #tpu.memory_space<hbm>>
      tpu.enqueue_indirect_dma source(%dma_start3A_145 : memref<10112x128xf32, #tpu.memory_space<hbm>>) target(%arg8 : memref<320x128xf32, #tpu.memory_space<vmem>>) offsets(%dma_start3A : memref<320xi32, #tpu.memory_space<vmem>>) semaphore(%arg10 : memref<!tpu.dma_semaphore, #tpu.memory_space<semaphore_mem>>)
      %dma_wait3A = tpu.memref_slice %arg6[%mul3A_140] : memref<1280xi32, #tpu.memory_space<vmem>> -> memref<320xi32, #tpu.memory_space<vmem>>
      %dma_wait3A_146 = arith.constant 0 : i32
      %dma_wait3A_147 = arith.constant 0 : i32
      %dma_wait3A_148 = tpu.memref_slice %arg2[%dma_wait3A_146, %dma_wait3A_147] : memref<10112x128xf32, #tpu.memory_space<hbm>> -> memref<10112x128xf32, #tpu.memory_space<hbm>>
      tpu.wait_indirect_dma semaphore(%arg10 : memref<!tpu.dma_semaphore, #tpu.memory_space<semaphore_mem>>) src(%dma_wait3A_148 : memref<10112x128xf32, #tpu.memory_space<hbm>>) dst(%arg8 : memref<320x128xf32, #tpu.memory_space<vmem>>)
      "tpu.region"() ({
        %run_scoped3A = tpu.sem_alloc : memref<!tpu.dma_semaphore, #tpu.memory_space<semaphore_mem>>
        %dma_start3A_150 = tpu.memref_slice %arg7[%mul3A_142] : memref<1280xi32, #tpu.memory_space<vmem>> -> memref<320xi32, #tpu.memory_space<vmem>>
        %dma_start3A_151 = arith.constant 0 : i32
        %dma_start3A_152 = arith.constant 0 : i32
        %dma_start3A_153 = tpu.memref_slice %arg9[%dma_start3A_151, %dma_start3A_152] : memref<10112x128xf32, #tpu.memory_space<vmem_shared>> -> memref<10112x128xf32, #tpu.memory_space<vmem_shared>>
        tpu.enqueue_indirect_dma source(%arg8 : memref<320x128xf32, #tpu.memory_space<vmem>>) target(%dma_start3A_153 : memref<10112x128xf32, #tpu.memory_space<vmem_shared>>) offsets(%dma_start3A_150 : memref<320xi32, #tpu.memory_space<vmem>>) semaphore(%run_scoped3A : memref<!tpu.dma_semaphore, #tpu.memory_space<semaphore_mem>>) {add = true}
        %dma_wait3A_154 = tpu.memref_slice %arg7[%mul3A_142] : memref<1280xi32, #tpu.memory_space<vmem>> -> memref<320xi32, #tpu.memory_space<vmem>>
        %dma_wait3A_155 = arith.constant 0 : i32
        %dma_wait3A_156 = arith.constant 0 : i32
        %dma_wait3A_157 = tpu.memref_slice %arg9[%dma_wait3A_155, %dma_wait3A_156] : memref<10112x128xf32, #tpu.memory_space<vmem_shared>> -> memref<10112x128xf32, #tpu.memory_space<vmem_shared>>
        tpu.wait_indirect_dma semaphore(%run_scoped3A : memref<!tpu.dma_semaphore, #tpu.memory_space<semaphore_mem>>) src(%arg8 : memref<320x128xf32, #tpu.memory_space<vmem>>) dst(%dma_wait3A_157 : memref<10112x128xf32, #tpu.memory_space<vmem_shared>>)
        tpu.yield
      }) : () -> ()
      %scan3A_149 = arith.constant 0 : i32
      scf.yield %scan3A_149 : i32
    }
    %scan3A_79 = arith.constant 4 : i32
    %mul3A_80 = arith.constant 32 : i32
    %mul3A_81 = arith.muli %add3A, %mul3A_80 : i32
    %mul3A_82 = arith.constant 320 : i32
    %mul3A_83 = arith.muli %mul3A_81, %mul3A_82 : i32
    %add3A_84 = arith.constant 5120 : i32
    %add3A_85 = arith.addi %mul3A_83, %add3A_84 : i32
    "tpu.region"() ({
      %run_scoped3A = tpu.sem_alloc : memref<!tpu.dma_semaphore, #tpu.memory_space<semaphore_mem>>
      %dma_start3A = tpu.memref_slice %arg3[%add3A_85] : memref<327680xi32, #tpu.memory_space<hbm>> -> memref<1280xi32, #tpu.memory_space<hbm>>
      %dma_start3A_137 = tpu.memref_slice %arg3[%add3A_85] : memref<327680xi32, #tpu.memory_space<hbm>> -> memref<1280xi32, #tpu.memory_space<hbm>>
      tpu.enqueue_dma source(%dma_start3A_137 : memref<1280xi32, #tpu.memory_space<hbm>>) target(%arg6 : memref<1280xi32, #tpu.memory_space<vmem>>) target_semaphore(%run_scoped3A : memref<!tpu.dma_semaphore, #tpu.memory_space<semaphore_mem>>)
      %dma_wait3A = tpu.memref_slice %arg3[%add3A_85] : memref<327680xi32, #tpu.memory_space<hbm>> -> memref<1280xi32, #tpu.memory_space<hbm>>
      %dma_wait3A_138 = tpu.memref_slice %arg3[%add3A_85] : memref<327680xi32, #tpu.memory_space<hbm>> -> memref<1280xi32, #tpu.memory_space<hbm>>
      tpu.wait_dma2 semaphore(%run_scoped3A : memref<!tpu.dma_semaphore, #tpu.memory_space<semaphore_mem>>) src(%dma_wait3A_138 : memref<1280xi32, #tpu.memory_space<hbm>>) dst(%arg6 : memref<1280xi32, #tpu.memory_space<vmem>>)
      tpu.yield
    }) : () -> ()
    "tpu.region"() ({
      %run_scoped3A = tpu.sem_alloc : memref<!tpu.dma_semaphore, #tpu.memory_space<semaphore_mem>>
      %dma_start3A = tpu.memref_slice %arg4[%add3A_85] : memref<327680xi32, #tpu.memory_space<hbm>> -> memref<1280xi32, #tpu.memory_space<hbm>>
      %dma_start3A_137 = tpu.memref_slice %arg4[%add3A_85] : memref<327680xi32, #tpu.memory_space<hbm>> -> memref<1280xi32, #tpu.memory_space<hbm>>
      tpu.enqueue_dma source(%dma_start3A_137 : memref<1280xi32, #tpu.memory_space<hbm>>) target(%arg7 : memref<1280xi32, #tpu.memory_space<vmem>>) target_semaphore(%run_scoped3A : memref<!tpu.dma_semaphore, #tpu.memory_space<semaphore_mem>>)
      %dma_wait3A = tpu.memref_slice %arg4[%add3A_85] : memref<327680xi32, #tpu.memory_space<hbm>> -> memref<1280xi32, #tpu.memory_space<hbm>>
      %dma_wait3A_138 = tpu.memref_slice %arg4[%add3A_85] : memref<327680xi32, #tpu.memory_space<hbm>> -> memref<1280xi32, #tpu.memory_space<hbm>>
      tpu.wait_dma2 semaphore(%run_scoped3A : memref<!tpu.dma_semaphore, #tpu.memory_space<semaphore_mem>>) src(%dma_wait3A_138 : memref<1280xi32, #tpu.memory_space<hbm>>) dst(%arg7 : memref<1280xi32, #tpu.memory_space<vmem>>)
      tpu.yield
    }) : () -> ()
    %scan3A_86 = arith.constant 0 : i32
    %scan3A_87 = arith.constant 0 : i32
    %scan3A_88 = arith.constant 4 : i32
    %scan3A_89 = arith.addi %scan3A_87, %scan3A_88 : i32
    %scan3A_90 = arith.constant 1 : i32
    %scan3A_91 = scf.for %scan3A_137 = %scan3A_87 to %scan3A_89 step %scan3A_90 iter_args(%scan3A_138 = %scan3A_86) -> (i32)  : i32 {
      %mul3A_139 = arith.constant 320 : i32
      %mul3A_140 = arith.muli %scan3A_137, %mul3A_139 : i32
      %mul3A_141 = arith.constant 320 : i32
      %mul3A_142 = arith.muli %scan3A_137, %mul3A_141 : i32
      %dma_start3A = tpu.memref_slice %arg6[%mul3A_140] : memref<1280xi32, #tpu.memory_space<vmem>> -> memref<320xi32, #tpu.memory_space<vmem>>
      %dma_start3A_143 = arith.constant 0 : i32
      %dma_start3A_144 = arith.constant 0 : i32
      %dma_start3A_145 = tpu.memref_slice %arg2[%dma_start3A_143, %dma_start3A_144] : memref<10112x128xf32, #tpu.memory_space<hbm>> -> memref<10112x128xf32, #tpu.memory_space<hbm>>
      tpu.enqueue_indirect_dma source(%dma_start3A_145 : memref<10112x128xf32, #tpu.memory_space<hbm>>) target(%arg8 : memref<320x128xf32, #tpu.memory_space<vmem>>) offsets(%dma_start3A : memref<320xi32, #tpu.memory_space<vmem>>) semaphore(%arg10 : memref<!tpu.dma_semaphore, #tpu.memory_space<semaphore_mem>>)
      %dma_wait3A = tpu.memref_slice %arg6[%mul3A_140] : memref<1280xi32, #tpu.memory_space<vmem>> -> memref<320xi32, #tpu.memory_space<vmem>>
      %dma_wait3A_146 = arith.constant 0 : i32
      %dma_wait3A_147 = arith.constant 0 : i32
      %dma_wait3A_148 = tpu.memref_slice %arg2[%dma_wait3A_146, %dma_wait3A_147] : memref<10112x128xf32, #tpu.memory_space<hbm>> -> memref<10112x128xf32, #tpu.memory_space<hbm>>
      tpu.wait_indirect_dma semaphore(%arg10 : memref<!tpu.dma_semaphore, #tpu.memory_space<semaphore_mem>>) src(%dma_wait3A_148 : memref<10112x128xf32, #tpu.memory_space<hbm>>) dst(%arg8 : memref<320x128xf32, #tpu.memory_space<vmem>>)
      "tpu.region"() ({
        %run_scoped3A = tpu.sem_alloc : memref<!tpu.dma_semaphore, #tpu.memory_space<semaphore_mem>>
        %dma_start3A_150 = tpu.memref_slice %arg7[%mul3A_142] : memref<1280xi32, #tpu.memory_space<vmem>> -> memref<320xi32, #tpu.memory_space<vmem>>
        %dma_start3A_151 = arith.constant 0 : i32
        %dma_start3A_152 = arith.constant 0 : i32
        %dma_start3A_153 = tpu.memref_slice %arg9[%dma_start3A_151, %dma_start3A_152] : memref<10112x128xf32, #tpu.memory_space<vmem_shared>> -> memref<10112x128xf32, #tpu.memory_space<vmem_shared>>
        tpu.enqueue_indirect_dma source(%arg8 : memref<320x128xf32, #tpu.memory_space<vmem>>) target(%dma_start3A_153 : memref<10112x128xf32, #tpu.memory_space<vmem_shared>>) offsets(%dma_start3A_150 : memref<320xi32, #tpu.memory_space<vmem>>) semaphore(%run_scoped3A : memref<!tpu.dma_semaphore, #tpu.memory_space<semaphore_mem>>) {add = true}
        %dma_wait3A_154 = tpu.memref_slice %arg7[%mul3A_142] : memref<1280xi32, #tpu.memory_space<vmem>> -> memref<320xi32, #tpu.memory_space<vmem>>
        %dma_wait3A_155 = arith.constant 0 : i32
        %dma_wait3A_156 = arith.constant 0 : i32
        %dma_wait3A_157 = tpu.memref_slice %arg9[%dma_wait3A_155, %dma_wait3A_156] : memref<10112x128xf32, #tpu.memory_space<vmem_shared>> -> memref<10112x128xf32, #tpu.memory_space<vmem_shared>>
        tpu.wait_indirect_dma semaphore(%run_scoped3A : memref<!tpu.dma_semaphore, #tpu.memory_space<semaphore_mem>>) src(%arg8 : memref<320x128xf32, #tpu.memory_space<vmem>>) dst(%dma_wait3A_157 : memref<10112x128xf32, #tpu.memory_space<vmem_shared>>)
        tpu.yield
      }) : () -> ()
      %scan3A_149 = arith.constant 0 : i32
      scf.yield %scan3A_149 : i32
    }
    %scan3A_92 = arith.constant 4 : i32
    %mul3A_93 = arith.constant 32 : i32
    %mul3A_94 = arith.muli %add3A, %mul3A_93 : i32
    %mul3A_95 = arith.constant 320 : i32
    %mul3A_96 = arith.muli %mul3A_94, %mul3A_95 : i32
    %add3A_97 = arith.constant 6400 : i32
    %add3A_98 = arith.addi %mul3A_96, %add3A_97 : i32
    "tpu.region"() ({
      %run_scoped3A = tpu.sem_alloc : memref<!tpu.dma_semaphore, #tpu.memory_space<semaphore_mem>>
      %dma_start3A = tpu.memref_slice %arg3[%add3A_98] : memref<327680xi32, #tpu.memory_space<hbm>> -> memref<1280xi32, #tpu.memory_space<hbm>>
      %dma_start3A_137 = tpu.memref_slice %arg3[%add3A_98] : memref<327680xi32, #tpu.memory_space<hbm>> -> memref<1280xi32, #tpu.memory_space<hbm>>
      tpu.enqueue_dma source(%dma_start3A_137 : memref<1280xi32, #tpu.memory_space<hbm>>) target(%arg6 : memref<1280xi32, #tpu.memory_space<vmem>>) target_semaphore(%run_scoped3A : memref<!tpu.dma_semaphore, #tpu.memory_space<semaphore_mem>>)
      %dma_wait3A = tpu.memref_slice %arg3[%add3A_98] : memref<327680xi32, #tpu.memory_space<hbm>> -> memref<1280xi32, #tpu.memory_space<hbm>>
      %dma_wait3A_138 = tpu.memref_slice %arg3[%add3A_98] : memref<327680xi32, #tpu.memory_space<hbm>> -> memref<1280xi32, #tpu.memory_space<hbm>>
      tpu.wait_dma2 semaphore(%run_scoped3A : memref<!tpu.dma_semaphore, #tpu.memory_space<semaphore_mem>>) src(%dma_wait3A_138 : memref<1280xi32, #tpu.memory_space<hbm>>) dst(%arg6 : memref<1280xi32, #tpu.memory_space<vmem>>)
      tpu.yield
    }) : () -> ()
    "tpu.region"() ({
      %run_scoped3A = tpu.sem_alloc : memref<!tpu.dma_semaphore, #tpu.memory_space<semaphore_mem>>
      %dma_start3A = tpu.memref_slice %arg4[%add3A_98] : memref<327680xi32, #tpu.memory_space<hbm>> -> memref<1280xi32, #tpu.memory_space<hbm>>
      %dma_start3A_137 = tpu.memref_slice %arg4[%add3A_98] : memref<327680xi32, #tpu.memory_space<hbm>> -> memref<1280xi32, #tpu.memory_space<hbm>>
      tpu.enqueue_dma source(%dma_start3A_137 : memref<1280xi32, #tpu.memory_space<hbm>>) target(%arg7 : memref<1280xi32, #tpu.memory_space<vmem>>) target_semaphore(%run_scoped3A : memref<!tpu.dma_semaphore, #tpu.memory_space<semaphore_mem>>)
      %dma_wait3A = tpu.memref_slice %arg4[%add3A_98] : memref<327680xi32, #tpu.memory_space<hbm>> -> memref<1280xi32, #tpu.memory_space<hbm>>
      %dma_wait3A_138 = tpu.memref_slice %arg4[%add3A_98] : memref<327680xi32, #tpu.memory_space<hbm>> -> memref<1280xi32, #tpu.memory_space<hbm>>
      tpu.wait_dma2 semaphore(%run_scoped3A : memref<!tpu.dma_semaphore, #tpu.memory_space<semaphore_mem>>) src(%dma_wait3A_138 : memref<1280xi32, #tpu.memory_space<hbm>>) dst(%arg7 : memref<1280xi32, #tpu.memory_space<vmem>>)
      tpu.yield
    }) : () -> ()
    %scan3A_99 = arith.constant 0 : i32
    %scan3A_100 = arith.constant 0 : i32
    %scan3A_101 = arith.constant 4 : i32
    %scan3A_102 = arith.addi %scan3A_100, %scan3A_101 : i32
    %scan3A_103 = arith.constant 1 : i32
    %scan3A_104 = scf.for %scan3A_137 = %scan3A_100 to %scan3A_102 step %scan3A_103 iter_args(%scan3A_138 = %scan3A_99) -> (i32)  : i32 {
      %mul3A_139 = arith.constant 320 : i32
      %mul3A_140 = arith.muli %scan3A_137, %mul3A_139 : i32
      %mul3A_141 = arith.constant 320 : i32
      %mul3A_142 = arith.muli %scan3A_137, %mul3A_141 : i32
      %dma_start3A = tpu.memref_slice %arg6[%mul3A_140] : memref<1280xi32, #tpu.memory_space<vmem>> -> memref<320xi32, #tpu.memory_space<vmem>>
      %dma_start3A_143 = arith.constant 0 : i32
      %dma_start3A_144 = arith.constant 0 : i32
      %dma_start3A_145 = tpu.memref_slice %arg2[%dma_start3A_143, %dma_start3A_144] : memref<10112x128xf32, #tpu.memory_space<hbm>> -> memref<10112x128xf32, #tpu.memory_space<hbm>>
      tpu.enqueue_indirect_dma source(%dma_start3A_145 : memref<10112x128xf32, #tpu.memory_space<hbm>>) target(%arg8 : memref<320x128xf32, #tpu.memory_space<vmem>>) offsets(%dma_start3A : memref<320xi32, #tpu.memory_space<vmem>>) semaphore(%arg10 : memref<!tpu.dma_semaphore, #tpu.memory_space<semaphore_mem>>)
      %dma_wait3A = tpu.memref_slice %arg6[%mul3A_140] : memref<1280xi32, #tpu.memory_space<vmem>> -> memref<320xi32, #tpu.memory_space<vmem>>
      %dma_wait3A_146 = arith.constant 0 : i32
      %dma_wait3A_147 = arith.constant 0 : i32
      %dma_wait3A_148 = tpu.memref_slice %arg2[%dma_wait3A_146, %dma_wait3A_147] : memref<10112x128xf32, #tpu.memory_space<hbm>> -> memref<10112x128xf32, #tpu.memory_space<hbm>>
      tpu.wait_indirect_dma semaphore(%arg10 : memref<!tpu.dma_semaphore, #tpu.memory_space<semaphore_mem>>) src(%dma_wait3A_148 : memref<10112x128xf32, #tpu.memory_space<hbm>>) dst(%arg8 : memref<320x128xf32, #tpu.memory_space<vmem>>)
      "tpu.region"() ({
        %run_scoped3A = tpu.sem_alloc : memref<!tpu.dma_semaphore, #tpu.memory_space<semaphore_mem>>
        %dma_start3A_150 = tpu.memref_slice %arg7[%mul3A_142] : memref<1280xi32, #tpu.memory_space<vmem>> -> memref<320xi32, #tpu.memory_space<vmem>>
        %dma_start3A_151 = arith.constant 0 : i32
        %dma_start3A_152 = arith.constant 0 : i32
        %dma_start3A_153 = tpu.memref_slice %arg9[%dma_start3A_151, %dma_start3A_152] : memref<10112x128xf32, #tpu.memory_space<vmem_shared>> -> memref<10112x128xf32, #tpu.memory_space<vmem_shared>>
        tpu.enqueue_indirect_dma source(%arg8 : memref<320x128xf32, #tpu.memory_space<vmem>>) target(%dma_start3A_153 : memref<10112x128xf32, #tpu.memory_space<vmem_shared>>) offsets(%dma_start3A_150 : memref<320xi32, #tpu.memory_space<vmem>>) semaphore(%run_scoped3A : memref<!tpu.dma_semaphore, #tpu.memory_space<semaphore_mem>>) {add = true}
        %dma_wait3A_154 = tpu.memref_slice %arg7[%mul3A_142] : memref<1280xi32, #tpu.memory_space<vmem>> -> memref<320xi32, #tpu.memory_space<vmem>>
        %dma_wait3A_155 = arith.constant 0 : i32
        %dma_wait3A_156 = arith.constant 0 : i32
        %dma_wait3A_157 = tpu.memref_slice %arg9[%dma_wait3A_155, %dma_wait3A_156] : memref<10112x128xf32, #tpu.memory_space<vmem_shared>> -> memref<10112x128xf32, #tpu.memory_space<vmem_shared>>
        tpu.wait_indirect_dma semaphore(%run_scoped3A : memref<!tpu.dma_semaphore, #tpu.memory_space<semaphore_mem>>) src(%arg8 : memref<320x128xf32, #tpu.memory_space<vmem>>) dst(%dma_wait3A_157 : memref<10112x128xf32, #tpu.memory_space<vmem_shared>>)
        tpu.yield
      }) : () -> ()
      %scan3A_149 = arith.constant 0 : i32
      scf.yield %scan3A_149 : i32
    }
    %scan3A_105 = arith.constant 4 : i32
    %mul3A_106 = arith.constant 32 : i32
    %mul3A_107 = arith.muli %add3A, %mul3A_106 : i32
    %mul3A_108 = arith.constant 320 : i32
    %mul3A_109 = arith.muli %mul3A_107, %mul3A_108 : i32
    %add3A_110 = arith.constant 7680 : i32
    %add3A_111 = arith.addi %mul3A_109, %add3A_110 : i32
    "tpu.region"() ({
      %run_scoped3A = tpu.sem_alloc : memref<!tpu.dma_semaphore, #tpu.memory_space<semaphore_mem>>
      %dma_start3A = tpu.memref_slice %arg3[%add3A_111] : memref<327680xi32, #tpu.memory_space<hbm>> -> memref<1280xi32, #tpu.memory_space<hbm>>
      %dma_start3A_137 = tpu.memref_slice %arg3[%add3A_111] : memref<327680xi32, #tpu.memory_space<hbm>> -> memref<1280xi32, #tpu.memory_space<hbm>>
      tpu.enqueue_dma source(%dma_start3A_137 : memref<1280xi32, #tpu.memory_space<hbm>>) target(%arg6 : memref<1280xi32, #tpu.memory_space<vmem>>) target_semaphore(%run_scoped3A : memref<!tpu.dma_semaphore, #tpu.memory_space<semaphore_mem>>)
      %dma_wait3A = tpu.memref_slice %arg3[%add3A_111] : memref<327680xi32, #tpu.memory_space<hbm>> -> memref<1280xi32, #tpu.memory_space<hbm>>
      %dma_wait3A_138 = tpu.memref_slice %arg3[%add3A_111] : memref<327680xi32, #tpu.memory_space<hbm>> -> memref<1280xi32, #tpu.memory_space<hbm>>
      tpu.wait_dma2 semaphore(%run_scoped3A : memref<!tpu.dma_semaphore, #tpu.memory_space<semaphore_mem>>) src(%dma_wait3A_138 : memref<1280xi32, #tpu.memory_space<hbm>>) dst(%arg6 : memref<1280xi32, #tpu.memory_space<vmem>>)
      tpu.yield
    }) : () -> ()
    "tpu.region"() ({
      %run_scoped3A = tpu.sem_alloc : memref<!tpu.dma_semaphore, #tpu.memory_space<semaphore_mem>>
      %dma_start3A = tpu.memref_slice %arg4[%add3A_111] : memref<327680xi32, #tpu.memory_space<hbm>> -> memref<1280xi32, #tpu.memory_space<hbm>>
      %dma_start3A_137 = tpu.memref_slice %arg4[%add3A_111] : memref<327680xi32, #tpu.memory_space<hbm>> -> memref<1280xi32, #tpu.memory_space<hbm>>
      tpu.enqueue_dma source(%dma_start3A_137 : memref<1280xi32, #tpu.memory_space<hbm>>) target(%arg7 : memref<1280xi32, #tpu.memory_space<vmem>>) target_semaphore(%run_scoped3A : memref<!tpu.dma_semaphore, #tpu.memory_space<semaphore_mem>>)
      %dma_wait3A = tpu.memref_slice %arg4[%add3A_111] : memref<327680xi32, #tpu.memory_space<hbm>> -> memref<1280xi32, #tpu.memory_space<hbm>>
      %dma_wait3A_138 = tpu.memref_slice %arg4[%add3A_111] : memref<327680xi32, #tpu.memory_space<hbm>> -> memref<1280xi32, #tpu.memory_space<hbm>>
      tpu.wait_dma2 semaphore(%run_scoped3A : memref<!tpu.dma_semaphore, #tpu.memory_space<semaphore_mem>>) src(%dma_wait3A_138 : memref<1280xi32, #tpu.memory_space<hbm>>) dst(%arg7 : memref<1280xi32, #tpu.memory_space<vmem>>)
      tpu.yield
    }) : () -> ()
    %scan3A_112 = arith.constant 0 : i32
    %scan3A_113 = arith.constant 0 : i32
    %scan3A_114 = arith.constant 4 : i32
    %scan3A_115 = arith.addi %scan3A_113, %scan3A_114 : i32
    %scan3A_116 = arith.constant 1 : i32
    %scan3A_117 = scf.for %scan3A_137 = %scan3A_113 to %scan3A_115 step %scan3A_116 iter_args(%scan3A_138 = %scan3A_112) -> (i32)  : i32 {
      %mul3A_139 = arith.constant 320 : i32
      %mul3A_140 = arith.muli %scan3A_137, %mul3A_139 : i32
      %mul3A_141 = arith.constant 320 : i32
      %mul3A_142 = arith.muli %scan3A_137, %mul3A_141 : i32
      %dma_start3A = tpu.memref_slice %arg6[%mul3A_140] : memref<1280xi32, #tpu.memory_space<vmem>> -> memref<320xi32, #tpu.memory_space<vmem>>
      %dma_start3A_143 = arith.constant 0 : i32
      %dma_start3A_144 = arith.constant 0 : i32
      %dma_start3A_145 = tpu.memref_slice %arg2[%dma_start3A_143, %dma_start3A_144] : memref<10112x128xf32, #tpu.memory_space<hbm>> -> memref<10112x128xf32, #tpu.memory_space<hbm>>
      tpu.enqueue_indirect_dma source(%dma_start3A_145 : memref<10112x128xf32, #tpu.memory_space<hbm>>) target(%arg8 : memref<320x128xf32, #tpu.memory_space<vmem>>) offsets(%dma_start3A : memref<320xi32, #tpu.memory_space<vmem>>) semaphore(%arg10 : memref<!tpu.dma_semaphore, #tpu.memory_space<semaphore_mem>>)
      %dma_wait3A = tpu.memref_slice %arg6[%mul3A_140] : memref<1280xi32, #tpu.memory_space<vmem>> -> memref<320xi32, #tpu.memory_space<vmem>>
      %dma_wait3A_146 = arith.constant 0 : i32
      %dma_wait3A_147 = arith.constant 0 : i32
      %dma_wait3A_148 = tpu.memref_slice %arg2[%dma_wait3A_146, %dma_wait3A_147] : memref<10112x128xf32, #tpu.memory_space<hbm>> -> memref<10112x128xf32, #tpu.memory_space<hbm>>
      tpu.wait_indirect_dma semaphore(%arg10 : memref<!tpu.dma_semaphore, #tpu.memory_space<semaphore_mem>>) src(%dma_wait3A_148 : memref<10112x128xf32, #tpu.memory_space<hbm>>) dst(%arg8 : memref<320x128xf32, #tpu.memory_space<vmem>>)
      "tpu.region"() ({
        %run_scoped3A = tpu.sem_alloc : memref<!tpu.dma_semaphore, #tpu.memory_space<semaphore_mem>>
        %dma_start3A_150 = tpu.memref_slice %arg7[%mul3A_142] : memref<1280xi32, #tpu.memory_space<vmem>> -> memref<320xi32, #tpu.memory_space<vmem>>
        %dma_start3A_151 = arith.constant 0 : i32
        %dma_start3A_152 = arith.constant 0 : i32
        %dma_start3A_153 = tpu.memref_slice %arg9[%dma_start3A_151, %dma_start3A_152] : memref<10112x128xf32, #tpu.memory_space<vmem_shared>> -> memref<10112x128xf32, #tpu.memory_space<vmem_shared>>
        tpu.enqueue_indirect_dma source(%arg8 : memref<320x128xf32, #tpu.memory_space<vmem>>) target(%dma_start3A_153 : memref<10112x128xf32, #tpu.memory_space<vmem_shared>>) offsets(%dma_start3A_150 : memref<320xi32, #tpu.memory_space<vmem>>) semaphore(%run_scoped3A : memref<!tpu.dma_semaphore, #tpu.memory_space<semaphore_mem>>) {add = true}
        %dma_wait3A_154 = tpu.memref_slice %arg7[%mul3A_142] : memref<1280xi32, #tpu.memory_space<vmem>> -> memref<320xi32, #tpu.memory_space<vmem>>
        %dma_wait3A_155 = arith.constant 0 : i32
        %dma_wait3A_156 = arith.constant 0 : i32
        %dma_wait3A_157 = tpu.memref_slice %arg9[%dma_wait3A_155, %dma_wait3A_156] : memref<10112x128xf32, #tpu.memory_space<vmem_shared>> -> memref<10112x128xf32, #tpu.memory_space<vmem_shared>>
        tpu.wait_indirect_dma semaphore(%run_scoped3A : memref<!tpu.dma_semaphore, #tpu.memory_space<semaphore_mem>>) src(%arg8 : memref<320x128xf32, #tpu.memory_space<vmem>>) dst(%dma_wait3A_157 : memref<10112x128xf32, #tpu.memory_space<vmem_shared>>)
        tpu.yield
      }) : () -> ()
      %scan3A_149 = arith.constant 0 : i32
      scf.yield %scan3A_149 : i32
    }
    %scan3A_118 = arith.constant 4 : i32
    %mul3A_119 = arith.constant 32 : i32
    %mul3A_120 = arith.muli %add3A, %mul3A_119 : i32
    %mul3A_121 = arith.constant 320 : i32
    %mul3A_122 = arith.muli %mul3A_120, %mul3A_121 : i32
    %add3A_123 = arith.constant 8960 : i32
    %add3A_124 = arith.addi %mul3A_122, %add3A_123 : i32
    "tpu.region"() ({
      %run_scoped3A = tpu.sem_alloc : memref<!tpu.dma_semaphore, #tpu.memory_space<semaphore_mem>>
      %dma_start3A = tpu.memref_slice %arg3[%add3A_124] : memref<327680xi32, #tpu.memory_space<hbm>> -> memref<1280xi32, #tpu.memory_space<hbm>>
      %dma_start3A_137 = tpu.memref_slice %arg3[%add3A_124] : memref<327680xi32, #tpu.memory_space<hbm>> -> memref<1280xi32, #tpu.memory_space<hbm>>
      tpu.enqueue_dma source(%dma_start3A_137 : memref<1280xi32, #tpu.memory_space<hbm>>) target(%arg6 : memref<1280xi32, #tpu.memory_space<vmem>>) target_semaphore(%run_scoped3A : memref<!tpu.dma_semaphore, #tpu.memory_space<semaphore_mem>>)
      %dma_wait3A = tpu.memref_slice %arg3[%add3A_124] : memref<327680xi32, #tpu.memory_space<hbm>> -> memref<1280xi32, #tpu.memory_space<hbm>>
      %dma_wait3A_138 = tpu.memref_slice %arg3[%add3A_124] : memref<327680xi32, #tpu.memory_space<hbm>> -> memref<1280xi32, #tpu.memory_space<hbm>>
      tpu.wait_dma2 semaphore(%run_scoped3A : memref<!tpu.dma_semaphore, #tpu.memory_space<semaphore_mem>>) src(%dma_wait3A_138 : memref<1280xi32, #tpu.memory_space<hbm>>) dst(%arg6 : memref<1280xi32, #tpu.memory_space<vmem>>)
      tpu.yield
    }) : () -> ()
    "tpu.region"() ({
      %run_scoped3A = tpu.sem_alloc : memref<!tpu.dma_semaphore, #tpu.memory_space<semaphore_mem>>
      %dma_start3A = tpu.memref_slice %arg4[%add3A_124] : memref<327680xi32, #tpu.memory_space<hbm>> -> memref<1280xi32, #tpu.memory_space<hbm>>
      %dma_start3A_137 = tpu.memref_slice %arg4[%add3A_124] : memref<327680xi32, #tpu.memory_space<hbm>> -> memref<1280xi32, #tpu.memory_space<hbm>>
      tpu.enqueue_dma source(%dma_start3A_137 : memref<1280xi32, #tpu.memory_space<hbm>>) target(%arg7 : memref<1280xi32, #tpu.memory_space<vmem>>) target_semaphore(%run_scoped3A : memref<!tpu.dma_semaphore, #tpu.memory_space<semaphore_mem>>)
      %dma_wait3A = tpu.memref_slice %arg4[%add3A_124] : memref<327680xi32, #tpu.memory_space<hbm>> -> memref<1280xi32, #tpu.memory_space<hbm>>
      %dma_wait3A_138 = tpu.memref_slice %arg4[%add3A_124] : memref<327680xi32, #tpu.memory_space<hbm>> -> memref<1280xi32, #tpu.memory_space<hbm>>
      tpu.wait_dma2 semaphore(%run_scoped3A : memref<!tpu.dma_semaphore, #tpu.memory_space<semaphore_mem>>) src(%dma_wait3A_138 : memref<1280xi32, #tpu.memory_space<hbm>>) dst(%arg7 : memref<1280xi32, #tpu.memory_space<vmem>>)
      tpu.yield
    }) : () -> ()
    %scan3A_125 = arith.constant 0 : i32
    %scan3A_126 = arith.constant 0 : i32
    %scan3A_127 = arith.constant 4 : i32
    %scan3A_128 = arith.addi %scan3A_126, %scan3A_127 : i32
    %scan3A_129 = arith.constant 1 : i32
    %scan3A_130 = scf.for %scan3A_137 = %scan3A_126 to %scan3A_128 step %scan3A_129 iter_args(%scan3A_138 = %scan3A_125) -> (i32)  : i32 {
      %mul3A_139 = arith.constant 320 : i32
      %mul3A_140 = arith.muli %scan3A_137, %mul3A_139 : i32
      %mul3A_141 = arith.constant 320 : i32
      %mul3A_142 = arith.muli %scan3A_137, %mul3A_141 : i32
      %dma_start3A = tpu.memref_slice %arg6[%mul3A_140] : memref<1280xi32, #tpu.memory_space<vmem>> -> memref<320xi32, #tpu.memory_space<vmem>>
      %dma_start3A_143 = arith.constant 0 : i32
      %dma_start3A_144 = arith.constant 0 : i32
      %dma_start3A_145 = tpu.memref_slice %arg2[%dma_start3A_143, %dma_start3A_144] : memref<10112x128xf32, #tpu.memory_space<hbm>> -> memref<10112x128xf32, #tpu.memory_space<hbm>>
      tpu.enqueue_indirect_dma source(%dma_start3A_145 : memref<10112x128xf32, #tpu.memory_space<hbm>>) target(%arg8 : memref<320x128xf32, #tpu.memory_space<vmem>>) offsets(%dma_start3A : memref<320xi32, #tpu.memory_space<vmem>>) semaphore(%arg10 : memref<!tpu.dma_semaphore, #tpu.memory_space<semaphore_mem>>)
      %dma_wait3A = tpu.memref_slice %arg6[%mul3A_140] : memref<1280xi32, #tpu.memory_space<vmem>> -> memref<320xi32, #tpu.memory_space<vmem>>
      %dma_wait3A_146 = arith.constant 0 : i32
      %dma_wait3A_147 = arith.constant 0 : i32
      %dma_wait3A_148 = tpu.memref_slice %arg2[%dma_wait3A_146, %dma_wait3A_147] : memref<10112x128xf32, #tpu.memory_space<hbm>> -> memref<10112x128xf32, #tpu.memory_space<hbm>>
      tpu.wait_indirect_dma semaphore(%arg10 : memref<!tpu.dma_semaphore, #tpu.memory_space<semaphore_mem>>) src(%dma_wait3A_148 : memref<10112x128xf32, #tpu.memory_space<hbm>>) dst(%arg8 : memref<320x128xf32, #tpu.memory_space<vmem>>)
      "tpu.region"() ({
        %run_scoped3A = tpu.sem_alloc : memref<!tpu.dma_semaphore, #tpu.memory_space<semaphore_mem>>
        %dma_start3A_150 = tpu.memref_slice %arg7[%mul3A_142] : memref<1280xi32, #tpu.memory_space<vmem>> -> memref<320xi32, #tpu.memory_space<vmem>>
        %dma_start3A_151 = arith.constant 0 : i32
        %dma_start3A_152 = arith.constant 0 : i32
        %dma_start3A_153 = tpu.memref_slice %arg9[%dma_start3A_151, %dma_start3A_152] : memref<10112x128xf32, #tpu.memory_space<vmem_shared>> -> memref<10112x128xf32, #tpu.memory_space<vmem_shared>>
        tpu.enqueue_indirect_dma source(%arg8 : memref<320x128xf32, #tpu.memory_space<vmem>>) target(%dma_start3A_153 : memref<10112x128xf32, #tpu.memory_space<vmem_shared>>) offsets(%dma_start3A_150 : memref<320xi32, #tpu.memory_space<vmem>>) semaphore(%run_scoped3A : memref<!tpu.dma_semaphore, #tpu.memory_space<semaphore_mem>>) {add = true}
        %dma_wait3A_154 = tpu.memref_slice %arg7[%mul3A_142] : memref<1280xi32, #tpu.memory_space<vmem>> -> memref<320xi32, #tpu.memory_space<vmem>>
        %dma_wait3A_155 = arith.constant 0 : i32
        %dma_wait3A_156 = arith.constant 0 : i32
        %dma_wait3A_157 = tpu.memref_slice %arg9[%dma_wait3A_155, %dma_wait3A_156] : memref<10112x128xf32, #tpu.memory_space<vmem_shared>> -> memref<10112x128xf32, #tpu.memory_space<vmem_shared>>
        tpu.wait_indirect_dma semaphore(%run_scoped3A : memref<!tpu.dma_semaphore, #tpu.memory_space<semaphore_mem>>) src(%arg8 : memref<320x128xf32, #tpu.memory_space<vmem>>) dst(%dma_wait3A_157 : memref<10112x128xf32, #tpu.memory_space<vmem_shared>>)
        tpu.yield
      }) : () -> ()
      %scan3A_149 = arith.constant 0 : i32
      scf.yield %scan3A_149 : i32
    }
    %scan3A_131 = arith.constant 4 : i32
    %barrier3A_132 = arith.constant 0 : index
    tpu.barrier barrier_id(%barrier3A_132)
    %mul3A_133 = arith.constant 632 : i32
    %mul3A_134 = arith.muli %arg1, %mul3A_133 : i32
    %mul3A_135 = arith.constant 632 : i32
    %mul3A_136 = arith.muli %arg1, %mul3A_135 : i32
    "tpu.region"() ({
      %run_scoped3A = tpu.sem_alloc : memref<!tpu.dma_semaphore, #tpu.memory_space<semaphore_mem>>
      %dma_start3A = arith.constant 0 : i32
      %dma_start3A_137 = arith.constant 0 : i32
      %dma_start3A_138 = tpu.memref_slice %arg5[%arg0, %dma_start3A, %dma_start3A_137] : memref<2x10112x128xf32, #tpu.memory_space<hbm>> -> memref<1x10112x128xf32, #tpu.memory_space<hbm>>
      %dma_start3A_139 = tpu.memref_squeeze %dma_start3A_138 : memref<1x10112x128xf32, #tpu.memory_space<hbm>> -> memref<10112x128xf32, #tpu.memory_space<hbm>>
      %dma_start3A_140 = arith.constant 0 : i32
      %dma_start3A_141 = tpu.memref_slice %dma_start3A_139[%mul3A_136, %dma_start3A_140] : memref<10112x128xf32, #tpu.memory_space<hbm>> -> memref<632x128xf32, #tpu.memory_space<hbm>>
      %dma_start3A_142 = arith.constant 0 : i32
      %dma_start3A_143 = tpu.memref_slice %arg9[%mul3A_134, %dma_start3A_142] : memref<10112x128xf32, #tpu.memory_space<vmem_shared>> -> memref<632x128xf32, #tpu.memory_space<vmem_shared>>
      tpu.enqueue_dma source(%dma_start3A_143 : memref<632x128xf32, #tpu.memory_space<vmem_shared>>) target(%dma_start3A_141 : memref<632x128xf32, #tpu.memory_space<hbm>>) target_semaphore(%run_scoped3A : memref<!tpu.dma_semaphore, #tpu.memory_space<semaphore_mem>>)
      %dma_wait3A = arith.constant 0 : i32
      %dma_wait3A_144 = arith.constant 0 : i32
      %dma_wait3A_145 = tpu.memref_slice %arg5[%arg0, %dma_wait3A, %dma_wait3A_144] : memref<2x10112x128xf32, #tpu.memory_space<hbm>> -> memref<1x10112x128xf32, #tpu.memory_space<hbm>>
      %dma_wait3A_146 = tpu.memref_squeeze %dma_wait3A_145 : memref<1x10112x128xf32, #tpu.memory_space<hbm>> -> memref<10112x128xf32, #tpu.memory_space<hbm>>
      %dma_wait3A_147 = arith.constant 0 : i32
      %dma_wait3A_148 = tpu.memref_slice %dma_wait3A_146[%mul3A_136, %dma_wait3A_147] : memref<10112x128xf32, #tpu.memory_space<hbm>> -> memref<632x128xf32, #tpu.memory_space<hbm>>
      %dma_wait3A_149 = arith.constant 0 : i32
      %dma_wait3A_150 = tpu.memref_slice %arg9[%mul3A_134, %dma_wait3A_149] : memref<10112x128xf32, #tpu.memory_space<vmem_shared>> -> memref<632x128xf32, #tpu.memory_space<vmem_shared>>
      tpu.wait_dma2 semaphore(%run_scoped3A : memref<!tpu.dma_semaphore, #tpu.memory_space<semaphore_mem>>) src(%dma_wait3A_150 : memref<632x128xf32, #tpu.memory_space<vmem_shared>>) dst(%dma_wait3A_148 : memref<632x128xf32, #tpu.memory_space<hbm>>)
      tpu.yield
    }) : () -> ()
    return
  }
}

#map = affine_map<(d0, d1) -> (0, 0)>
#map1 = affine_map<(d0, d1) -> (0)>
#map2 = affine_map<(d0, d1) -> (0, 0, 0)>
module attributes {stable_mosaic.version = 14 : i64} {
  func.func @_sc_agg_body(%arg0: i32, %arg1: i32, %arg2: memref<10112x128xf32, #tpu.memory_space<hbm>>, %arg3: memref<327680xi32, #tpu.memory_space<hbm>>, %arg4: memref<327680xi32, #tpu.memory_space<hbm>>, %arg5: memref<2x10112x128xf32, #tpu.memory_space<hbm>>, %arg6: memref<1280xi32, #tpu.memory_space<vmem>>, %arg7: memref<1280xi32, #tpu.memory_space<vmem>>, %arg8: memref<320x128xf32, #tpu.memory_space<vmem>>, %arg9: memref<10112x128xf32, #tpu.memory_space<vmem_shared>>, %arg10: memref<!tpu.dma_semaphore, #tpu.memory_space<semaphore_mem>>) attributes {dimension_semantics = [#tpu.dimension_semantics<core_parallel>, #tpu.dimension_semantics<subcore_parallel>], iteration_bounds = array<i64: 2, 16>, scalar_prefetch = 0 : i64, scratch_operands = 5 : i64, tpu.core_type = #tpu.core_type<sc_vector_subcore>, window_params = [{transform_indices = #map}, {transform_indices = #map1}, {transform_indices = #map1}, {transform_indices = #map2}]} {
    %mul3A = arith.constant 16 : i32
    %mul3A_0 = arith.muli %arg0, %mul3A : i32
    %add3A = arith.addi %mul3A_0, %arg1 : i32
    %broadcast_in_dim3A = arith.constant 0.000000e+00 : f32
    %broadcast_in_dim3A_1 = vector.broadcast %broadcast_in_dim3A : f32 to vector<16xf32>
    %scan3A = arith.constant 0 : i32
    %scan3A_2 = arith.constant 0 : i32
    %scan3A_3 = arith.constant 1024 : i32
    %scan3A_4 = arith.addi %scan3A_2, %scan3A_3 : i32
    %scan3A_5 = arith.constant 1 : i32
    %scan3A_6 = scf.for %scan3A_137 = %scan3A_2 to %scan3A_4 step %scan3A_5 iter_args(%scan3A_138 = %scan3A) -> (i32)  : i32 {
      %jit3A = arith.constant 8 : i32
      %div3A = arith.divsi %scan3A_137, %jit3A : i32
      %sign3A = arith.constant 0 : i32
      %sign3A_139 = arith.cmpi sgt, %scan3A_137, %sign3A : i32
      %sign3A_140 = arith.extui %sign3A_139 : i1 to i32
      %sign3A_141 = arith.constant 0 : i32
      %sign3A_142 = arith.cmpi slt, %scan3A_137, %sign3A_141 : i32
      %sign3A_143 = arith.extui %sign3A_142 : i1 to i32
      %sign3A_144 = arith.subi %sign3A_140, %sign3A_143 : i32
      %sign3A_145 = arith.constant 0 : i32
      %sign3A_146 = arith.cmpi sgt, %jit3A, %sign3A_145 : i32
      %sign3A_147 = arith.extui %sign3A_146 : i1 to i32
      %sign3A_148 = arith.constant 0 : i32
      %sign3A_149 = arith.cmpi slt, %jit3A, %sign3A_148 : i32
      %sign3A_150 = arith.extui %sign3A_149 : i1 to i32
      %sign3A_151 = arith.subi %sign3A_147, %sign3A_150 : i32
      %ne3A = arith.cmpi ne, %sign3A_144, %sign3A_151 : i32
      %rem3A = arith.remsi %scan3A_137, %jit3A : i32
      %ne3A_152 = arith.constant 0 : i32
      %ne3A_153 = arith.cmpi ne, %rem3A, %ne3A_152 : i32
      %and3A = arith.andi %ne3A, %ne3A_153 : i1
      %sub3A = arith.constant 1 : i32
      %sub3A_154 = arith.subi %div3A, %sub3A : i32
      %select_n3A = arith.select %and3A, %sub3A_154, %div3A : i32
      %jit3A_155 = arith.constant 8 : i32
      %eq3A = arith.constant 0 : i32
      %eq3A_156 = arith.cmpi eq, %jit3A_155, %eq3A : i32
      %jit3A_157 = arith.constant 1 : i32
      %select_n3A_158 = arith.select %eq3A_156, %jit3A_157, %jit3A_155 : i32
      %rem3A_159 = arith.remsi %scan3A_137, %select_n3A_158 : i32
      %ne3A_160 = arith.constant 0 : i32
      %ne3A_161 = arith.cmpi ne, %rem3A_159, %ne3A_160 : i32
      %lt3A = arith.constant 0 : i32
      %lt3A_162 = arith.cmpi slt, %rem3A_159, %lt3A : i32
      %lt3A_163 = arith.constant 0 : i32
      %lt3A_164 = arith.cmpi slt, %select_n3A_158, %lt3A_163 : i32
      %ne3A_165 = arith.xori %lt3A_162, %lt3A_164 : i1
      %and3A_166 = arith.andi %ne3A_165, %ne3A_161 : i1
      %add3A_167 = arith.addi %rem3A_159, %select_n3A_158 : i32
      %select_n3A_168 = arith.select %and3A_166, %add3A_167, %rem3A_159 : i32
      %mul3A_169 = arith.constant 16 : i32
      %mul3A_170 = arith.muli %select_n3A_168, %mul3A_169 : i32
      %swap3A = arith.index_cast %select_n3A : i32 to index
      %swap3A_171 = arith.index_cast %mul3A_170 : i32 to index
      %swap3A_172 = tpu.vector_load %arg8[%swap3A, %swap3A_171] {strides = array<i32>} : memref<320x128xf32, #tpu.memory_space<vmem>>, vector<1x16xf32>,
      %swap3A_173 = vector.shape_cast %swap3A_172 : vector<1x16xf32> to vector<16xf32>
      %swap3A_174 = vector.shape_cast %broadcast_in_dim3A_1 : vector<16xf32> to vector<1x16xf32>
      tpu.vector_store %arg8[%swap3A, %swap3A_171], %swap3A_174 {strides = array<i32>} : memref<320x128xf32, #tpu.memory_space<vmem>>, vector<1x16xf32>,
      %scan3A_175 = arith.constant 0 : i32
      scf.yield %scan3A_175 : i32
    }
    %scan3A_7 = arith.constant 1024 : i32
    %mul3A_8 = arith.constant 632 : i32
    %mul3A_9 = arith.muli %arg1, %mul3A_8 : i32
    %add3A_10 = arith.constant 0 : i32
    %add3A_11 = arith.addi %mul3A_9, %add3A_10 : i32
    "tpu.region"() ({
      %run_scoped3A = tpu.sem_alloc : memref<!tpu.dma_semaphore, #tpu.memory_space<semaphore_mem>>
      %dma_start3A = arith.constant 0 : i32
      %dma_start3A_137 = arith.constant 0 : i32
      %dma_start3A_138 = tpu.memref_slice %arg8[%dma_start3A, %dma_start3A_137] : memref<320x128xf32, #tpu.memory_space<vmem>> -> memref<128x128xf32, #tpu.memory_space<vmem>>
      %dma_start3A_139 = arith.constant 0 : i32
      %dma_start3A_140 = tpu.memref_slice %arg9[%add3A_11, %dma_start3A_139] : memref<10112x128xf32, #tpu.memory_space<vmem_shared>> -> memref<128x128xf32, #tpu.memory_space<vmem_shared>>
      %dma_start3A_141 = arith.constant 0 : i32
      %dma_start3A_142 = tpu.memref_slice %arg9[%add3A_11, %dma_start3A_141] : memref<10112x128xf32, #tpu.memory_space<vmem_shared>> -> memref<128x128xf32, #tpu.memory_space<vmem_shared>>
      %dma_start3A_143 = arith.constant 0 : i32
      %dma_start3A_144 = arith.constant 0 : i32
      %dma_start3A_145 = tpu.memref_slice %arg8[%dma_start3A_143, %dma_start3A_144] : memref<320x128xf32, #tpu.memory_space<vmem>> -> memref<128x128xf32, #tpu.memory_space<vmem>>
      tpu.enqueue_dma source(%dma_start3A_145 : memref<128x128xf32, #tpu.memory_space<vmem>>) target(%dma_start3A_142 : memref<128x128xf32, #tpu.memory_space<vmem_shared>>) target_semaphore(%run_scoped3A : memref<!tpu.dma_semaphore, #tpu.memory_space<semaphore_mem>>)
      %dma_wait3A = arith.constant 0 : i32
      %dma_wait3A_146 = arith.constant 0 : i32
      %dma_wait3A_147 = tpu.memref_slice %arg8[%dma_wait3A, %dma_wait3A_146] : memref<320x128xf32, #tpu.memory_space<vmem>> -> memref<128x128xf32, #tpu.memory_space<vmem>>
      %dma_wait3A_148 = arith.constant 0 : i32
      %dma_wait3A_149 = tpu.memref_slice %arg9[%add3A_11, %dma_wait3A_148] : memref<10112x128xf32, #tpu.memory_space<vmem_shared>> -> memref<128x128xf32, #tpu.memory_space<vmem_shared>>
      %dma_wait3A_150 = arith.constant 0 : i32
      %dma_wait3A_151 = tpu.memref_slice %arg9[%add3A_11, %dma_wait3A_150] : memref<10112x128xf32, #tpu.memory_space<vmem_shared>> -> memref<128x128xf32, #tpu.memory_space<vmem_shared>>
      %dma_wait3A_152 = arith.constant 0 : i32
      %dma_wait3A_153 = arith.constant 0 : i32
      %dma_wait3A_154 = tpu.memref_slice %arg8[%dma_wait3A_152, %dma_wait3A_153] : memref<320x128xf32, #tpu.memory_space<vmem>> -> memref<128x128xf32, #tpu.memory_space<vmem>>
      tpu.wait_dma2 semaphore(%run_scoped3A : memref<!tpu.dma_semaphore, #tpu.memory_space<semaphore_mem>>) src(%dma_wait3A_154 : memref<128x128xf32, #tpu.memory_space<vmem>>) dst(%dma_wait3A_151 : memref<128x128xf32, #tpu.memory_space<vmem_shared>>)
      tpu.yield
    }) : () -> ()
    %mul3A_12 = arith.constant 632 : i32
    %mul3A_13 = arith.muli %arg1, %mul3A_12 : i32
    %add3A_14 = arith.constant 128 : i32
    %add3A_15 = arith.addi %mul3A_13, %add3A_14 : i32
    "tpu.region"() ({
      %run_scoped3A = tpu.sem_alloc : memref<!tpu.dma_semaphore, #tpu.memory_space<semaphore_mem>>
      %dma_start3A = arith.constant 0 : i32
      %dma_start3A_137 = arith.constant 0 : i32
      %dma_start3A_138 = tpu.memref_slice %arg8[%dma_start3A, %dma_start3A_137] : memref<320x128xf32, #tpu.memory_space<vmem>> -> memref<128x128xf32, #tpu.memory_space<vmem>>
      %dma_start3A_139 = arith.constant 0 : i32
      %dma_start3A_140 = tpu.memref_slice %arg9[%add3A_15, %dma_start3A_139] : memref<10112x128xf32, #tpu.memory_space<vmem_shared>> -> memref<128x128xf32, #tpu.memory_space<vmem_shared>>
      %dma_start3A_141 = arith.constant 0 : i32
      %dma_start3A_142 = tpu.memref_slice %arg9[%add3A_15, %dma_start3A_141] : memref<10112x128xf32, #tpu.memory_space<vmem_shared>> -> memref<128x128xf32, #tpu.memory_space<vmem_shared>>
      %dma_start3A_143 = arith.constant 0 : i32
      %dma_start3A_144 = arith.constant 0 : i32
      %dma_start3A_145 = tpu.memref_slice %arg8[%dma_start3A_143, %dma_start3A_144] : memref<320x128xf32, #tpu.memory_space<vmem>> -> memref<128x128xf32, #tpu.memory_space<vmem>>
      tpu.enqueue_dma source(%dma_start3A_145 : memref<128x128xf32, #tpu.memory_space<vmem>>) target(%dma_start3A_142 : memref<128x128xf32, #tpu.memory_space<vmem_shared>>) target_semaphore(%run_scoped3A : memref<!tpu.dma_semaphore, #tpu.memory_space<semaphore_mem>>)
      %dma_wait3A = arith.constant 0 : i32
      %dma_wait3A_146 = arith.constant 0 : i32
      %dma_wait3A_147 = tpu.memref_slice %arg8[%dma_wait3A, %dma_wait3A_146] : memref<320x128xf32, #tpu.memory_space<vmem>> -> memref<128x128xf32, #tpu.memory_space<vmem>>
      %dma_wait3A_148 = arith.constant 0 : i32
      %dma_wait3A_149 = tpu.memref_slice %arg9[%add3A_15, %dma_wait3A_148] : memref<10112x128xf32, #tpu.memory_space<vmem_shared>> -> memref<128x128xf32, #tpu.memory_space<vmem_shared>>
      %dma_wait3A_150 = arith.constant 0 : i32
      %dma_wait3A_151 = tpu.memref_slice %arg9[%add3A_15, %dma_wait3A_150] : memref<10112x128xf32, #tpu.memory_space<vmem_shared>> -> memref<128x128xf32, #tpu.memory_space<vmem_shared>>
      %dma_wait3A_152 = arith.constant 0 : i32
      %dma_wait3A_153 = arith.constant 0 : i32
      %dma_wait3A_154 = tpu.memref_slice %arg8[%dma_wait3A_152, %dma_wait3A_153] : memref<320x128xf32, #tpu.memory_space<vmem>> -> memref<128x128xf32, #tpu.memory_space<vmem>>
      tpu.wait_dma2 semaphore(%run_scoped3A : memref<!tpu.dma_semaphore, #tpu.memory_space<semaphore_mem>>) src(%dma_wait3A_154 : memref<128x128xf32, #tpu.memory_space<vmem>>) dst(%dma_wait3A_151 : memref<128x128xf32, #tpu.memory_space<vmem_shared>>)
      tpu.yield
    }) : () -> ()
    %mul3A_16 = arith.constant 632 : i32
    %mul3A_17 = arith.muli %arg1, %mul3A_16 : i32
    %add3A_18 = arith.constant 256 : i32
    %add3A_19 = arith.addi %mul3A_17, %add3A_18 : i32
    "tpu.region"() ({
      %run_scoped3A = tpu.sem_alloc : memref<!tpu.dma_semaphore, #tpu.memory_space<semaphore_mem>>
      %dma_start3A = arith.constant 0 : i32
      %dma_start3A_137 = arith.constant 0 : i32
      %dma_start3A_138 = tpu.memref_slice %arg8[%dma_start3A, %dma_start3A_137] : memref<320x128xf32, #tpu.memory_space<vmem>> -> memref<128x128xf32, #tpu.memory_space<vmem>>
      %dma_start3A_139 = arith.constant 0 : i32
      %dma_start3A_140 = tpu.memref_slice %arg9[%add3A_19, %dma_start3A_139] : memref<10112x128xf32, #tpu.memory_space<vmem_shared>> -> memref<128x128xf32, #tpu.memory_space<vmem_shared>>
      %dma_start3A_141 = arith.constant 0 : i32
      %dma_start3A_142 = tpu.memref_slice %arg9[%add3A_19, %dma_start3A_141] : memref<10112x128xf32, #tpu.memory_space<vmem_shared>> -> memref<128x128xf32, #tpu.memory_space<vmem_shared>>
      %dma_start3A_143 = arith.constant 0 : i32
      %dma_start3A_144 = arith.constant 0 : i32
      %dma_start3A_145 = tpu.memref_slice %arg8[%dma_start3A_143, %dma_start3A_144] : memref<320x128xf32, #tpu.memory_space<vmem>> -> memref<128x128xf32, #tpu.memory_space<vmem>>
      tpu.enqueue_dma source(%dma_start3A_145 : memref<128x128xf32, #tpu.memory_space<vmem>>) target(%dma_start3A_142 : memref<128x128xf32, #tpu.memory_space<vmem_shared>>) target_semaphore(%run_scoped3A : memref<!tpu.dma_semaphore, #tpu.memory_space<semaphore_mem>>)
      %dma_wait3A = arith.constant 0 : i32
      %dma_wait3A_146 = arith.constant 0 : i32
      %dma_wait3A_147 = tpu.memref_slice %arg8[%dma_wait3A, %dma_wait3A_146] : memref<320x128xf32, #tpu.memory_space<vmem>> -> memref<128x128xf32, #tpu.memory_space<vmem>>
      %dma_wait3A_148 = arith.constant 0 : i32
      %dma_wait3A_149 = tpu.memref_slice %arg9[%add3A_19, %dma_wait3A_148] : memref<10112x128xf32, #tpu.memory_space<vmem_shared>> -> memref<128x128xf32, #tpu.memory_space<vmem_shared>>
      %dma_wait3A_150 = arith.constant 0 : i32
      %dma_wait3A_151 = tpu.memref_slice %arg9[%add3A_19, %dma_wait3A_150] : memref<10112x128xf32, #tpu.memory_space<vmem_shared>> -> memref<128x128xf32, #tpu.memory_space<vmem_shared>>
      %dma_wait3A_152 = arith.constant 0 : i32
      %dma_wait3A_153 = arith.constant 0 : i32
      %dma_wait3A_154 = tpu.memref_slice %arg8[%dma_wait3A_152, %dma_wait3A_153] : memref<320x128xf32, #tpu.memory_space<vmem>> -> memref<128x128xf32, #tpu.memory_space<vmem>>
      tpu.wait_dma2 semaphore(%run_scoped3A : memref<!tpu.dma_semaphore, #tpu.memory_space<semaphore_mem>>) src(%dma_wait3A_154 : memref<128x128xf32, #tpu.memory_space<vmem>>) dst(%dma_wait3A_151 : memref<128x128xf32, #tpu.memory_space<vmem_shared>>)
      tpu.yield
    }) : () -> ()
    %mul3A_20 = arith.constant 632 : i32
    %mul3A_21 = arith.muli %arg1, %mul3A_20 : i32
    %add3A_22 = arith.constant 384 : i32
    %add3A_23 = arith.addi %mul3A_21, %add3A_22 : i32
    "tpu.region"() ({
      %run_scoped3A = tpu.sem_alloc : memref<!tpu.dma_semaphore, #tpu.memory_space<semaphore_mem>>
      %dma_start3A = arith.constant 0 : i32
      %dma_start3A_137 = arith.constant 0 : i32
      %dma_start3A_138 = tpu.memref_slice %arg8[%dma_start3A, %dma_start3A_137] : memref<320x128xf32, #tpu.memory_space<vmem>> -> memref<128x128xf32, #tpu.memory_space<vmem>>
      %dma_start3A_139 = arith.constant 0 : i32
      %dma_start3A_140 = tpu.memref_slice %arg9[%add3A_23, %dma_start3A_139] : memref<10112x128xf32, #tpu.memory_space<vmem_shared>> -> memref<128x128xf32, #tpu.memory_space<vmem_shared>>
      %dma_start3A_141 = arith.constant 0 : i32
      %dma_start3A_142 = tpu.memref_slice %arg9[%add3A_23, %dma_start3A_141] : memref<10112x128xf32, #tpu.memory_space<vmem_shared>> -> memref<128x128xf32, #tpu.memory_space<vmem_shared>>
      %dma_start3A_143 = arith.constant 0 : i32
      %dma_start3A_144 = arith.constant 0 : i32
      %dma_start3A_145 = tpu.memref_slice %arg8[%dma_start3A_143, %dma_start3A_144] : memref<320x128xf32, #tpu.memory_space<vmem>> -> memref<128x128xf32, #tpu.memory_space<vmem>>
      tpu.enqueue_dma source(%dma_start3A_145 : memref<128x128xf32, #tpu.memory_space<vmem>>) target(%dma_start3A_142 : memref<128x128xf32, #tpu.memory_space<vmem_shared>>) target_semaphore(%run_scoped3A : memref<!tpu.dma_semaphore, #tpu.memory_space<semaphore_mem>>)
      %dma_wait3A = arith.constant 0 : i32
      %dma_wait3A_146 = arith.constant 0 : i32
      %dma_wait3A_147 = tpu.memref_slice %arg8[%dma_wait3A, %dma_wait3A_146] : memref<320x128xf32, #tpu.memory_space<vmem>> -> memref<128x128xf32, #tpu.memory_space<vmem>>
      %dma_wait3A_148 = arith.constant 0 : i32
      %dma_wait3A_149 = tpu.memref_slice %arg9[%add3A_23, %dma_wait3A_148] : memref<10112x128xf32, #tpu.memory_space<vmem_shared>> -> memref<128x128xf32, #tpu.memory_space<vmem_shared>>
      %dma_wait3A_150 = arith.constant 0 : i32
      %dma_wait3A_151 = tpu.memref_slice %arg9[%add3A_23, %dma_wait3A_150] : memref<10112x128xf32, #tpu.memory_space<vmem_shared>> -> memref<128x128xf32, #tpu.memory_space<vmem_shared>>
      %dma_wait3A_152 = arith.constant 0 : i32
      %dma_wait3A_153 = arith.constant 0 : i32
      %dma_wait3A_154 = tpu.memref_slice %arg8[%dma_wait3A_152, %dma_wait3A_153] : memref<320x128xf32, #tpu.memory_space<vmem>> -> memref<128x128xf32, #tpu.memory_space<vmem>>
      tpu.wait_dma2 semaphore(%run_scoped3A : memref<!tpu.dma_semaphore, #tpu.memory_space<semaphore_mem>>) src(%dma_wait3A_154 : memref<128x128xf32, #tpu.memory_space<vmem>>) dst(%dma_wait3A_151 : memref<128x128xf32, #tpu.memory_space<vmem_shared>>)
      tpu.yield
    }) : () -> ()
    %mul3A_24 = arith.constant 632 : i32
    %mul3A_25 = arith.muli %arg1, %mul3A_24 : i32
    %add3A_26 = arith.constant 512 : i32
    %add3A_27 = arith.addi %mul3A_25, %add3A_26 : i32
    "tpu.region"() ({
      %run_scoped3A = tpu.sem_alloc : memref<!tpu.dma_semaphore, #tpu.memory_space<semaphore_mem>>
      %dma_start3A = arith.constant 0 : i32
      %dma_start3A_137 = arith.constant 0 : i32
      %dma_start3A_138 = tpu.memref_slice %arg8[%dma_start3A, %dma_start3A_137] : memref<320x128xf32, #tpu.memory_space<vmem>> -> memref<120x128xf32, #tpu.memory_space<vmem>>
      %dma_start3A_139 = arith.constant 0 : i32
      %dma_start3A_140 = tpu.memref_slice %arg9[%add3A_27, %dma_start3A_139] : memref<10112x128xf32, #tpu.memory_space<vmem_shared>> -> memref<120x128xf32, #tpu.memory_space<vmem_shared>>
      %dma_start3A_141 = arith.constant 0 : i32
      %dma_start3A_142 = tpu.memref_slice %arg9[%add3A_27, %dma_start3A_141] : memref<10112x128xf32, #tpu.memory_space<vmem_shared>> -> memref<120x128xf32, #tpu.memory_space<vmem_shared>>
      %dma_start3A_143 = arith.constant 0 : i32
      %dma_start3A_144 = arith.constant 0 : i32
      %dma_start3A_145 = tpu.memref_slice %arg8[%dma_start3A_143, %dma_start3A_144] : memref<320x128xf32, #tpu.memory_space<vmem>> -> memref<120x128xf32, #tpu.memory_space<vmem>>
      tpu.enqueue_dma source(%dma_start3A_145 : memref<120x128xf32, #tpu.memory_space<vmem>>) target(%dma_start3A_142 : memref<120x128xf32, #tpu.memory_space<vmem_shared>>) target_semaphore(%run_scoped3A : memref<!tpu.dma_semaphore, #tpu.memory_space<semaphore_mem>>)
      %dma_wait3A = arith.constant 0 : i32
      %dma_wait3A_146 = arith.constant 0 : i32
      %dma_wait3A_147 = tpu.memref_slice %arg8[%dma_wait3A, %dma_wait3A_146] : memref<320x128xf32, #tpu.memory_space<vmem>> -> memref<120x128xf32, #tpu.memory_space<vmem>>
      %dma_wait3A_148 = arith.constant 0 : i32
      %dma_wait3A_149 = tpu.memref_slice %arg9[%add3A_27, %dma_wait3A_148] : memref<10112x128xf32, #tpu.memory_space<vmem_shared>> -> memref<120x128xf32, #tpu.memory_space<vmem_shared>>
      %dma_wait3A_150 = arith.constant 0 : i32
      %dma_wait3A_151 = tpu.memref_slice %arg9[%add3A_27, %dma_wait3A_150] : memref<10112x128xf32, #tpu.memory_space<vmem_shared>> -> memref<120x128xf32, #tpu.memory_space<vmem_shared>>
      %dma_wait3A_152 = arith.constant 0 : i32
      %dma_wait3A_153 = arith.constant 0 : i32
      %dma_wait3A_154 = tpu.memref_slice %arg8[%dma_wait3A_152, %dma_wait3A_153] : memref<320x128xf32, #tpu.memory_space<vmem>> -> memref<120x128xf32, #tpu.memory_space<vmem>>
      tpu.wait_dma2 semaphore(%run_scoped3A : memref<!tpu.dma_semaphore, #tpu.memory_space<semaphore_mem>>) src(%dma_wait3A_154 : memref<120x128xf32, #tpu.memory_space<vmem>>) dst(%dma_wait3A_151 : memref<120x128xf32, #tpu.memory_space<vmem_shared>>)
      tpu.yield
    }) : () -> ()
    %barrier3A = arith.constant 0 : index
    tpu.barrier barrier_id(%barrier3A)
    %mul3A_28 = arith.constant 32 : i32
    %mul3A_29 = arith.muli %add3A, %mul3A_28 : i32
    %mul3A_30 = arith.constant 320 : i32
    %mul3A_31 = arith.muli %mul3A_29, %mul3A_30 : i32
    %add3A_32 = arith.constant 0 : i32
    %add3A_33 = arith.addi %mul3A_31, %add3A_32 : i32
    "tpu.region"() ({
      %run_scoped3A = tpu.sem_alloc : memref<!tpu.dma_semaphore, #tpu.memory_space<semaphore_mem>>
      %dma_start3A = tpu.memref_slice %arg3[%add3A_33] : memref<327680xi32, #tpu.memory_space<hbm>> -> memref<1280xi32, #tpu.memory_space<hbm>>
      %dma_start3A_137 = tpu.memref_slice %arg3[%add3A_33] : memref<327680xi32, #tpu.memory_space<hbm>> -> memref<1280xi32, #tpu.memory_space<hbm>>
      tpu.enqueue_dma source(%dma_start3A_137 : memref<1280xi32, #tpu.memory_space<hbm>>) target(%arg6 : memref<1280xi32, #tpu.memory_space<vmem>>) target_semaphore(%run_scoped3A : memref<!tpu.dma_semaphore, #tpu.memory_space<semaphore_mem>>)
      %dma_wait3A = tpu.memref_slice %arg3[%add3A_33] : memref<327680xi32, #tpu.memory_space<hbm>> -> memref<1280xi32, #tpu.memory_space<hbm>>
      %dma_wait3A_138 = tpu.memref_slice %arg3[%add3A_33] : memref<327680xi32, #tpu.memory_space<hbm>> -> memref<1280xi32, #tpu.memory_space<hbm>>
      tpu.wait_dma2 semaphore(%run_scoped3A : memref<!tpu.dma_semaphore, #tpu.memory_space<semaphore_mem>>) src(%dma_wait3A_138 : memref<1280xi32, #tpu.memory_space<hbm>>) dst(%arg6 : memref<1280xi32, #tpu.memory_space<vmem>>)
      tpu.yield
    }) : () -> ()
    "tpu.region"() ({
      %run_scoped3A = tpu.sem_alloc : memref<!tpu.dma_semaphore, #tpu.memory_space<semaphore_mem>>
      %dma_start3A = tpu.memref_slice %arg4[%add3A_33] : memref<327680xi32, #tpu.memory_space<hbm>> -> memref<1280xi32, #tpu.memory_space<hbm>>
      %dma_start3A_137 = tpu.memref_slice %arg4[%add3A_33] : memref<327680xi32, #tpu.memory_space<hbm>> -> memref<1280xi32, #tpu.memory_space<hbm>>
      tpu.enqueue_dma source(%dma_start3A_137 : memref<1280xi32, #tpu.memory_space<hbm>>) target(%arg7 : memref<1280xi32, #tpu.memory_space<vmem>>) target_semaphore(%run_scoped3A : memref<!tpu.dma_semaphore, #tpu.memory_space<semaphore_mem>>)
      %dma_wait3A = tpu.memref_slice %arg4[%add3A_33] : memref<327680xi32, #tpu.memory_space<hbm>> -> memref<1280xi32, #tpu.memory_space<hbm>>
      %dma_wait3A_138 = tpu.memref_slice %arg4[%add3A_33] : memref<327680xi32, #tpu.memory_space<hbm>> -> memref<1280xi32, #tpu.memory_space<hbm>>
      tpu.wait_dma2 semaphore(%run_scoped3A : memref<!tpu.dma_semaphore, #tpu.memory_space<semaphore_mem>>) src(%dma_wait3A_138 : memref<1280xi32, #tpu.memory_space<hbm>>) dst(%arg7 : memref<1280xi32, #tpu.memory_space<vmem>>)
      tpu.yield
    }) : () -> ()
    %scan3A_34 = arith.constant 0 : i32
    %scan3A_35 = arith.constant 0 : i32
    %scan3A_36 = arith.constant 4 : i32
    %scan3A_37 = arith.addi %scan3A_35, %scan3A_36 : i32
    %scan3A_38 = arith.constant 1 : i32
    %scan3A_39 = scf.for %scan3A_137 = %scan3A_35 to %scan3A_37 step %scan3A_38 iter_args(%scan3A_138 = %scan3A_34) -> (i32)  : i32 {
      %mul3A_139 = arith.constant 320 : i32
      %mul3A_140 = arith.muli %scan3A_137, %mul3A_139 : i32
      %mul3A_141 = arith.constant 320 : i32
      %mul3A_142 = arith.muli %scan3A_137, %mul3A_141 : i32
      %dma_start3A = tpu.memref_slice %arg6[%mul3A_140] : memref<1280xi32, #tpu.memory_space<vmem>> -> memref<320xi32, #tpu.memory_space<vmem>>
      %dma_start3A_143 = arith.constant 0 : i32
      %dma_start3A_144 = arith.constant 0 : i32
      %dma_start3A_145 = tpu.memref_slice %arg2[%dma_start3A_143, %dma_start3A_144] : memref<10112x128xf32, #tpu.memory_space<hbm>> -> memref<10112x128xf32, #tpu.memory_space<hbm>>
      tpu.enqueue_indirect_dma source(%dma_start3A_145 : memref<10112x128xf32, #tpu.memory_space<hbm>>) target(%arg8 : memref<320x128xf32, #tpu.memory_space<vmem>>) offsets(%dma_start3A : memref<320xi32, #tpu.memory_space<vmem>>) semaphore(%arg10 : memref<!tpu.dma_semaphore, #tpu.memory_space<semaphore_mem>>)
      %dma_wait3A = tpu.memref_slice %arg6[%mul3A_140] : memref<1280xi32, #tpu.memory_space<vmem>> -> memref<320xi32, #tpu.memory_space<vmem>>
      %dma_wait3A_146 = arith.constant 0 : i32
      %dma_wait3A_147 = arith.constant 0 : i32
      %dma_wait3A_148 = tpu.memref_slice %arg2[%dma_wait3A_146, %dma_wait3A_147] : memref<10112x128xf32, #tpu.memory_space<hbm>> -> memref<10112x128xf32, #tpu.memory_space<hbm>>
      tpu.wait_indirect_dma semaphore(%arg10 : memref<!tpu.dma_semaphore, #tpu.memory_space<semaphore_mem>>) src(%dma_wait3A_148 : memref<10112x128xf32, #tpu.memory_space<hbm>>) dst(%arg8 : memref<320x128xf32, #tpu.memory_space<vmem>>)
      "tpu.region"() ({
        %run_scoped3A = tpu.sem_alloc : memref<!tpu.dma_semaphore, #tpu.memory_space<semaphore_mem>>
        %dma_start3A_150 = tpu.memref_slice %arg7[%mul3A_142] : memref<1280xi32, #tpu.memory_space<vmem>> -> memref<320xi32, #tpu.memory_space<vmem>>
        %dma_start3A_151 = arith.constant 0 : i32
        %dma_start3A_152 = arith.constant 0 : i32
        %dma_start3A_153 = tpu.memref_slice %arg9[%dma_start3A_151, %dma_start3A_152] : memref<10112x128xf32, #tpu.memory_space<vmem_shared>> -> memref<10112x128xf32, #tpu.memory_space<vmem_shared>>
        tpu.enqueue_indirect_dma source(%arg8 : memref<320x128xf32, #tpu.memory_space<vmem>>) target(%dma_start3A_153 : memref<10112x128xf32, #tpu.memory_space<vmem_shared>>) offsets(%dma_start3A_150 : memref<320xi32, #tpu.memory_space<vmem>>) semaphore(%run_scoped3A : memref<!tpu.dma_semaphore, #tpu.memory_space<semaphore_mem>>) {add = true}
        %dma_wait3A_154 = tpu.memref_slice %arg7[%mul3A_142] : memref<1280xi32, #tpu.memory_space<vmem>> -> memref<320xi32, #tpu.memory_space<vmem>>
        %dma_wait3A_155 = arith.constant 0 : i32
        %dma_wait3A_156 = arith.constant 0 : i32
        %dma_wait3A_157 = tpu.memref_slice %arg9[%dma_wait3A_155, %dma_wait3A_156] : memref<10112x128xf32, #tpu.memory_space<vmem_shared>> -> memref<10112x128xf32, #tpu.memory_space<vmem_shared>>
        tpu.wait_indirect_dma semaphore(%run_scoped3A : memref<!tpu.dma_semaphore, #tpu.memory_space<semaphore_mem>>) src(%arg8 : memref<320x128xf32, #tpu.memory_space<vmem>>) dst(%dma_wait3A_157 : memref<10112x128xf32, #tpu.memory_space<vmem_shared>>)
        tpu.yield
      }) : () -> ()
      %scan3A_149 = arith.constant 0 : i32
      scf.yield %scan3A_149 : i32
    }
    %scan3A_40 = arith.constant 4 : i32
    %mul3A_41 = arith.constant 32 : i32
    %mul3A_42 = arith.muli %add3A, %mul3A_41 : i32
    %mul3A_43 = arith.constant 320 : i32
    %mul3A_44 = arith.muli %mul3A_42, %mul3A_43 : i32
    %add3A_45 = arith.constant 1280 : i32
    %add3A_46 = arith.addi %mul3A_44, %add3A_45 : i32
    "tpu.region"() ({
      %run_scoped3A = tpu.sem_alloc : memref<!tpu.dma_semaphore, #tpu.memory_space<semaphore_mem>>
      %dma_start3A = tpu.memref_slice %arg3[%add3A_46] : memref<327680xi32, #tpu.memory_space<hbm>> -> memref<1280xi32, #tpu.memory_space<hbm>>
      %dma_start3A_137 = tpu.memref_slice %arg3[%add3A_46] : memref<327680xi32, #tpu.memory_space<hbm>> -> memref<1280xi32, #tpu.memory_space<hbm>>
      tpu.enqueue_dma source(%dma_start3A_137 : memref<1280xi32, #tpu.memory_space<hbm>>) target(%arg6 : memref<1280xi32, #tpu.memory_space<vmem>>) target_semaphore(%run_scoped3A : memref<!tpu.dma_semaphore, #tpu.memory_space<semaphore_mem>>)
      %dma_wait3A = tpu.memref_slice %arg3[%add3A_46] : memref<327680xi32, #tpu.memory_space<hbm>> -> memref<1280xi32, #tpu.memory_space<hbm>>
      %dma_wait3A_138 = tpu.memref_slice %arg3[%add3A_46] : memref<327680xi32, #tpu.memory_space<hbm>> -> memref<1280xi32, #tpu.memory_space<hbm>>
      tpu.wait_dma2 semaphore(%run_scoped3A : memref<!tpu.dma_semaphore, #tpu.memory_space<semaphore_mem>>) src(%dma_wait3A_138 : memref<1280xi32, #tpu.memory_space<hbm>>) dst(%arg6 : memref<1280xi32, #tpu.memory_space<vmem>>)
      tpu.yield
    }) : () -> ()
    "tpu.region"() ({
      %run_scoped3A = tpu.sem_alloc : memref<!tpu.dma_semaphore, #tpu.memory_space<semaphore_mem>>
      %dma_start3A = tpu.memref_slice %arg4[%add3A_46] : memref<327680xi32, #tpu.memory_space<hbm>> -> memref<1280xi32, #tpu.memory_space<hbm>>
      %dma_start3A_137 = tpu.memref_slice %arg4[%add3A_46] : memref<327680xi32, #tpu.memory_space<hbm>> -> memref<1280xi32, #tpu.memory_space<hbm>>
      tpu.enqueue_dma source(%dma_start3A_137 : memref<1280xi32, #tpu.memory_space<hbm>>) target(%arg7 : memref<1280xi32, #tpu.memory_space<vmem>>) target_semaphore(%run_scoped3A : memref<!tpu.dma_semaphore, #tpu.memory_space<semaphore_mem>>)
      %dma_wait3A = tpu.memref_slice %arg4[%add3A_46] : memref<327680xi32, #tpu.memory_space<hbm>> -> memref<1280xi32, #tpu.memory_space<hbm>>
      %dma_wait3A_138 = tpu.memref_slice %arg4[%add3A_46] : memref<327680xi32, #tpu.memory_space<hbm>> -> memref<1280xi32, #tpu.memory_space<hbm>>
      tpu.wait_dma2 semaphore(%run_scoped3A : memref<!tpu.dma_semaphore, #tpu.memory_space<semaphore_mem>>) src(%dma_wait3A_138 : memref<1280xi32, #tpu.memory_space<hbm>>) dst(%arg7 : memref<1280xi32, #tpu.memory_space<vmem>>)
      tpu.yield
    }) : () -> ()
    %scan3A_47 = arith.constant 0 : i32
    %scan3A_48 = arith.constant 0 : i32
    %scan3A_49 = arith.constant 4 : i32
    %scan3A_50 = arith.addi %scan3A_48, %scan3A_49 : i32
    %scan3A_51 = arith.constant 1 : i32
    %scan3A_52 = scf.for %scan3A_137 = %scan3A_48 to %scan3A_50 step %scan3A_51 iter_args(%scan3A_138 = %scan3A_47) -> (i32)  : i32 {
      %mul3A_139 = arith.constant 320 : i32
      %mul3A_140 = arith.muli %scan3A_137, %mul3A_139 : i32
      %mul3A_141 = arith.constant 320 : i32
      %mul3A_142 = arith.muli %scan3A_137, %mul3A_141 : i32
      %dma_start3A = tpu.memref_slice %arg6[%mul3A_140] : memref<1280xi32, #tpu.memory_space<vmem>> -> memref<320xi32, #tpu.memory_space<vmem>>
      %dma_start3A_143 = arith.constant 0 : i32
      %dma_start3A_144 = arith.constant 0 : i32
      %dma_start3A_145 = tpu.memref_slice %arg2[%dma_start3A_143, %dma_start3A_144] : memref<10112x128xf32, #tpu.memory_space<hbm>> -> memref<10112x128xf32, #tpu.memory_space<hbm>>
      tpu.enqueue_indirect_dma source(%dma_start3A_145 : memref<10112x128xf32, #tpu.memory_space<hbm>>) target(%arg8 : memref<320x128xf32, #tpu.memory_space<vmem>>) offsets(%dma_start3A : memref<320xi32, #tpu.memory_space<vmem>>) semaphore(%arg10 : memref<!tpu.dma_semaphore, #tpu.memory_space<semaphore_mem>>)
      %dma_wait3A = tpu.memref_slice %arg6[%mul3A_140] : memref<1280xi32, #tpu.memory_space<vmem>> -> memref<320xi32, #tpu.memory_space<vmem>>
      %dma_wait3A_146 = arith.constant 0 : i32
      %dma_wait3A_147 = arith.constant 0 : i32
      %dma_wait3A_148 = tpu.memref_slice %arg2[%dma_wait3A_146, %dma_wait3A_147] : memref<10112x128xf32, #tpu.memory_space<hbm>> -> memref<10112x128xf32, #tpu.memory_space<hbm>>
      tpu.wait_indirect_dma semaphore(%arg10 : memref<!tpu.dma_semaphore, #tpu.memory_space<semaphore_mem>>) src(%dma_wait3A_148 : memref<10112x128xf32, #tpu.memory_space<hbm>>) dst(%arg8 : memref<320x128xf32, #tpu.memory_space<vmem>>)
      "tpu.region"() ({
        %run_scoped3A = tpu.sem_alloc : memref<!tpu.dma_semaphore, #tpu.memory_space<semaphore_mem>>
        %dma_start3A_150 = tpu.memref_slice %arg7[%mul3A_142] : memref<1280xi32, #tpu.memory_space<vmem>> -> memref<320xi32, #tpu.memory_space<vmem>>
        %dma_start3A_151 = arith.constant 0 : i32
        %dma_start3A_152 = arith.constant 0 : i32
        %dma_start3A_153 = tpu.memref_slice %arg9[%dma_start3A_151, %dma_start3A_152] : memref<10112x128xf32, #tpu.memory_space<vmem_shared>> -> memref<10112x128xf32, #tpu.memory_space<vmem_shared>>
        tpu.enqueue_indirect_dma source(%arg8 : memref<320x128xf32, #tpu.memory_space<vmem>>) target(%dma_start3A_153 : memref<10112x128xf32, #tpu.memory_space<vmem_shared>>) offsets(%dma_start3A_150 : memref<320xi32, #tpu.memory_space<vmem>>) semaphore(%run_scoped3A : memref<!tpu.dma_semaphore, #tpu.memory_space<semaphore_mem>>) {add = true}
        %dma_wait3A_154 = tpu.memref_slice %arg7[%mul3A_142] : memref<1280xi32, #tpu.memory_space<vmem>> -> memref<320xi32, #tpu.memory_space<vmem>>
        %dma_wait3A_155 = arith.constant 0 : i32
        %dma_wait3A_156 = arith.constant 0 : i32
        %dma_wait3A_157 = tpu.memref_slice %arg9[%dma_wait3A_155, %dma_wait3A_156] : memref<10112x128xf32, #tpu.memory_space<vmem_shared>> -> memref<10112x128xf32, #tpu.memory_space<vmem_shared>>
        tpu.wait_indirect_dma semaphore(%run_scoped3A : memref<!tpu.dma_semaphore, #tpu.memory_space<semaphore_mem>>) src(%arg8 : memref<320x128xf32, #tpu.memory_space<vmem>>) dst(%dma_wait3A_157 : memref<10112x128xf32, #tpu.memory_space<vmem_shared>>)
        tpu.yield
      }) : () -> ()
      %scan3A_149 = arith.constant 0 : i32
      scf.yield %scan3A_149 : i32
    }
    %scan3A_53 = arith.constant 4 : i32
    %mul3A_54 = arith.constant 32 : i32
    %mul3A_55 = arith.muli %add3A, %mul3A_54 : i32
    %mul3A_56 = arith.constant 320 : i32
    %mul3A_57 = arith.muli %mul3A_55, %mul3A_56 : i32
    %add3A_58 = arith.constant 2560 : i32
    %add3A_59 = arith.addi %mul3A_57, %add3A_58 : i32
    "tpu.region"() ({
      %run_scoped3A = tpu.sem_alloc : memref<!tpu.dma_semaphore, #tpu.memory_space<semaphore_mem>>
      %dma_start3A = tpu.memref_slice %arg3[%add3A_59] : memref<327680xi32, #tpu.memory_space<hbm>> -> memref<1280xi32, #tpu.memory_space<hbm>>
      %dma_start3A_137 = tpu.memref_slice %arg3[%add3A_59] : memref<327680xi32, #tpu.memory_space<hbm>> -> memref<1280xi32, #tpu.memory_space<hbm>>
      tpu.enqueue_dma source(%dma_start3A_137 : memref<1280xi32, #tpu.memory_space<hbm>>) target(%arg6 : memref<1280xi32, #tpu.memory_space<vmem>>) target_semaphore(%run_scoped3A : memref<!tpu.dma_semaphore, #tpu.memory_space<semaphore_mem>>)
      %dma_wait3A = tpu.memref_slice %arg3[%add3A_59] : memref<327680xi32, #tpu.memory_space<hbm>> -> memref<1280xi32, #tpu.memory_space<hbm>>
      %dma_wait3A_138 = tpu.memref_slice %arg3[%add3A_59] : memref<327680xi32, #tpu.memory_space<hbm>> -> memref<1280xi32, #tpu.memory_space<hbm>>
      tpu.wait_dma2 semaphore(%run_scoped3A : memref<!tpu.dma_semaphore, #tpu.memory_space<semaphore_mem>>) src(%dma_wait3A_138 : memref<1280xi32, #tpu.memory_space<hbm>>) dst(%arg6 : memref<1280xi32, #tpu.memory_space<vmem>>)
      tpu.yield
    }) : () -> ()
    "tpu.region"() ({
      %run_scoped3A = tpu.sem_alloc : memref<!tpu.dma_semaphore, #tpu.memory_space<semaphore_mem>>
      %dma_start3A = tpu.memref_slice %arg4[%add3A_59] : memref<327680xi32, #tpu.memory_space<hbm>> -> memref<1280xi32, #tpu.memory_space<hbm>>
      %dma_start3A_137 = tpu.memref_slice %arg4[%add3A_59] : memref<327680xi32, #tpu.memory_space<hbm>> -> memref<1280xi32, #tpu.memory_space<hbm>>
      tpu.enqueue_dma source(%dma_start3A_137 : memref<1280xi32, #tpu.memory_space<hbm>>) target(%arg7 : memref<1280xi32, #tpu.memory_space<vmem>>) target_semaphore(%run_scoped3A : memref<!tpu.dma_semaphore, #tpu.memory_space<semaphore_mem>>)
      %dma_wait3A = tpu.memref_slice %arg4[%add3A_59] : memref<327680xi32, #tpu.memory_space<hbm>> -> memref<1280xi32, #tpu.memory_space<hbm>>
      %dma_wait3A_138 = tpu.memref_slice %arg4[%add3A_59] : memref<327680xi32, #tpu.memory_space<hbm>> -> memref<1280xi32, #tpu.memory_space<hbm>>
      tpu.wait_dma2 semaphore(%run_scoped3A : memref<!tpu.dma_semaphore, #tpu.memory_space<semaphore_mem>>) src(%dma_wait3A_138 : memref<1280xi32, #tpu.memory_space<hbm>>) dst(%arg7 : memref<1280xi32, #tpu.memory_space<vmem>>)
      tpu.yield
    }) : () -> ()
    %scan3A_60 = arith.constant 0 : i32
    %scan3A_61 = arith.constant 0 : i32
    %scan3A_62 = arith.constant 4 : i32
    %scan3A_63 = arith.addi %scan3A_61, %scan3A_62 : i32
    %scan3A_64 = arith.constant 1 : i32
    %scan3A_65 = scf.for %scan3A_137 = %scan3A_61 to %scan3A_63 step %scan3A_64 iter_args(%scan3A_138 = %scan3A_60) -> (i32)  : i32 {
      %mul3A_139 = arith.constant 320 : i32
      %mul3A_140 = arith.muli %scan3A_137, %mul3A_139 : i32
      %mul3A_141 = arith.constant 320 : i32
      %mul3A_142 = arith.muli %scan3A_137, %mul3A_141 : i32
      %dma_start3A = tpu.memref_slice %arg6[%mul3A_140] : memref<1280xi32, #tpu.memory_space<vmem>> -> memref<320xi32, #tpu.memory_space<vmem>>
      %dma_start3A_143 = arith.constant 0 : i32
      %dma_start3A_144 = arith.constant 0 : i32
      %dma_start3A_145 = tpu.memref_slice %arg2[%dma_start3A_143, %dma_start3A_144] : memref<10112x128xf32, #tpu.memory_space<hbm>> -> memref<10112x128xf32, #tpu.memory_space<hbm>>
      tpu.enqueue_indirect_dma source(%dma_start3A_145 : memref<10112x128xf32, #tpu.memory_space<hbm>>) target(%arg8 : memref<320x128xf32, #tpu.memory_space<vmem>>) offsets(%dma_start3A : memref<320xi32, #tpu.memory_space<vmem>>) semaphore(%arg10 : memref<!tpu.dma_semaphore, #tpu.memory_space<semaphore_mem>>)
      %dma_wait3A = tpu.memref_slice %arg6[%mul3A_140] : memref<1280xi32, #tpu.memory_space<vmem>> -> memref<320xi32, #tpu.memory_space<vmem>>
      %dma_wait3A_146 = arith.constant 0 : i32
      %dma_wait3A_147 = arith.constant 0 : i32
      %dma_wait3A_148 = tpu.memref_slice %arg2[%dma_wait3A_146, %dma_wait3A_147] : memref<10112x128xf32, #tpu.memory_space<hbm>> -> memref<10112x128xf32, #tpu.memory_space<hbm>>
      tpu.wait_indirect_dma semaphore(%arg10 : memref<!tpu.dma_semaphore, #tpu.memory_space<semaphore_mem>>) src(%dma_wait3A_148 : memref<10112x128xf32, #tpu.memory_space<hbm>>) dst(%arg8 : memref<320x128xf32, #tpu.memory_space<vmem>>)
      "tpu.region"() ({
        %run_scoped3A = tpu.sem_alloc : memref<!tpu.dma_semaphore, #tpu.memory_space<semaphore_mem>>
        %dma_start3A_150 = tpu.memref_slice %arg7[%mul3A_142] : memref<1280xi32, #tpu.memory_space<vmem>> -> memref<320xi32, #tpu.memory_space<vmem>>
        %dma_start3A_151 = arith.constant 0 : i32
        %dma_start3A_152 = arith.constant 0 : i32
        %dma_start3A_153 = tpu.memref_slice %arg9[%dma_start3A_151, %dma_start3A_152] : memref<10112x128xf32, #tpu.memory_space<vmem_shared>> -> memref<10112x128xf32, #tpu.memory_space<vmem_shared>>
        tpu.enqueue_indirect_dma source(%arg8 : memref<320x128xf32, #tpu.memory_space<vmem>>) target(%dma_start3A_153 : memref<10112x128xf32, #tpu.memory_space<vmem_shared>>) offsets(%dma_start3A_150 : memref<320xi32, #tpu.memory_space<vmem>>) semaphore(%run_scoped3A : memref<!tpu.dma_semaphore, #tpu.memory_space<semaphore_mem>>) {add = true}
        %dma_wait3A_154 = tpu.memref_slice %arg7[%mul3A_142] : memref<1280xi32, #tpu.memory_space<vmem>> -> memref<320xi32, #tpu.memory_space<vmem>>
        %dma_wait3A_155 = arith.constant 0 : i32
        %dma_wait3A_156 = arith.constant 0 : i32
        %dma_wait3A_157 = tpu.memref_slice %arg9[%dma_wait3A_155, %dma_wait3A_156] : memref<10112x128xf32, #tpu.memory_space<vmem_shared>> -> memref<10112x128xf32, #tpu.memory_space<vmem_shared>>
        tpu.wait_indirect_dma semaphore(%run_scoped3A : memref<!tpu.dma_semaphore, #tpu.memory_space<semaphore_mem>>) src(%arg8 : memref<320x128xf32, #tpu.memory_space<vmem>>) dst(%dma_wait3A_157 : memref<10112x128xf32, #tpu.memory_space<vmem_shared>>)
        tpu.yield
      }) : () -> ()
      %scan3A_149 = arith.constant 0 : i32
      scf.yield %scan3A_149 : i32
    }
    %scan3A_66 = arith.constant 4 : i32
    %mul3A_67 = arith.constant 32 : i32
    %mul3A_68 = arith.muli %add3A, %mul3A_67 : i32
    %mul3A_69 = arith.constant 320 : i32
    %mul3A_70 = arith.muli %mul3A_68, %mul3A_69 : i32
    %add3A_71 = arith.constant 3840 : i32
    %add3A_72 = arith.addi %mul3A_70, %add3A_71 : i32
    "tpu.region"() ({
      %run_scoped3A = tpu.sem_alloc : memref<!tpu.dma_semaphore, #tpu.memory_space<semaphore_mem>>
      %dma_start3A = tpu.memref_slice %arg3[%add3A_72] : memref<327680xi32, #tpu.memory_space<hbm>> -> memref<1280xi32, #tpu.memory_space<hbm>>
      %dma_start3A_137 = tpu.memref_slice %arg3[%add3A_72] : memref<327680xi32, #tpu.memory_space<hbm>> -> memref<1280xi32, #tpu.memory_space<hbm>>
      tpu.enqueue_dma source(%dma_start3A_137 : memref<1280xi32, #tpu.memory_space<hbm>>) target(%arg6 : memref<1280xi32, #tpu.memory_space<vmem>>) target_semaphore(%run_scoped3A : memref<!tpu.dma_semaphore, #tpu.memory_space<semaphore_mem>>)
      %dma_wait3A = tpu.memref_slice %arg3[%add3A_72] : memref<327680xi32, #tpu.memory_space<hbm>> -> memref<1280xi32, #tpu.memory_space<hbm>>
      %dma_wait3A_138 = tpu.memref_slice %arg3[%add3A_72] : memref<327680xi32, #tpu.memory_space<hbm>> -> memref<1280xi32, #tpu.memory_space<hbm>>
      tpu.wait_dma2 semaphore(%run_scoped3A : memref<!tpu.dma_semaphore, #tpu.memory_space<semaphore_mem>>) src(%dma_wait3A_138 : memref<1280xi32, #tpu.memory_space<hbm>>) dst(%arg6 : memref<1280xi32, #tpu.memory_space<vmem>>)
      tpu.yield
    }) : () -> ()
    "tpu.region"() ({
      %run_scoped3A = tpu.sem_alloc : memref<!tpu.dma_semaphore, #tpu.memory_space<semaphore_mem>>
      %dma_start3A = tpu.memref_slice %arg4[%add3A_72] : memref<327680xi32, #tpu.memory_space<hbm>> -> memref<1280xi32, #tpu.memory_space<hbm>>
      %dma_start3A_137 = tpu.memref_slice %arg4[%add3A_72] : memref<327680xi32, #tpu.memory_space<hbm>> -> memref<1280xi32, #tpu.memory_space<hbm>>
      tpu.enqueue_dma source(%dma_start3A_137 : memref<1280xi32, #tpu.memory_space<hbm>>) target(%arg7 : memref<1280xi32, #tpu.memory_space<vmem>>) target_semaphore(%run_scoped3A : memref<!tpu.dma_semaphore, #tpu.memory_space<semaphore_mem>>)
      %dma_wait3A = tpu.memref_slice %arg4[%add3A_72] : memref<327680xi32, #tpu.memory_space<hbm>> -> memref<1280xi32, #tpu.memory_space<hbm>>
      %dma_wait3A_138 = tpu.memref_slice %arg4[%add3A_72] : memref<327680xi32, #tpu.memory_space<hbm>> -> memref<1280xi32, #tpu.memory_space<hbm>>
      tpu.wait_dma2 semaphore(%run_scoped3A : memref<!tpu.dma_semaphore, #tpu.memory_space<semaphore_mem>>) src(%dma_wait3A_138 : memref<1280xi32, #tpu.memory_space<hbm>>) dst(%arg7 : memref<1280xi32, #tpu.memory_space<vmem>>)
      tpu.yield
    }) : () -> ()
    %scan3A_73 = arith.constant 0 : i32
    %scan3A_74 = arith.constant 0 : i32
    %scan3A_75 = arith.constant 4 : i32
    %scan3A_76 = arith.addi %scan3A_74, %scan3A_75 : i32
    %scan3A_77 = arith.constant 1 : i32
    %scan3A_78 = scf.for %scan3A_137 = %scan3A_74 to %scan3A_76 step %scan3A_77 iter_args(%scan3A_138 = %scan3A_73) -> (i32)  : i32 {
      %mul3A_139 = arith.constant 320 : i32
      %mul3A_140 = arith.muli %scan3A_137, %mul3A_139 : i32
      %mul3A_141 = arith.constant 320 : i32
      %mul3A_142 = arith.muli %scan3A_137, %mul3A_141 : i32
      %dma_start3A = tpu.memref_slice %arg6[%mul3A_140] : memref<1280xi32, #tpu.memory_space<vmem>> -> memref<320xi32, #tpu.memory_space<vmem>>
      %dma_start3A_143 = arith.constant 0 : i32
      %dma_start3A_144 = arith.constant 0 : i32
      %dma_start3A_145 = tpu.memref_slice %arg2[%dma_start3A_143, %dma_start3A_144] : memref<10112x128xf32, #tpu.memory_space<hbm>> -> memref<10112x128xf32, #tpu.memory_space<hbm>>
      tpu.enqueue_indirect_dma source(%dma_start3A_145 : memref<10112x128xf32, #tpu.memory_space<hbm>>) target(%arg8 : memref<320x128xf32, #tpu.memory_space<vmem>>) offsets(%dma_start3A : memref<320xi32, #tpu.memory_space<vmem>>) semaphore(%arg10 : memref<!tpu.dma_semaphore, #tpu.memory_space<semaphore_mem>>)
      %dma_wait3A = tpu.memref_slice %arg6[%mul3A_140] : memref<1280xi32, #tpu.memory_space<vmem>> -> memref<320xi32, #tpu.memory_space<vmem>>
      %dma_wait3A_146 = arith.constant 0 : i32
      %dma_wait3A_147 = arith.constant 0 : i32
      %dma_wait3A_148 = tpu.memref_slice %arg2[%dma_wait3A_146, %dma_wait3A_147] : memref<10112x128xf32, #tpu.memory_space<hbm>> -> memref<10112x128xf32, #tpu.memory_space<hbm>>
      tpu.wait_indirect_dma semaphore(%arg10 : memref<!tpu.dma_semaphore, #tpu.memory_space<semaphore_mem>>) src(%dma_wait3A_148 : memref<10112x128xf32, #tpu.memory_space<hbm>>) dst(%arg8 : memref<320x128xf32, #tpu.memory_space<vmem>>)
      "tpu.region"() ({
        %run_scoped3A = tpu.sem_alloc : memref<!tpu.dma_semaphore, #tpu.memory_space<semaphore_mem>>
        %dma_start3A_150 = tpu.memref_slice %arg7[%mul3A_142] : memref<1280xi32, #tpu.memory_space<vmem>> -> memref<320xi32, #tpu.memory_space<vmem>>
        %dma_start3A_151 = arith.constant 0 : i32
        %dma_start3A_152 = arith.constant 0 : i32
        %dma_start3A_153 = tpu.memref_slice %arg9[%dma_start3A_151, %dma_start3A_152] : memref<10112x128xf32, #tpu.memory_space<vmem_shared>> -> memref<10112x128xf32, #tpu.memory_space<vmem_shared>>
        tpu.enqueue_indirect_dma source(%arg8 : memref<320x128xf32, #tpu.memory_space<vmem>>) target(%dma_start3A_153 : memref<10112x128xf32, #tpu.memory_space<vmem_shared>>) offsets(%dma_start3A_150 : memref<320xi32, #tpu.memory_space<vmem>>) semaphore(%run_scoped3A : memref<!tpu.dma_semaphore, #tpu.memory_space<semaphore_mem>>) {add = true}
        %dma_wait3A_154 = tpu.memref_slice %arg7[%mul3A_142] : memref<1280xi32, #tpu.memory_space<vmem>> -> memref<320xi32, #tpu.memory_space<vmem>>
        %dma_wait3A_155 = arith.constant 0 : i32
        %dma_wait3A_156 = arith.constant 0 : i32
        %dma_wait3A_157 = tpu.memref_slice %arg9[%dma_wait3A_155, %dma_wait3A_156] : memref<10112x128xf32, #tpu.memory_space<vmem_shared>> -> memref<10112x128xf32, #tpu.memory_space<vmem_shared>>
        tpu.wait_indirect_dma semaphore(%run_scoped3A : memref<!tpu.dma_semaphore, #tpu.memory_space<semaphore_mem>>) src(%arg8 : memref<320x128xf32, #tpu.memory_space<vmem>>) dst(%dma_wait3A_157 : memref<10112x128xf32, #tpu.memory_space<vmem_shared>>)
        tpu.yield
      }) : () -> ()
      %scan3A_149 = arith.constant 0 : i32
      scf.yield %scan3A_149 : i32
    }
    %scan3A_79 = arith.constant 4 : i32
    %mul3A_80 = arith.constant 32 : i32
    %mul3A_81 = arith.muli %add3A, %mul3A_80 : i32
    %mul3A_82 = arith.constant 320 : i32
    %mul3A_83 = arith.muli %mul3A_81, %mul3A_82 : i32
    %add3A_84 = arith.constant 5120 : i32
    %add3A_85 = arith.addi %mul3A_83, %add3A_84 : i32
    "tpu.region"() ({
      %run_scoped3A = tpu.sem_alloc : memref<!tpu.dma_semaphore, #tpu.memory_space<semaphore_mem>>
      %dma_start3A = tpu.memref_slice %arg3[%add3A_85] : memref<327680xi32, #tpu.memory_space<hbm>> -> memref<1280xi32, #tpu.memory_space<hbm>>
      %dma_start3A_137 = tpu.memref_slice %arg3[%add3A_85] : memref<327680xi32, #tpu.memory_space<hbm>> -> memref<1280xi32, #tpu.memory_space<hbm>>
      tpu.enqueue_dma source(%dma_start3A_137 : memref<1280xi32, #tpu.memory_space<hbm>>) target(%arg6 : memref<1280xi32, #tpu.memory_space<vmem>>) target_semaphore(%run_scoped3A : memref<!tpu.dma_semaphore, #tpu.memory_space<semaphore_mem>>)
      %dma_wait3A = tpu.memref_slice %arg3[%add3A_85] : memref<327680xi32, #tpu.memory_space<hbm>> -> memref<1280xi32, #tpu.memory_space<hbm>>
      %dma_wait3A_138 = tpu.memref_slice %arg3[%add3A_85] : memref<327680xi32, #tpu.memory_space<hbm>> -> memref<1280xi32, #tpu.memory_space<hbm>>
      tpu.wait_dma2 semaphore(%run_scoped3A : memref<!tpu.dma_semaphore, #tpu.memory_space<semaphore_mem>>) src(%dma_wait3A_138 : memref<1280xi32, #tpu.memory_space<hbm>>) dst(%arg6 : memref<1280xi32, #tpu.memory_space<vmem>>)
      tpu.yield
    }) : () -> ()
    "tpu.region"() ({
      %run_scoped3A = tpu.sem_alloc : memref<!tpu.dma_semaphore, #tpu.memory_space<semaphore_mem>>
      %dma_start3A = tpu.memref_slice %arg4[%add3A_85] : memref<327680xi32, #tpu.memory_space<hbm>> -> memref<1280xi32, #tpu.memory_space<hbm>>
      %dma_start3A_137 = tpu.memref_slice %arg4[%add3A_85] : memref<327680xi32, #tpu.memory_space<hbm>> -> memref<1280xi32, #tpu.memory_space<hbm>>
      tpu.enqueue_dma source(%dma_start3A_137 : memref<1280xi32, #tpu.memory_space<hbm>>) target(%arg7 : memref<1280xi32, #tpu.memory_space<vmem>>) target_semaphore(%run_scoped3A : memref<!tpu.dma_semaphore, #tpu.memory_space<semaphore_mem>>)
      %dma_wait3A = tpu.memref_slice %arg4[%add3A_85] : memref<327680xi32, #tpu.memory_space<hbm>> -> memref<1280xi32, #tpu.memory_space<hbm>>
      %dma_wait3A_138 = tpu.memref_slice %arg4[%add3A_85] : memref<327680xi32, #tpu.memory_space<hbm>> -> memref<1280xi32, #tpu.memory_space<hbm>>
      tpu.wait_dma2 semaphore(%run_scoped3A : memref<!tpu.dma_semaphore, #tpu.memory_space<semaphore_mem>>) src(%dma_wait3A_138 : memref<1280xi32, #tpu.memory_space<hbm>>) dst(%arg7 : memref<1280xi32, #tpu.memory_space<vmem>>)
      tpu.yield
    }) : () -> ()
    %scan3A_86 = arith.constant 0 : i32
    %scan3A_87 = arith.constant 0 : i32
    %scan3A_88 = arith.constant 4 : i32
    %scan3A_89 = arith.addi %scan3A_87, %scan3A_88 : i32
    %scan3A_90 = arith.constant 1 : i32
    %scan3A_91 = scf.for %scan3A_137 = %scan3A_87 to %scan3A_89 step %scan3A_90 iter_args(%scan3A_138 = %scan3A_86) -> (i32)  : i32 {
      %mul3A_139 = arith.constant 320 : i32
      %mul3A_140 = arith.muli %scan3A_137, %mul3A_139 : i32
      %mul3A_141 = arith.constant 320 : i32
      %mul3A_142 = arith.muli %scan3A_137, %mul3A_141 : i32
      %dma_start3A = tpu.memref_slice %arg6[%mul3A_140] : memref<1280xi32, #tpu.memory_space<vmem>> -> memref<320xi32, #tpu.memory_space<vmem>>
      %dma_start3A_143 = arith.constant 0 : i32
      %dma_start3A_144 = arith.constant 0 : i32
      %dma_start3A_145 = tpu.memref_slice %arg2[%dma_start3A_143, %dma_start3A_144] : memref<10112x128xf32, #tpu.memory_space<hbm>> -> memref<10112x128xf32, #tpu.memory_space<hbm>>
      tpu.enqueue_indirect_dma source(%dma_start3A_145 : memref<10112x128xf32, #tpu.memory_space<hbm>>) target(%arg8 : memref<320x128xf32, #tpu.memory_space<vmem>>) offsets(%dma_start3A : memref<320xi32, #tpu.memory_space<vmem>>) semaphore(%arg10 : memref<!tpu.dma_semaphore, #tpu.memory_space<semaphore_mem>>)
      %dma_wait3A = tpu.memref_slice %arg6[%mul3A_140] : memref<1280xi32, #tpu.memory_space<vmem>> -> memref<320xi32, #tpu.memory_space<vmem>>
      %dma_wait3A_146 = arith.constant 0 : i32
      %dma_wait3A_147 = arith.constant 0 : i32
      %dma_wait3A_148 = tpu.memref_slice %arg2[%dma_wait3A_146, %dma_wait3A_147] : memref<10112x128xf32, #tpu.memory_space<hbm>> -> memref<10112x128xf32, #tpu.memory_space<hbm>>
      tpu.wait_indirect_dma semaphore(%arg10 : memref<!tpu.dma_semaphore, #tpu.memory_space<semaphore_mem>>) src(%dma_wait3A_148 : memref<10112x128xf32, #tpu.memory_space<hbm>>) dst(%arg8 : memref<320x128xf32, #tpu.memory_space<vmem>>)
      "tpu.region"() ({
        %run_scoped3A = tpu.sem_alloc : memref<!tpu.dma_semaphore, #tpu.memory_space<semaphore_mem>>
        %dma_start3A_150 = tpu.memref_slice %arg7[%mul3A_142] : memref<1280xi32, #tpu.memory_space<vmem>> -> memref<320xi32, #tpu.memory_space<vmem>>
        %dma_start3A_151 = arith.constant 0 : i32
        %dma_start3A_152 = arith.constant 0 : i32
        %dma_start3A_153 = tpu.memref_slice %arg9[%dma_start3A_151, %dma_start3A_152] : memref<10112x128xf32, #tpu.memory_space<vmem_shared>> -> memref<10112x128xf32, #tpu.memory_space<vmem_shared>>
        tpu.enqueue_indirect_dma source(%arg8 : memref<320x128xf32, #tpu.memory_space<vmem>>) target(%dma_start3A_153 : memref<10112x128xf32, #tpu.memory_space<vmem_shared>>) offsets(%dma_start3A_150 : memref<320xi32, #tpu.memory_space<vmem>>) semaphore(%run_scoped3A : memref<!tpu.dma_semaphore, #tpu.memory_space<semaphore_mem>>) {add = true}
        %dma_wait3A_154 = tpu.memref_slice %arg7[%mul3A_142] : memref<1280xi32, #tpu.memory_space<vmem>> -> memref<320xi32, #tpu.memory_space<vmem>>
        %dma_wait3A_155 = arith.constant 0 : i32
        %dma_wait3A_156 = arith.constant 0 : i32
        %dma_wait3A_157 = tpu.memref_slice %arg9[%dma_wait3A_155, %dma_wait3A_156] : memref<10112x128xf32, #tpu.memory_space<vmem_shared>> -> memref<10112x128xf32, #tpu.memory_space<vmem_shared>>
        tpu.wait_indirect_dma semaphore(%run_scoped3A : memref<!tpu.dma_semaphore, #tpu.memory_space<semaphore_mem>>) src(%arg8 : memref<320x128xf32, #tpu.memory_space<vmem>>) dst(%dma_wait3A_157 : memref<10112x128xf32, #tpu.memory_space<vmem_shared>>)
        tpu.yield
      }) : () -> ()
      %scan3A_149 = arith.constant 0 : i32
      scf.yield %scan3A_149 : i32
    }
    %scan3A_92 = arith.constant 4 : i32
    %mul3A_93 = arith.constant 32 : i32
    %mul3A_94 = arith.muli %add3A, %mul3A_93 : i32
    %mul3A_95 = arith.constant 320 : i32
    %mul3A_96 = arith.muli %mul3A_94, %mul3A_95 : i32
    %add3A_97 = arith.constant 6400 : i32
    %add3A_98 = arith.addi %mul3A_96, %add3A_97 : i32
    "tpu.region"() ({
      %run_scoped3A = tpu.sem_alloc : memref<!tpu.dma_semaphore, #tpu.memory_space<semaphore_mem>>
      %dma_start3A = tpu.memref_slice %arg3[%add3A_98] : memref<327680xi32, #tpu.memory_space<hbm>> -> memref<1280xi32, #tpu.memory_space<hbm>>
      %dma_start3A_137 = tpu.memref_slice %arg3[%add3A_98] : memref<327680xi32, #tpu.memory_space<hbm>> -> memref<1280xi32, #tpu.memory_space<hbm>>
      tpu.enqueue_dma source(%dma_start3A_137 : memref<1280xi32, #tpu.memory_space<hbm>>) target(%arg6 : memref<1280xi32, #tpu.memory_space<vmem>>) target_semaphore(%run_scoped3A : memref<!tpu.dma_semaphore, #tpu.memory_space<semaphore_mem>>)
      %dma_wait3A = tpu.memref_slice %arg3[%add3A_98] : memref<327680xi32, #tpu.memory_space<hbm>> -> memref<1280xi32, #tpu.memory_space<hbm>>
      %dma_wait3A_138 = tpu.memref_slice %arg3[%add3A_98] : memref<327680xi32, #tpu.memory_space<hbm>> -> memref<1280xi32, #tpu.memory_space<hbm>>
      tpu.wait_dma2 semaphore(%run_scoped3A : memref<!tpu.dma_semaphore, #tpu.memory_space<semaphore_mem>>) src(%dma_wait3A_138 : memref<1280xi32, #tpu.memory_space<hbm>>) dst(%arg6 : memref<1280xi32, #tpu.memory_space<vmem>>)
      tpu.yield
    }) : () -> ()
    "tpu.region"() ({
      %run_scoped3A = tpu.sem_alloc : memref<!tpu.dma_semaphore, #tpu.memory_space<semaphore_mem>>
      %dma_start3A = tpu.memref_slice %arg4[%add3A_98] : memref<327680xi32, #tpu.memory_space<hbm>> -> memref<1280xi32, #tpu.memory_space<hbm>>
      %dma_start3A_137 = tpu.memref_slice %arg4[%add3A_98] : memref<327680xi32, #tpu.memory_space<hbm>> -> memref<1280xi32, #tpu.memory_space<hbm>>
      tpu.enqueue_dma source(%dma_start3A_137 : memref<1280xi32, #tpu.memory_space<hbm>>) target(%arg7 : memref<1280xi32, #tpu.memory_space<vmem>>) target_semaphore(%run_scoped3A : memref<!tpu.dma_semaphore, #tpu.memory_space<semaphore_mem>>)
      %dma_wait3A = tpu.memref_slice %arg4[%add3A_98] : memref<327680xi32, #tpu.memory_space<hbm>> -> memref<1280xi32, #tpu.memory_space<hbm>>
      %dma_wait3A_138 = tpu.memref_slice %arg4[%add3A_98] : memref<327680xi32, #tpu.memory_space<hbm>> -> memref<1280xi32, #tpu.memory_space<hbm>>
      tpu.wait_dma2 semaphore(%run_scoped3A : memref<!tpu.dma_semaphore, #tpu.memory_space<semaphore_mem>>) src(%dma_wait3A_138 : memref<1280xi32, #tpu.memory_space<hbm>>) dst(%arg7 : memref<1280xi32, #tpu.memory_space<vmem>>)
      tpu.yield
    }) : () -> ()
    %scan3A_99 = arith.constant 0 : i32
    %scan3A_100 = arith.constant 0 : i32
    %scan3A_101 = arith.constant 4 : i32
    %scan3A_102 = arith.addi %scan3A_100, %scan3A_101 : i32
    %scan3A_103 = arith.constant 1 : i32
    %scan3A_104 = scf.for %scan3A_137 = %scan3A_100 to %scan3A_102 step %scan3A_103 iter_args(%scan3A_138 = %scan3A_99) -> (i32)  : i32 {
      %mul3A_139 = arith.constant 320 : i32
      %mul3A_140 = arith.muli %scan3A_137, %mul3A_139 : i32
      %mul3A_141 = arith.constant 320 : i32
      %mul3A_142 = arith.muli %scan3A_137, %mul3A_141 : i32
      %dma_start3A = tpu.memref_slice %arg6[%mul3A_140] : memref<1280xi32, #tpu.memory_space<vmem>> -> memref<320xi32, #tpu.memory_space<vmem>>
      %dma_start3A_143 = arith.constant 0 : i32
      %dma_start3A_144 = arith.constant 0 : i32
      %dma_start3A_145 = tpu.memref_slice %arg2[%dma_start3A_143, %dma_start3A_144] : memref<10112x128xf32, #tpu.memory_space<hbm>> -> memref<10112x128xf32, #tpu.memory_space<hbm>>
      tpu.enqueue_indirect_dma source(%dma_start3A_145 : memref<10112x128xf32, #tpu.memory_space<hbm>>) target(%arg8 : memref<320x128xf32, #tpu.memory_space<vmem>>) offsets(%dma_start3A : memref<320xi32, #tpu.memory_space<vmem>>) semaphore(%arg10 : memref<!tpu.dma_semaphore, #tpu.memory_space<semaphore_mem>>)
      %dma_wait3A = tpu.memref_slice %arg6[%mul3A_140] : memref<1280xi32, #tpu.memory_space<vmem>> -> memref<320xi32, #tpu.memory_space<vmem>>
      %dma_wait3A_146 = arith.constant 0 : i32
      %dma_wait3A_147 = arith.constant 0 : i32
      %dma_wait3A_148 = tpu.memref_slice %arg2[%dma_wait3A_146, %dma_wait3A_147] : memref<10112x128xf32, #tpu.memory_space<hbm>> -> memref<10112x128xf32, #tpu.memory_space<hbm>>
      tpu.wait_indirect_dma semaphore(%arg10 : memref<!tpu.dma_semaphore, #tpu.memory_space<semaphore_mem>>) src(%dma_wait3A_148 : memref<10112x128xf32, #tpu.memory_space<hbm>>) dst(%arg8 : memref<320x128xf32, #tpu.memory_space<vmem>>)
      "tpu.region"() ({
        %run_scoped3A = tpu.sem_alloc : memref<!tpu.dma_semaphore, #tpu.memory_space<semaphore_mem>>
        %dma_start3A_150 = tpu.memref_slice %arg7[%mul3A_142] : memref<1280xi32, #tpu.memory_space<vmem>> -> memref<320xi32, #tpu.memory_space<vmem>>
        %dma_start3A_151 = arith.constant 0 : i32
        %dma_start3A_152 = arith.constant 0 : i32
        %dma_start3A_153 = tpu.memref_slice %arg9[%dma_start3A_151, %dma_start3A_152] : memref<10112x128xf32, #tpu.memory_space<vmem_shared>> -> memref<10112x128xf32, #tpu.memory_space<vmem_shared>>
        tpu.enqueue_indirect_dma source(%arg8 : memref<320x128xf32, #tpu.memory_space<vmem>>) target(%dma_start3A_153 : memref<10112x128xf32, #tpu.memory_space<vmem_shared>>) offsets(%dma_start3A_150 : memref<320xi32, #tpu.memory_space<vmem>>) semaphore(%run_scoped3A : memref<!tpu.dma_semaphore, #tpu.memory_space<semaphore_mem>>) {add = true}
        %dma_wait3A_154 = tpu.memref_slice %arg7[%mul3A_142] : memref<1280xi32, #tpu.memory_space<vmem>> -> memref<320xi32, #tpu.memory_space<vmem>>
        %dma_wait3A_155 = arith.constant 0 : i32
        %dma_wait3A_156 = arith.constant 0 : i32
        %dma_wait3A_157 = tpu.memref_slice %arg9[%dma_wait3A_155, %dma_wait3A_156] : memref<10112x128xf32, #tpu.memory_space<vmem_shared>> -> memref<10112x128xf32, #tpu.memory_space<vmem_shared>>
        tpu.wait_indirect_dma semaphore(%run_scoped3A : memref<!tpu.dma_semaphore, #tpu.memory_space<semaphore_mem>>) src(%arg8 : memref<320x128xf32, #tpu.memory_space<vmem>>) dst(%dma_wait3A_157 : memref<10112x128xf32, #tpu.memory_space<vmem_shared>>)
        tpu.yield
      }) : () -> ()
      %scan3A_149 = arith.constant 0 : i32
      scf.yield %scan3A_149 : i32
    }
    %scan3A_105 = arith.constant 4 : i32
    %mul3A_106 = arith.constant 32 : i32
    %mul3A_107 = arith.muli %add3A, %mul3A_106 : i32
    %mul3A_108 = arith.constant 320 : i32
    %mul3A_109 = arith.muli %mul3A_107, %mul3A_108 : i32
    %add3A_110 = arith.constant 7680 : i32
    %add3A_111 = arith.addi %mul3A_109, %add3A_110 : i32
    "tpu.region"() ({
      %run_scoped3A = tpu.sem_alloc : memref<!tpu.dma_semaphore, #tpu.memory_space<semaphore_mem>>
      %dma_start3A = tpu.memref_slice %arg3[%add3A_111] : memref<327680xi32, #tpu.memory_space<hbm>> -> memref<1280xi32, #tpu.memory_space<hbm>>
      %dma_start3A_137 = tpu.memref_slice %arg3[%add3A_111] : memref<327680xi32, #tpu.memory_space<hbm>> -> memref<1280xi32, #tpu.memory_space<hbm>>
      tpu.enqueue_dma source(%dma_start3A_137 : memref<1280xi32, #tpu.memory_space<hbm>>) target(%arg6 : memref<1280xi32, #tpu.memory_space<vmem>>) target_semaphore(%run_scoped3A : memref<!tpu.dma_semaphore, #tpu.memory_space<semaphore_mem>>)
      %dma_wait3A = tpu.memref_slice %arg3[%add3A_111] : memref<327680xi32, #tpu.memory_space<hbm>> -> memref<1280xi32, #tpu.memory_space<hbm>>
      %dma_wait3A_138 = tpu.memref_slice %arg3[%add3A_111] : memref<327680xi32, #tpu.memory_space<hbm>> -> memref<1280xi32, #tpu.memory_space<hbm>>
      tpu.wait_dma2 semaphore(%run_scoped3A : memref<!tpu.dma_semaphore, #tpu.memory_space<semaphore_mem>>) src(%dma_wait3A_138 : memref<1280xi32, #tpu.memory_space<hbm>>) dst(%arg6 : memref<1280xi32, #tpu.memory_space<vmem>>)
      tpu.yield
    }) : () -> ()
    "tpu.region"() ({
      %run_scoped3A = tpu.sem_alloc : memref<!tpu.dma_semaphore, #tpu.memory_space<semaphore_mem>>
      %dma_start3A = tpu.memref_slice %arg4[%add3A_111] : memref<327680xi32, #tpu.memory_space<hbm>> -> memref<1280xi32, #tpu.memory_space<hbm>>
      %dma_start3A_137 = tpu.memref_slice %arg4[%add3A_111] : memref<327680xi32, #tpu.memory_space<hbm>> -> memref<1280xi32, #tpu.memory_space<hbm>>
      tpu.enqueue_dma source(%dma_start3A_137 : memref<1280xi32, #tpu.memory_space<hbm>>) target(%arg7 : memref<1280xi32, #tpu.memory_space<vmem>>) target_semaphore(%run_scoped3A : memref<!tpu.dma_semaphore, #tpu.memory_space<semaphore_mem>>)
      %dma_wait3A = tpu.memref_slice %arg4[%add3A_111] : memref<327680xi32, #tpu.memory_space<hbm>> -> memref<1280xi32, #tpu.memory_space<hbm>>
      %dma_wait3A_138 = tpu.memref_slice %arg4[%add3A_111] : memref<327680xi32, #tpu.memory_space<hbm>> -> memref<1280xi32, #tpu.memory_space<hbm>>
      tpu.wait_dma2 semaphore(%run_scoped3A : memref<!tpu.dma_semaphore, #tpu.memory_space<semaphore_mem>>) src(%dma_wait3A_138 : memref<1280xi32, #tpu.memory_space<hbm>>) dst(%arg7 : memref<1280xi32, #tpu.memory_space<vmem>>)
      tpu.yield
    }) : () -> ()
    %scan3A_112 = arith.constant 0 : i32
    %scan3A_113 = arith.constant 0 : i32
    %scan3A_114 = arith.constant 4 : i32
    %scan3A_115 = arith.addi %scan3A_113, %scan3A_114 : i32
    %scan3A_116 = arith.constant 1 : i32
    %scan3A_117 = scf.for %scan3A_137 = %scan3A_113 to %scan3A_115 step %scan3A_116 iter_args(%scan3A_138 = %scan3A_112) -> (i32)  : i32 {
      %mul3A_139 = arith.constant 320 : i32
      %mul3A_140 = arith.muli %scan3A_137, %mul3A_139 : i32
      %mul3A_141 = arith.constant 320 : i32
      %mul3A_142 = arith.muli %scan3A_137, %mul3A_141 : i32
      %dma_start3A = tpu.memref_slice %arg6[%mul3A_140] : memref<1280xi32, #tpu.memory_space<vmem>> -> memref<320xi32, #tpu.memory_space<vmem>>
      %dma_start3A_143 = arith.constant 0 : i32
      %dma_start3A_144 = arith.constant 0 : i32
      %dma_start3A_145 = tpu.memref_slice %arg2[%dma_start3A_143, %dma_start3A_144] : memref<10112x128xf32, #tpu.memory_space<hbm>> -> memref<10112x128xf32, #tpu.memory_space<hbm>>
      tpu.enqueue_indirect_dma source(%dma_start3A_145 : memref<10112x128xf32, #tpu.memory_space<hbm>>) target(%arg8 : memref<320x128xf32, #tpu.memory_space<vmem>>) offsets(%dma_start3A : memref<320xi32, #tpu.memory_space<vmem>>) semaphore(%arg10 : memref<!tpu.dma_semaphore, #tpu.memory_space<semaphore_mem>>)
      %dma_wait3A = tpu.memref_slice %arg6[%mul3A_140] : memref<1280xi32, #tpu.memory_space<vmem>> -> memref<320xi32, #tpu.memory_space<vmem>>
      %dma_wait3A_146 = arith.constant 0 : i32
      %dma_wait3A_147 = arith.constant 0 : i32
      %dma_wait3A_148 = tpu.memref_slice %arg2[%dma_wait3A_146, %dma_wait3A_147] : memref<10112x128xf32, #tpu.memory_space<hbm>> -> memref<10112x128xf32, #tpu.memory_space<hbm>>
      tpu.wait_indirect_dma semaphore(%arg10 : memref<!tpu.dma_semaphore, #tpu.memory_space<semaphore_mem>>) src(%dma_wait3A_148 : memref<10112x128xf32, #tpu.memory_space<hbm>>) dst(%arg8 : memref<320x128xf32, #tpu.memory_space<vmem>>)
      "tpu.region"() ({
        %run_scoped3A = tpu.sem_alloc : memref<!tpu.dma_semaphore, #tpu.memory_space<semaphore_mem>>
        %dma_start3A_150 = tpu.memref_slice %arg7[%mul3A_142] : memref<1280xi32, #tpu.memory_space<vmem>> -> memref<320xi32, #tpu.memory_space<vmem>>
        %dma_start3A_151 = arith.constant 0 : i32
        %dma_start3A_152 = arith.constant 0 : i32
        %dma_start3A_153 = tpu.memref_slice %arg9[%dma_start3A_151, %dma_start3A_152] : memref<10112x128xf32, #tpu.memory_space<vmem_shared>> -> memref<10112x128xf32, #tpu.memory_space<vmem_shared>>
        tpu.enqueue_indirect_dma source(%arg8 : memref<320x128xf32, #tpu.memory_space<vmem>>) target(%dma_start3A_153 : memref<10112x128xf32, #tpu.memory_space<vmem_shared>>) offsets(%dma_start3A_150 : memref<320xi32, #tpu.memory_space<vmem>>) semaphore(%run_scoped3A : memref<!tpu.dma_semaphore, #tpu.memory_space<semaphore_mem>>) {add = true}
        %dma_wait3A_154 = tpu.memref_slice %arg7[%mul3A_142] : memref<1280xi32, #tpu.memory_space<vmem>> -> memref<320xi32, #tpu.memory_space<vmem>>
        %dma_wait3A_155 = arith.constant 0 : i32
        %dma_wait3A_156 = arith.constant 0 : i32
        %dma_wait3A_157 = tpu.memref_slice %arg9[%dma_wait3A_155, %dma_wait3A_156] : memref<10112x128xf32, #tpu.memory_space<vmem_shared>> -> memref<10112x128xf32, #tpu.memory_space<vmem_shared>>
        tpu.wait_indirect_dma semaphore(%run_scoped3A : memref<!tpu.dma_semaphore, #tpu.memory_space<semaphore_mem>>) src(%arg8 : memref<320x128xf32, #tpu.memory_space<vmem>>) dst(%dma_wait3A_157 : memref<10112x128xf32, #tpu.memory_space<vmem_shared>>)
        tpu.yield
      }) : () -> ()
      %scan3A_149 = arith.constant 0 : i32
      scf.yield %scan3A_149 : i32
    }
    %scan3A_118 = arith.constant 4 : i32
    %mul3A_119 = arith.constant 32 : i32
    %mul3A_120 = arith.muli %add3A, %mul3A_119 : i32
    %mul3A_121 = arith.constant 320 : i32
    %mul3A_122 = arith.muli %mul3A_120, %mul3A_121 : i32
    %add3A_123 = arith.constant 8960 : i32
    %add3A_124 = arith.addi %mul3A_122, %add3A_123 : i32
    "tpu.region"() ({
      %run_scoped3A = tpu.sem_alloc : memref<!tpu.dma_semaphore, #tpu.memory_space<semaphore_mem>>
      %dma_start3A = tpu.memref_slice %arg3[%add3A_124] : memref<327680xi32, #tpu.memory_space<hbm>> -> memref<1280xi32, #tpu.memory_space<hbm>>
      %dma_start3A_137 = tpu.memref_slice %arg3[%add3A_124] : memref<327680xi32, #tpu.memory_space<hbm>> -> memref<1280xi32, #tpu.memory_space<hbm>>
      tpu.enqueue_dma source(%dma_start3A_137 : memref<1280xi32, #tpu.memory_space<hbm>>) target(%arg6 : memref<1280xi32, #tpu.memory_space<vmem>>) target_semaphore(%run_scoped3A : memref<!tpu.dma_semaphore, #tpu.memory_space<semaphore_mem>>)
      %dma_wait3A = tpu.memref_slice %arg3[%add3A_124] : memref<327680xi32, #tpu.memory_space<hbm>> -> memref<1280xi32, #tpu.memory_space<hbm>>
      %dma_wait3A_138 = tpu.memref_slice %arg3[%add3A_124] : memref<327680xi32, #tpu.memory_space<hbm>> -> memref<1280xi32, #tpu.memory_space<hbm>>
      tpu.wait_dma2 semaphore(%run_scoped3A : memref<!tpu.dma_semaphore, #tpu.memory_space<semaphore_mem>>) src(%dma_wait3A_138 : memref<1280xi32, #tpu.memory_space<hbm>>) dst(%arg6 : memref<1280xi32, #tpu.memory_space<vmem>>)
      tpu.yield
    }) : () -> ()
    "tpu.region"() ({
      %run_scoped3A = tpu.sem_alloc : memref<!tpu.dma_semaphore, #tpu.memory_space<semaphore_mem>>
      %dma_start3A = tpu.memref_slice %arg4[%add3A_124] : memref<327680xi32, #tpu.memory_space<hbm>> -> memref<1280xi32, #tpu.memory_space<hbm>>
      %dma_start3A_137 = tpu.memref_slice %arg4[%add3A_124] : memref<327680xi32, #tpu.memory_space<hbm>> -> memref<1280xi32, #tpu.memory_space<hbm>>
      tpu.enqueue_dma source(%dma_start3A_137 : memref<1280xi32, #tpu.memory_space<hbm>>) target(%arg7 : memref<1280xi32, #tpu.memory_space<vmem>>) target_semaphore(%run_scoped3A : memref<!tpu.dma_semaphore, #tpu.memory_space<semaphore_mem>>)
      %dma_wait3A = tpu.memref_slice %arg4[%add3A_124] : memref<327680xi32, #tpu.memory_space<hbm>> -> memref<1280xi32, #tpu.memory_space<hbm>>
      %dma_wait3A_138 = tpu.memref_slice %arg4[%add3A_124] : memref<327680xi32, #tpu.memory_space<hbm>> -> memref<1280xi32, #tpu.memory_space<hbm>>
      tpu.wait_dma2 semaphore(%run_scoped3A : memref<!tpu.dma_semaphore, #tpu.memory_space<semaphore_mem>>) src(%dma_wait3A_138 : memref<1280xi32, #tpu.memory_space<hbm>>) dst(%arg7 : memref<1280xi32, #tpu.memory_space<vmem>>)
      tpu.yield
    }) : () -> ()
    %scan3A_125 = arith.constant 0 : i32
    %scan3A_126 = arith.constant 0 : i32
    %scan3A_127 = arith.constant 4 : i32
    %scan3A_128 = arith.addi %scan3A_126, %scan3A_127 : i32
    %scan3A_129 = arith.constant 1 : i32
    %scan3A_130 = scf.for %scan3A_137 = %scan3A_126 to %scan3A_128 step %scan3A_129 iter_args(%scan3A_138 = %scan3A_125) -> (i32)  : i32 {
      %mul3A_139 = arith.constant 320 : i32
      %mul3A_140 = arith.muli %scan3A_137, %mul3A_139 : i32
      %mul3A_141 = arith.constant 320 : i32
      %mul3A_142 = arith.muli %scan3A_137, %mul3A_141 : i32
      %dma_start3A = tpu.memref_slice %arg6[%mul3A_140] : memref<1280xi32, #tpu.memory_space<vmem>> -> memref<320xi32, #tpu.memory_space<vmem>>
      %dma_start3A_143 = arith.constant 0 : i32
      %dma_start3A_144 = arith.constant 0 : i32
      %dma_start3A_145 = tpu.memref_slice %arg2[%dma_start3A_143, %dma_start3A_144] : memref<10112x128xf32, #tpu.memory_space<hbm>> -> memref<10112x128xf32, #tpu.memory_space<hbm>>
      tpu.enqueue_indirect_dma source(%dma_start3A_145 : memref<10112x128xf32, #tpu.memory_space<hbm>>) target(%arg8 : memref<320x128xf32, #tpu.memory_space<vmem>>) offsets(%dma_start3A : memref<320xi32, #tpu.memory_space<vmem>>) semaphore(%arg10 : memref<!tpu.dma_semaphore, #tpu.memory_space<semaphore_mem>>)
      %dma_wait3A = tpu.memref_slice %arg6[%mul3A_140] : memref<1280xi32, #tpu.memory_space<vmem>> -> memref<320xi32, #tpu.memory_space<vmem>>
      %dma_wait3A_146 = arith.constant 0 : i32
      %dma_wait3A_147 = arith.constant 0 : i32
      %dma_wait3A_148 = tpu.memref_slice %arg2[%dma_wait3A_146, %dma_wait3A_147] : memref<10112x128xf32, #tpu.memory_space<hbm>> -> memref<10112x128xf32, #tpu.memory_space<hbm>>
      tpu.wait_indirect_dma semaphore(%arg10 : memref<!tpu.dma_semaphore, #tpu.memory_space<semaphore_mem>>) src(%dma_wait3A_148 : memref<10112x128xf32, #tpu.memory_space<hbm>>) dst(%arg8 : memref<320x128xf32, #tpu.memory_space<vmem>>)
      "tpu.region"() ({
        %run_scoped3A = tpu.sem_alloc : memref<!tpu.dma_semaphore, #tpu.memory_space<semaphore_mem>>
        %dma_start3A_150 = tpu.memref_slice %arg7[%mul3A_142] : memref<1280xi32, #tpu.memory_space<vmem>> -> memref<320xi32, #tpu.memory_space<vmem>>
        %dma_start3A_151 = arith.constant 0 : i32
        %dma_start3A_152 = arith.constant 0 : i32
        %dma_start3A_153 = tpu.memref_slice %arg9[%dma_start3A_151, %dma_start3A_152] : memref<10112x128xf32, #tpu.memory_space<vmem_shared>> -> memref<10112x128xf32, #tpu.memory_space<vmem_shared>>
        tpu.enqueue_indirect_dma source(%arg8 : memref<320x128xf32, #tpu.memory_space<vmem>>) target(%dma_start3A_153 : memref<10112x128xf32, #tpu.memory_space<vmem_shared>>) offsets(%dma_start3A_150 : memref<320xi32, #tpu.memory_space<vmem>>) semaphore(%run_scoped3A : memref<!tpu.dma_semaphore, #tpu.memory_space<semaphore_mem>>) {add = true}
        %dma_wait3A_154 = tpu.memref_slice %arg7[%mul3A_142] : memref<1280xi32, #tpu.memory_space<vmem>> -> memref<320xi32, #tpu.memory_space<vmem>>
        %dma_wait3A_155 = arith.constant 0 : i32
        %dma_wait3A_156 = arith.constant 0 : i32
        %dma_wait3A_157 = tpu.memref_slice %arg9[%dma_wait3A_155, %dma_wait3A_156] : memref<10112x128xf32, #tpu.memory_space<vmem_shared>> -> memref<10112x128xf32, #tpu.memory_space<vmem_shared>>
        tpu.wait_indirect_dma semaphore(%run_scoped3A : memref<!tpu.dma_semaphore, #tpu.memory_space<semaphore_mem>>) src(%arg8 : memref<320x128xf32, #tpu.memory_space<vmem>>) dst(%dma_wait3A_157 : memref<10112x128xf32, #tpu.memory_space<vmem_shared>>)
        tpu.yield
      }) : () -> ()
      %scan3A_149 = arith.constant 0 : i32
      scf.yield %scan3A_149 : i32
    }
    %scan3A_131 = arith.constant 4 : i32
    %barrier3A_132 = arith.constant 0 : index
    tpu.barrier barrier_id(%barrier3A_132)
    %mul3A_133 = arith.constant 632 : i32
    %mul3A_134 = arith.muli %arg1, %mul3A_133 : i32
    %mul3A_135 = arith.constant 632 : i32
    %mul3A_136 = arith.muli %arg1, %mul3A_135 : i32
    "tpu.region"() ({
      %run_scoped3A = tpu.sem_alloc : memref<!tpu.dma_semaphore, #tpu.memory_space<semaphore_mem>>
      %dma_start3A = arith.constant 0 : i32
      %dma_start3A_137 = arith.constant 0 : i32
      %dma_start3A_138 = tpu.memref_slice %arg5[%arg0, %dma_start3A, %dma_start3A_137] : memref<2x10112x128xf32, #tpu.memory_space<hbm>> -> memref<1x10112x128xf32, #tpu.memory_space<hbm>>
      %dma_start3A_139 = tpu.memref_squeeze %dma_start3A_138 : memref<1x10112x128xf32, #tpu.memory_space<hbm>> -> memref<10112x128xf32, #tpu.memory_space<hbm>>
      %dma_start3A_140 = arith.constant 0 : i32
      %dma_start3A_141 = tpu.memref_slice %dma_start3A_139[%mul3A_136, %dma_start3A_140] : memref<10112x128xf32, #tpu.memory_space<hbm>> -> memref<632x128xf32, #tpu.memory_space<hbm>>
      %dma_start3A_142 = arith.constant 0 : i32
      %dma_start3A_143 = tpu.memref_slice %arg9[%mul3A_134, %dma_start3A_142] : memref<10112x128xf32, #tpu.memory_space<vmem_shared>> -> memref<632x128xf32, #tpu.memory_space<vmem_shared>>
      tpu.enqueue_dma source(%dma_start3A_143 : memref<632x128xf32, #tpu.memory_space<vmem_shared>>) target(%dma_start3A_141 : memref<632x128xf32, #tpu.memory_space<hbm>>) target_semaphore(%run_scoped3A : memref<!tpu.dma_semaphore, #tpu.memory_space<semaphore_mem>>)
      %dma_wait3A = arith.constant 0 : i32
      %dma_wait3A_144 = arith.constant 0 : i32
      %dma_wait3A_145 = tpu.memref_slice %arg5[%arg0, %dma_wait3A, %dma_wait3A_144] : memref<2x10112x128xf32, #tpu.memory_space<hbm>> -> memref<1x10112x128xf32, #tpu.memory_space<hbm>>
      %dma_wait3A_146 = tpu.memref_squeeze %dma_wait3A_145 : memref<1x10112x128xf32, #tpu.memory_space<hbm>> -> memref<10112x128xf32, #tpu.memory_space<hbm>>
      %dma_wait3A_147 = arith.constant 0 : i32
      %dma_wait3A_148 = tpu.memref_slice %dma_wait3A_146[%mul3A_136, %dma_wait3A_147] : memref<10112x128xf32, #tpu.memory_space<hbm>> -> memref<632x128xf32, #tpu.memory_space<hbm>>
      %dma_wait3A_149 = arith.constant 0 : i32
      %dma_wait3A_150 = tpu.memref_slice %arg9[%mul3A_134, %dma_wait3A_149] : memref<10112x128xf32, #tpu.memory_space<vmem_shared>> -> memref<632x128xf32, #tpu.memory_space<vmem_shared>>
      tpu.wait_dma2 semaphore(%run_scoped3A : memref<!tpu.dma_semaphore, #tpu.memory_space<semaphore_mem>>) src(%dma_wait3A_150 : memref<632x128xf32, #tpu.memory_space<vmem_shared>>) dst(%dma_wait3A_148 : memref<632x128xf32, #tpu.memory_space<hbm>>)
      tpu.yield
    }) : () -> ()
    return
  }
}

module attributes {stable_mosaic.version = 14 : i64} {
  func.func @_tc_scale_body(%arg0: memref<2x10112x1xf32, #tpu.memory_space<vmem>>, %arg1: memref<10112x128xf32, #tpu.memory_space<vmem>>, %arg2: memref<10112x1xf32, #tpu.memory_space<vmem>>, %arg3: memref<10112x128xf32, #tpu.memory_space<vmem>>) attributes {dimension_semantics = [], scalar_prefetch = 0 : i64, scratch_operands = 0 : i64, tpu.core_type = #tpu.core_type<tc>} {
    %get3A = arith.constant 0 : index
    %get3A_0 = arith.constant 0 : index
    %get3A_1 = arith.constant 0 : index
    %get3A_2 = vector.load %arg0[%get3A, %get3A_0, %get3A_1] : memref<2x10112x1xf32, #tpu.memory_space<vmem>>, vector<1x10112x1xf32>
    %get3A_3 = vector.shape_cast %get3A_2 : vector<1x10112x1xf32> to vector<10112x1xf32>
    %get3A_4 = arith.constant 1 : index
    %get3A_5 = arith.constant 0 : index
    %get3A_6 = arith.constant 0 : index
    %get3A_7 = vector.load %arg0[%get3A_4, %get3A_5, %get3A_6] : memref<2x10112x1xf32, #tpu.memory_space<vmem>>, vector<1x10112x1xf32>
    %get3A_8 = vector.shape_cast %get3A_7 : vector<1x10112x1xf32> to vector<10112x1xf32>
    %add3A = arith.addf %get3A_3, %get3A_8 : vector<10112x1xf32>
    %add3A_9 = arith.constant 1.000000e+00 : f32
    %add3A_10 = vector.broadcast %add3A_9 : f32 to vector<10112x1xf32>
    %add3A_11 = arith.addf %add3A, %add3A_10 : vector<10112x1xf32>
    %rsqrt3A = math.rsqrt %add3A_11 : vector<10112x1xf32>
    %swap3A = arith.constant 0 : index
    %swap3A_12 = arith.constant 0 : index
    %swap3A_13 = vector.load %arg2[%swap3A, %swap3A_12] : memref<10112x1xf32, #tpu.memory_space<vmem>>, vector<10112x1xf32>
    tpu.vector_store %arg2[%swap3A, %swap3A_12], %rsqrt3A {strides = array<i32>} : memref<10112x1xf32, #tpu.memory_space<vmem>>, vector<10112x1xf32>,
    %get3A_14 = arith.constant 0 : index
    %get3A_15 = arith.constant 0 : index
    %get3A_16 = vector.load %arg1[%get3A_14, %get3A_15] : memref<10112x128xf32, #tpu.memory_space<vmem>>, vector<10112x128xf32>
    %mul3A = vector.broadcast %rsqrt3A : vector<10112x1xf32> to vector<10112x128xf32>
    %mul3A_17 = arith.mulf %get3A_16, %mul3A : vector<10112x128xf32>
    %swap3A_18 = arith.constant 0 : index
    %swap3A_19 = arith.constant 0 : index
    %swap3A_20 = vector.load %arg3[%swap3A_18, %swap3A_19] : memref<10112x128xf32, #tpu.memory_space<vmem>>, vector<10112x128xf32>
    tpu.vector_store %arg3[%swap3A_18, %swap3A_19], %mul3A_17 {strides = array<i32>} : memref<10112x128xf32, #tpu.memory_space<vmem>>, vector<10112x128xf32>,
    return
  }
}

module attributes {stable_mosaic.version = 14 : i64} {
  func.func @_tc_mm_body(%arg0: i32, %arg1: memref<2x2048x128xf32, #tpu.memory_space<vmem>>, %arg2: memref<2048x128xf32, #tpu.memory_space<vmem>>, %arg3: memref<2048x1xf32, #tpu.memory_space<vmem>>, %arg4: memref<128x256xf32, #tpu.memory_space<vmem>>, %arg5: memref<1x256xf32, #tpu.memory_space<vmem>>, %arg6: memref<256x128xf32, #tpu.memory_space<vmem>>, %arg7: memref<2048x128xf32, #tpu.memory_space<vmem>>) attributes {dimension_semantics = [#tpu.dimension_semantics<arbitrary>], iteration_bounds = array<i64: 4>, scalar_prefetch = 0 : i64, scratch_operands = 0 : i64, tpu.core_type = #tpu.core_type<tc>, window_params = [{transform_indices = @transform_0, window_bounds = array<i64: 2, 2048, 128>}, {transform_indices = @transform_1, window_bounds = array<i64: 2048, 128>}, {transform_indices = @transform_2, window_bounds = array<i64: 2048, 1>}, {pipeline_mode = #tpu.pipeline_mode<synchronous>, transform_indices = @transform_3, window_bounds = array<i64: 128, 256>}, {pipeline_mode = #tpu.pipeline_mode<synchronous>, transform_indices = @transform_4, window_bounds = array<i64: 1, 256>}, {pipeline_mode = #tpu.pipeline_mode<synchronous>, transform_indices = @transform_5, window_bounds = array<i64: 256, 128>}, {transform_indices = @transform_6, window_bounds = array<i64: 2048, 128>}]} {
    %get3A = arith.constant 0 : index
    %get3A_0 = arith.constant 0 : index
    %get3A_1 = vector.load %arg3[%get3A, %get3A_0] : memref<2048x1xf32, #tpu.memory_space<vmem>>, vector<2048x1xf32>
    %get3A_2 = arith.constant 0 : index
    %get3A_3 = arith.constant 0 : index
    %get3A_4 = arith.constant 0 : index
    %get3A_5 = vector.load %arg1[%get3A_2, %get3A_3, %get3A_4] : memref<2x2048x128xf32, #tpu.memory_space<vmem>>, vector<1x2048x128xf32>
    %get3A_6 = vector.shape_cast %get3A_5 : vector<1x2048x128xf32> to vector<2048x128xf32>
    %get3A_7 = arith.constant 1 : index
    %get3A_8 = arith.constant 0 : index
    %get3A_9 = arith.constant 0 : index
    %get3A_10 = vector.load %arg1[%get3A_7, %get3A_8, %get3A_9] : memref<2x2048x128xf32, #tpu.memory_space<vmem>>, vector<1x2048x128xf32>
    %get3A_11 = vector.shape_cast %get3A_10 : vector<1x2048x128xf32> to vector<2048x128xf32>
    %add3A = arith.addf %get3A_6, %get3A_11 : vector<2048x128xf32>
    %get3A_12 = arith.constant 0 : index
    %get3A_13 = arith.constant 0 : index
    %get3A_14 = vector.load %arg2[%get3A_12, %get3A_13] : memref<2048x128xf32, #tpu.memory_space<vmem>>, vector<2048x128xf32>
    %add3A_15 = arith.addf %add3A, %get3A_14 : vector<2048x128xf32>
    %mul3A = vector.broadcast %get3A_1 : vector<2048x1xf32> to vector<2048x128xf32>
    %mul3A_16 = arith.mulf %add3A_15, %mul3A : vector<2048x128xf32>
    %get3A_17 = arith.constant 0 : index
    %get3A_18 = arith.constant 0 : index
    %get3A_19 = vector.load %arg4[%get3A_17, %get3A_18] : memref<128x256xf32, #tpu.memory_space<vmem>>, vector<128x256xf32>
    %dot_general3A = arith.constant dense<0.000000e+00> : vector<2048x256xf32>
    %dot_general3A_20 = tpu.matmul %mul3A_16, %get3A_19, %dot_general3A {dimension_numbers = #tpu.dot_dimension_numbers<[1], [0], [0], [1], [0, 0, 1, 1], [], []>, transpose_lhs_hint = false} : vector<2048x128xf32>, vector<128x256xf32>, vector<2048x256xf32> -> vector<2048x256xf32>
    %get3A_21 = arith.constant 0 : index
    %get3A_22 = arith.constant 0 : index
    %get3A_23 = vector.load %arg5[%get3A_21, %get3A_22] : memref<1x256xf32, #tpu.memory_space<vmem>>, vector<1x256xf32>
    %add3A_24 = vector.broadcast %get3A_23 : vector<1x256xf32> to vector<2048x256xf32>
    %add3A_25 = arith.addf %dot_general3A_20, %add3A_24 : vector<2048x256xf32>
    %get3A_26 = arith.constant 0 : index
    %get3A_27 = arith.constant 0 : index
    %get3A_28 = vector.load %arg6[%get3A_26, %get3A_27] : memref<256x128xf32, #tpu.memory_space<vmem>>, vector<256x128xf32>
    %dot_general3A_29 = arith.constant dense<0.000000e+00> : vector<2048x128xf32>
    %dot_general3A_30 = tpu.matmul %add3A_25, %get3A_28, %dot_general3A_29 {dimension_numbers = #tpu.dot_dimension_numbers<[1], [0], [0], [1], [0, 0, 1, 1], [], []>, transpose_lhs_hint = false} : vector<2048x256xf32>, vector<256x128xf32>, vector<2048x128xf32> -> vector<2048x128xf32>
    %mul3A_31 = vector.broadcast %get3A_1 : vector<2048x1xf32> to vector<2048x128xf32>
    %mul3A_32 = arith.mulf %dot_general3A_30, %mul3A_31 : vector<2048x128xf32>
    %swap3A = arith.constant 0 : index
    %swap3A_33 = arith.constant 0 : index
    %swap3A_34 = vector.load %arg7[%swap3A, %swap3A_33] : memref<2048x128xf32, #tpu.memory_space<vmem>>, vector<2048x128xf32>
    tpu.vector_store %arg7[%swap3A, %swap3A_33], %mul3A_32 {strides = array<i32>} : memref<2048x128xf32, #tpu.memory_space<vmem>>, vector<2048x128xf32>,
    return
  }
  func.func @transform_0(%arg0: i32) -> (i32, i32, i32) {
    %c0_i32 = arith.constant 0 : i32
    %c0_i32_0 = arith.constant 0 : i32
    %c0_i32_1 = arith.constant 0 : i32
    return %c0_i32, %arg0, %c0_i32_0 : i32, i32, i32
  }
  func.func @transform_1(%arg0: i32) -> (i32, i32) {
    %c0_i32 = arith.constant 0 : i32
    %c0_i32_0 = arith.constant 0 : i32
    return %arg0, %c0_i32 : i32, i32
  }
  func.func @transform_2(%arg0: i32) -> (i32, i32) {
    %c0_i32 = arith.constant 0 : i32
    %c0_i32_0 = arith.constant 0 : i32
    return %arg0, %c0_i32 : i32, i32
  }
  func.func @transform_3(%arg0: i32) -> (i32, i32) {
    %c0_i32 = arith.constant 0 : i32
    %c0_i32_0 = arith.constant 0 : i32
    %c0_i32_1 = arith.constant 0 : i32
    return %c0_i32, %c0_i32_0 : i32, i32
  }
  func.func @transform_4(%arg0: i32) -> (i32, i32) {
    %c0_i32 = arith.constant 0 : i32
    %c0_i32_0 = arith.constant 0 : i32
    %c0_i32_1 = arith.constant 0 : i32
    return %c0_i32, %c0_i32_0 : i32, i32
  }
  func.func @transform_5(%arg0: i32) -> (i32, i32) {
    %c0_i32 = arith.constant 0 : i32
    %c0_i32_0 = arith.constant 0 : i32
    %c0_i32_1 = arith.constant 0 : i32
    return %c0_i32, %c0_i32_0 : i32, i32
  }
  func.func @transform_6(%arg0: i32) -> (i32, i32) {
    %c0_i32 = arith.constant 0 : i32
    %c0_i32_0 = arith.constant 0 : i32
    return %arg0, %c0_i32 : i32, i32
  }
}

module attributes {stable_mosaic.version = 14 : i64} {
  func.func @_tc_bn_body(%arg0: i32, %arg1: memref<2x10000x128xf32, #tpu.memory_space<vmem>>, %arg2: memref<10000x128xf32, #tpu.memory_space<vmem>>, %arg3: memref<10000x1xf32, #tpu.memory_space<vmem>>, %arg4: memref<1x128xf32, #tpu.memory_space<vmem>>, %arg5: memref<1x128xf32, #tpu.memory_space<vmem>>, %arg6: memref<1x128xf32, #tpu.memory_space<vmem>>, %arg7: memref<10000x128xf32, #tpu.memory_space<vmem>>) attributes {dimension_semantics = [#tpu.dimension_semantics<arbitrary>], iteration_bounds = array<i64: 1>, scalar_prefetch = 0 : i64, scratch_operands = 0 : i64, tpu.core_type = #tpu.core_type<tc>, window_params = [{transform_indices = @transform_0, window_bounds = array<i64: 2, 10000, 128>}, {transform_indices = @transform_1, window_bounds = array<i64: 10000, 128>}, {transform_indices = @transform_2, window_bounds = array<i64: 10000, 1>}, {pipeline_mode = #tpu.pipeline_mode<synchronous>, transform_indices = @transform_3, window_bounds = array<i64: 1, 128>}, {pipeline_mode = #tpu.pipeline_mode<synchronous>, transform_indices = @transform_4, window_bounds = array<i64: 1, 128>}, {pipeline_mode = #tpu.pipeline_mode<synchronous>, transform_indices = @transform_5, window_bounds = array<i64: 1, 128>}, {pipeline_mode = #tpu.pipeline_mode<synchronous>, transform_indices = @transform_6, window_bounds = array<i64: 10000, 128>}]} {
    %get3A = arith.constant 0 : index
    %get3A_0 = arith.constant 0 : index
    %get3A_1 = arith.constant 0 : index
    %get3A_2 = vector.load %arg1[%get3A, %get3A_0, %get3A_1] : memref<2x10000x128xf32, #tpu.memory_space<vmem>>, vector<1x10000x128xf32>
    %get3A_3 = vector.shape_cast %get3A_2 : vector<1x10000x128xf32> to vector<10000x128xf32>
    %get3A_4 = arith.constant 1 : index
    %get3A_5 = arith.constant 0 : index
    %get3A_6 = arith.constant 0 : index
    %get3A_7 = vector.load %arg1[%get3A_4, %get3A_5, %get3A_6] : memref<2x10000x128xf32, #tpu.memory_space<vmem>>, vector<1x10000x128xf32>
    %get3A_8 = vector.shape_cast %get3A_7 : vector<1x10000x128xf32> to vector<10000x128xf32>
    %add3A = arith.addf %get3A_3, %get3A_8 : vector<10000x128xf32>
    %get3A_9 = arith.constant 0 : index
    %get3A_10 = arith.constant 0 : index
    %get3A_11 = vector.load %arg2[%get3A_9, %get3A_10] : memref<10000x128xf32, #tpu.memory_space<vmem>>, vector<10000x128xf32>
    %add3A_12 = arith.addf %add3A, %get3A_11 : vector<10000x128xf32>
    %get3A_13 = arith.constant 0 : index
    %get3A_14 = arith.constant 0 : index
    %get3A_15 = vector.load %arg3[%get3A_13, %get3A_14] : memref<10000x1xf32, #tpu.memory_space<vmem>>, vector<10000x1xf32>
    %mul3A = vector.broadcast %get3A_15 : vector<10000x1xf32> to vector<10000x128xf32>
    %mul3A_16 = arith.mulf %add3A_12, %mul3A : vector<10000x128xf32>
    %get3A_17 = arith.constant 0 : index
    %get3A_18 = arith.constant 0 : index
    %get3A_19 = vector.load %arg4[%get3A_17, %get3A_18] : memref<1x128xf32, #tpu.memory_space<vmem>>, vector<1x128xf32>
    %add3A_20 = vector.broadcast %get3A_19 : vector<1x128xf32> to vector<10000x128xf32>
    %add3A_21 = arith.addf %mul3A_16, %add3A_20 : vector<10000x128xf32>
    %reduce_sum3A = arith.constant dense<0.000000e+00> : vector<128xf32>
    %reduce_sum3A_22 = vector.multi_reduction <add>, %add3A_21, %reduce_sum3A [0] : vector<10000x128xf32> to vector<128xf32>
    %broadcast_in_dim3A = vector.shape_cast %reduce_sum3A_22 : vector<128xf32> to vector<1x128xf32>
    %div3A = arith.constant 1.000000e+04 : f32
    %div3A_23 = vector.broadcast %div3A : f32 to vector<1x128xf32>
    %div3A_24 = arith.divf %broadcast_in_dim3A, %div3A_23 : vector<1x128xf32>
    %mul3A_25 = arith.mulf %add3A_21, %add3A_21 : vector<10000x128xf32>
    %reduce_sum3A_26 = arith.constant dense<0.000000e+00> : vector<128xf32>
    %reduce_sum3A_27 = vector.multi_reduction <add>, %mul3A_25, %reduce_sum3A_26 [0] : vector<10000x128xf32> to vector<128xf32>
    %broadcast_in_dim3A_28 = vector.shape_cast %reduce_sum3A_27 : vector<128xf32> to vector<1x128xf32>
    %div3A_29 = arith.constant 1.000000e+04 : f32
    %div3A_30 = vector.broadcast %div3A_29 : f32 to vector<1x128xf32>
    %div3A_31 = arith.divf %broadcast_in_dim3A_28, %div3A_30 : vector<1x128xf32>
    %mul3A_32 = arith.mulf %div3A_24, %div3A_24 : vector<1x128xf32>
    %sub3A = arith.subf %div3A_31, %mul3A_32 : vector<1x128xf32>
    %add3A_33 = arith.constant 9.99999974E-6 : f32
    %add3A_34 = vector.broadcast %add3A_33 : f32 to vector<1x128xf32>
    %add3A_35 = arith.addf %sub3A, %add3A_34 : vector<1x128xf32>
    %rsqrt3A = math.rsqrt %add3A_35 : vector<1x128xf32>
    %sub3A_36 = vector.broadcast %div3A_24 : vector<1x128xf32> to vector<10000x128xf32>
    %sub3A_37 = arith.subf %add3A_21, %sub3A_36 : vector<10000x128xf32>
    %mul3A_38 = vector.broadcast %rsqrt3A : vector<1x128xf32> to vector<10000x128xf32>
    %mul3A_39 = arith.mulf %sub3A_37, %mul3A_38 : vector<10000x128xf32>
    %get3A_40 = arith.constant 0 : index
    %get3A_41 = arith.constant 0 : index
    %get3A_42 = vector.load %arg5[%get3A_40, %get3A_41] : memref<1x128xf32, #tpu.memory_space<vmem>>, vector<1x128xf32>
    %mul3A_43 = vector.broadcast %get3A_42 : vector<1x128xf32> to vector<10000x128xf32>
    %mul3A_44 = arith.mulf %mul3A_39, %mul3A_43 : vector<10000x128xf32>
    %get3A_45 = arith.constant 0 : index
    %get3A_46 = arith.constant 0 : index
    %get3A_47 = vector.load %arg6[%get3A_45, %get3A_46] : memref<1x128xf32, #tpu.memory_space<vmem>>, vector<1x128xf32>
    %add3A_48 = vector.broadcast %get3A_47 : vector<1x128xf32> to vector<10000x128xf32>
    %add3A_49 = arith.addf %mul3A_44, %add3A_48 : vector<10000x128xf32>
    %swap3A = arith.constant 0 : index
    %swap3A_50 = arith.constant 0 : index
    %swap3A_51 = vector.load %arg7[%swap3A, %swap3A_50] : memref<10000x128xf32, #tpu.memory_space<vmem>>, vector<10000x128xf32>
    tpu.vector_store %arg7[%swap3A, %swap3A_50], %add3A_49 {strides = array<i32>} : memref<10000x128xf32, #tpu.memory_space<vmem>>, vector<10000x128xf32>,
    return
  }
  func.func @transform_0(%arg0: i32) -> (i32, i32, i32) {
    %c0_i32 = arith.constant 0 : i32
    %c0_i32_0 = arith.constant 0 : i32
    %c0_i32_1 = arith.constant 0 : i32
    %c0_i32_2 = arith.constant 0 : i32
    return %c0_i32, %c0_i32_0, %c0_i32_1 : i32, i32, i32
  }
  func.func @transform_1(%arg0: i32) -> (i32, i32) {
    %c0_i32 = arith.constant 0 : i32
    %c0_i32_0 = arith.constant 0 : i32
    %c0_i32_1 = arith.constant 0 : i32
    return %c0_i32, %c0_i32_0 : i32, i32
  }
  func.func @transform_2(%arg0: i32) -> (i32, i32) {
    %c0_i32 = arith.constant 0 : i32
    %c0_i32_0 = arith.constant 0 : i32
    %c0_i32_1 = arith.constant 0 : i32
    return %c0_i32, %c0_i32_0 : i32, i32
  }
  func.func @transform_3(%arg0: i32) -> (i32, i32) {
    %c0_i32 = arith.constant 0 : i32
    %c0_i32_0 = arith.constant 0 : i32
    %c0_i32_1 = arith.constant 0 : i32
    return %c0_i32, %c0_i32_0 : i32, i32
  }
  func.func @transform_4(%arg0: i32) -> (i32, i32) {
    %c0_i32 = arith.constant 0 : i32
    %c0_i32_0 = arith.constant 0 : i32
    %c0_i32_1 = arith.constant 0 : i32
    return %c0_i32, %c0_i32_0 : i32, i32
  }
  func.func @transform_5(%arg0: i32) -> (i32, i32) {
    %c0_i32 = arith.constant 0 : i32
    %c0_i32_0 = arith.constant 0 : i32
    %c0_i32_1 = arith.constant 0 : i32
    return %c0_i32, %c0_i32_0 : i32, i32
  }
  func.func @transform_6(%arg0: i32) -> (i32, i32) {
    %c0_i32 = arith.constant 0 : i32
    %c0_i32_0 = arith.constant 0 : i32
    %c0_i32_1 = arith.constant 0 : i32
    return %c0_i32, %c0_i32_0 : i32, i32
  }
}

</mosaic_0001>

<sc_bundles>
// kernel: kernel.11.cloned.1.call-start
scs
__scs_entry_jumppad:
0x0: {  	(pc) =	sbr.rel $0x88, $3  }
0x1: {  	(tag) =	ssettag $0x0;
	lr =	simm.s32 $0x1  }
0x2: {  	[smem:$0x3F99] =	sst lr;
	_ =	strace $0xD0000000  }
0x3: {  	_ = 	snop  }
0x4: {  	_ = 	snop  }
0x5: {  	_ = 	snop  }
0x6: {  	_ = 	snop  }
0x7: {  	_ = 	snop  }
__scs_overlays_trampoline_lowered:
0x8: {  	[smem:$0x3FA8] =	sst s0  }
0x9: {  	[smem:$0x3FA9] =	sst s1  }
0xa: {  	[smem:$0x3FAA] =	sst s2  }
0xb: {  	[smem:$0x3FAB] =	sst s3  }
0xc: {  	[smem:$0x3FAC] =	sst s4  }
0xd: {  	[smem:$0x3FAD] =	sst s5  }
0xe: {  	[smem:$0x3FAE] =	sst s6  }
0xf: {  	[smem:$0x3FAF] =	sst s7  }
0x10: {  	[smem:$0x3FB0] =	sst s8  }
0x11: {  	[smem:$0x3FB1] =	sst s9;
	s0 =	simm.s32 @!p0 $0x0  }
0x12: {  	s1 =	sld [smem:$0x3F97];
	s0 =	simm.s32 @p0 $0x1  }
0x13: {  	[smem:$0x3FB2] =	sst s0;
	s0 =	simm.s32 @!p1 $0x0  }
0x14: {  	s2 =	sld [smem:$0x3F96];
	s0 =	simm.s32 @p1 $0x1  }
0x15: {  	[smem:$0x3FB3] =	sst s0;
	s0 =	simm.s32 @!p2 $0x0  }
0x16: {  	s3 =	sld [smem:$0x3FDB];
	s0 =	simm.s32 @p2 $0x1  }
0x17: {  	s4 =	simm.s32 $0x1BF5;
	[smem:$0x3FB5] =	sst s0  }
0x18: {  	s0 =	sld [smem:$0x3F98];
	_ =	swait.ge [sflag:s4], $0x0  }
0x19: {  	s7 =	sld [smem:$0x3F99]  }
0x1a: {  	s8 =	sadd.s32 $0xFFFFE003, lr  }
0x1b: {  	s9 =	sadd.s32 $0xFFFFFEF7, lr;
	s5 =	simm.s32 $0xFFFFFFFF;
	p2 =	slt.u32 s8, $0xFFFFF086  }
0x1c: {  	p1 =	slt.u32 s9, $0xF7A;
	s5 =	simm.s32 @!p2 $0x0  }
0x1d: {  	s5 =	simm.s32 @p1 $0x1;
	p0 =	seq.s32 s7, s2  }
0x1e: {  	s7 =	smul.u32 @!p0 $0xF7A, s2;
	p2 =	seq.s32 @!p0 s5, $0x0  }
0x1f: {  	s9 =	smul.u32 $0xF7A, s1;
	s8 =	simm.s32 @!p0 $0x1BF5;
	p2 =	por !p2, p0  }
0x20: {  	[sflag:s8] =	ssyncset.s32 @!p0 $0xFFFFF086;
	s6 =	sadd.s32 @!p0 s3, s7;
	s7 =	simm.s32 @!p0 $0x108  }
0x21: {  	s3 =	sadd.s32 s3, s9;
	s6 =	sadd.s32 @!p0 $0x88, s6;
	s7 =	simm.s32 @p2 $0x1082  }
0x22: {  	[simem:s7], [sflag:s8] =	dma.local @!p0 [hbm:s6], $0xF7A  }
0x23: {  	s9 =	sor.u32 $0xD0000000, s2;
	s6 =	simm.s32 $0x108;
	_ =	swait.ge @!p0 [sflag:s8], $0x0  }
0x24: {  	s3 =	sadd.s32 $0x88, s3;
	s6 =	simm.s32 @!p1 $0x1082;
	[sflag:s4] =	ssyncset.s32 $0xFFFFF086  }
0x25: {  	[simem:s6], [sflag:s4] =	dma.local [hbm:s3], $0xF7A  }
0x26: {  	[smem:$0x3F99] =	sst s1;
	(tag) =	ssettag s2;
	_ =	strace s9  }
0x27: {  	s1 =	sld [smem:$0x3FA9]  }
0x28: {  	s2 =	sld [smem:$0x3FAA]  }
0x29: {  	s4 =	sld [smem:$0x3FAC]  }
0x2a: {  	p0 =	seq.s32 s5, $0x0;
	s5 =	sld [smem:$0x3FAD]  }
0x2b: {  	s6 =	sld [smem:$0x3FAE]  }
0x2c: {  	s7 =	sld [smem:$0x3FAF]  }
0x2d: {  	s3 =	simm.s32 $0x108;
	s8 =	sld [smem:$0x3FB0]  }
0x2e: {  	s3 =	simm.s32 @!p0 $0x1082;
	s9 =	sld [smem:$0x3FB1]  }
0x2f: {  	lr =	sadd.s32 s0, s3;
	s0 =	sld [smem:$0x3FA8]  }
0x30: {  	s3 =	sld [smem:$0x3FAB]  }
0x31: {  	[smem:$0x3FB4] =	sst s10  }
0x32: {  	s10 =	sld [smem:$0x3FB2];
	_ =	sdelay $0x3  }
0x33: {  	p0 =	seq.s32 s10, $0x1;
	s10 =	sld [smem:$0x3FB4];
	_ =	sdelay $0x3  }
0x34: {  	[smem:$0x3FB4] =	sst s10  }
0x35: {  	s10 =	sld [smem:$0x3FB3];
	_ =	sdelay $0x3  }
0x36: {  	p1 =	seq.s32 s10, $0x1;
	s10 =	sld [smem:$0x3FB4];
	_ =	sdelay $0x3  }
0x37: {  	[smem:$0x3FB4] =	sst s10  }
0x38: {  	s10 =	sld [smem:$0x3FB5]  }
0x39: {  	_ = 	snop;
	(pc) =	sbr.ind lr, $3  }
0x3a: {  	_ = 	snop  }
0x3b: {  	_ = 	snop  }
0x3c: {  	p2 =	seq.s32 s10, $0x1;
	s10 =	sld [smem:$0x3FB4]  }
0x3d: {  	_ =	shalt  }
0x3e: {  	_ =	shalt  }
0x3f: {  	_ =	shalt  }
0x40: {  	_ =	shalt  }
0x41: {  	_ =	shalt  }
0x42: {  	_ =	shalt  }
0x43: {  	_ =	shalt  }
0x44: {  	_ =	shalt  }
0x45: {  	_ =	shalt  }
0x46: {  	_ =	shalt  }
0x47: {  	_ =	shalt  }
0x48: {  	_ =	shalt  }
0x49: {  	_ =	shalt  }
0x4a: {  	_ =	shalt  }
0x4b: {  	_ =	shalt  }
0x4c: {  	_ =	shalt  }
0x4d: {  	_ =	shalt  }
0x4e: {  	_ =	shalt  }
0x4f: {  	_ =	shalt  }
0x50: {  	_ =	shalt  }
0x51: {  	_ =	shalt  }
0x52: {  	_ =	shalt  }
0x53: {  	_ =	shalt  }
0x54: {  	_ =	shalt  }
0x55: {  	_ =	shalt  }
0x56: {  	_ =	shalt  }
0x57: {  	_ =	shalt  }
0x58: {  	_ =	shalt  }
0x59: {  	_ =	shalt  }
0x5a: {  	_ =	shalt  }
0x5b: {  	_ =	shalt  }
0x5c: {  	_ =	shalt  }
0x5d: {  	_ =	shalt  }
0x5e: {  	_ =	shalt  }
0x5f: {  	_ =	shalt  }
0x60: {  	_ =	shalt  }
0x61: {  	_ =	shalt  }
0x62: {  	_ =	shalt  }
0x63: {  	_ =	shalt  }
0x64: {  	_ =	shalt  }
0x65: {  	_ =	shalt  }
0x66: {  	_ =	shalt  }
0x67: {  	_ =	shalt  }
0x68: {  	_ =	shalt  }
0x69: {  	_ =	shalt  }
0x6a: {  	_ =	shalt  }
0x6b: {  	_ =	shalt  }
0x6c: {  	_ =	shalt  }
0x6d: {  	_ =	shalt  }
0x6e: {  	_ =	shalt  }
0x6f: {  	_ =	shalt  }
0x70: {  	_ =	shalt  }
0x71: {  	_ =	shalt  }
0x72: {  	_ =	shalt  }
0x73: {  	_ =	shalt  }
0x74: {  	_ =	shalt  }
0x75: {  	_ =	shalt  }
0x76: {  	_ =	shalt  }
0x77: {  	_ =	shalt  }
0x78: {  	_ =	shalt  }
0x79: {  	_ =	shalt  }
0x7a: {  	_ =	shalt  }
0x7b: {  	_ =	shalt  }
0x7c: {  	_ =	shalt  }
0x7d: {  	_ =	shalt  }
0x7e: {  	_ =	shalt  }
0x7f: {  	_ =	shalt  }
0x80: {  	_ =	shalt  }
0x81: {  	_ =	shalt  }
0x82: {  	_ =	shalt  }
0x83: {  	_ =	shalt  }
0x84: {  	_ =	shalt  }
0x85: {  	_ =	shalt  }
0x86: {  	_ =	shalt  }
0x87: {  	_ =	shalt  }
.Lfunc_end0:
.L_simem_size_0:
called_computation.1_lowered:
.L_overlay_start_0:
0x88: {  	s2 =	sld [smem:$0x3FD9]  }
0x89: {  	s3 =	sld [smem:$0x3FFE];
	_ =	sdelay $0x1  }
0x8a: {  	s1 =	srdreg.scid  }
0x8b: {  	s0 =	sand.u32 $0x1, s1  }
0x8c: {  	s17 =	sshll.u32 s0, $0xA;
	s2 =	sadd.s32 s3, s2  }
0x8d: {  	s2 =	sadd.s32 s2, s17  }
0x8e: {  	[smem:$0x3FC0] =	sst s2  }
0x8f: {  	_ = 	snop  }
0x90: {  	s2 =	sld [smem:$0x3FD0];
	(tm) =	ssettm $0x1  }
0x91: {  	s18 =	sld [smem:$0x3FFB];
	_ =	sdelay $0x3  }
0x92: {  	_ =	strace s18  }
0x93: {  	s3 =	sld [smem:$0x3FFC];
	_ =	sdelay $0x3  }
0x94: {  	_ =	strace s3  }
0x95: {  	s3 =	sld [smem:$0x3FFD];
	_ =	sdelay $0x3  }
0x96: {  	_ =	strace s3  }
0x97: {  	_ =	strace $0x8FFFFFFF  }
0x98: {  	s19 =	sld [smem:$0x3FDB];
	_ =	sdelay $0x1  }
0x99: {  	s4 =	simm.s32 $_scs_section_size  }
0x9a: {  	s5 =	simm.s32 $_size__tile_overlayer_lowered;
	s6 =	simm.s32 $_tile_overlayer_lowered  }
0x9b: {  	s22 =	simm.s32 $0x1BFF;
	s21 =	sshll.u32 s6, $0x1;
	s3 =	sadd.s32 s4, s19  }
0x9c: {  	s7 =	simm.s32 $0x0;
	s20 =	sshll.u32 s5, $0x1;
	s5 =	sadd.s32 s21, s3  }
0x9d: {  	[timem:s7], [sflag:s22] =	dma.local [hbm:s5], s20  }
0x9e: {  	_ =	swait.ge [sflag:s22], s20  }
0x9f: {  	s4 =	ssub.s32 $0x0, s20;
	[sflag:s22] =	ssyncset.done $0x0  }
0xa0: {  	[sflag:s22] =	ssyncadd.s32 s4;
	_ =	sdelay $0x1  }
0xa1: {  	s23 =	simm.s32 $0x1B8B  }
0xa2: {  	_ =	swait.ge [sflag:s23], $0x1  }
0xa3: {  	[sflag:s23] =	ssyncset.done $0x0  }
0xa4: {  	s25 =	simm.s32 $0x1B8E;
	s24 =	sld [smem:$0x3FFE];
	[sflag:s23] =	ssyncadd.s32 $0xFFFFFFFF  }
0xa5: {  	s26 =	simm.s32 $execute0_lowered;
	[smem:$0x3FD2] =	sst s25  }
0xa6: {  	s5 =	sshll.u32 s26, $0x1;
	_ =	strace $0x80000049;
	[dreg:$0x1] =	wrdreg $0xFFFFFFFF  }
0xa7: {  	s28 =	simm.s32 $_size_execute0_lowered;
	s3 =	sadd.s32 s3, s5;
	[dreg:$0x0] =	wrdreg $0x0  }
0xa8: {  	s5 =	sshll.u32 s28, $0x1;
	[dreg:$0x2] =	wrdreg s3  }
0xa9: {  	[dreg:$0x3] =	wrdreg s5  }
0xaa: {  	[dreg:$0x4] =	wrdreg $0xC0  }
0xab: {  	_ =	task [dreg:s7], $0x5FFFF  }
0xac: {  	[dreg:$0x1] =	wrdreg $0xFFFFFFFF  }
0xad: {  	[dreg:$0x0] =	wrdreg $0x60  }
0xae: {  	[dreg:$0x2] =	wrdreg s24  }
0xaf: {  	[dreg:$0x3] =	wrdreg s2  }
0xb0: {  	[dreg:$0x4] =	wrdreg $0xAA000  }
0xb1: {  	[dreg:$0x5] =	wrdreg $0x9  }
0xb2: {  	_ =	task.clear_ibuf [dreg:s7], $0x6FFFF;
	_ =	strace $0x90000049  }
0xb3: {  	s29 =	simm.s32 $0x9;
	_ =	strace $0x8000004B  }
0xb4: {  	_ =	swait.ge [sflag:s29], $0x1  }
0xb5: {  	[sflag:s29] =	ssyncadd.s32 $0xFFFFFFFF  }
0xb6: {  	_ =	strace $0x9000004B  }
0xb7: {  	_ =	sfence  }
0xb8: {  	s30 =	sld [smem:$0x0];
	_ =	sdelay $0x2  }
0xb9: {  	s31 =	sshll.u32 s1, $0xD;
	s1 =	sshrl.u32 s1, $0x2  }
0xba: {  	s3 =	sand.u32 $0x4000, s31;
	s1 =	sadd.s32 s1, s30  }
0xbb: {  	s0 =	sor.u32 s3, s0;
	s1 =	sshll.u32 s1, $0x11  }
0xbc: {  	s0 =	sor.u32 s1, s0  }
0xbd: {  	s0 =	sadd.s32 $0x8F2B, s0  }
0xbe: {  	[sflag:s0] =	ssyncadd.remote.s32 $0x1  }
0xbf: {  	_ =	sfence.sel $0xFFFF  }
0xc0: {  	[dreg:$0x0] =	wrdreg $0xFFFFFFFF;
	(pc) =	sbr.abs _section_cstart, $3  }
0xc1: {  	[dreg:$0x1] =	wrdreg $0xFFFFFFFF  }
0xc2: {  	_ =	task.clear_ibuf [dreg:s7], $0x2FFFF;
	_ =	strace $0x9FFFFFFF  }
0xc3: {  	(tm) =	ssettm $0x7FFFFFFF  }
tec
execute0_lowered:
.L_overlay_start_1:
0x0: {  	(tag) =	ssettag $0x1  }
0x1: {  	s0 =	rddreg [dreg:$0x0]  }
0x2: {  	s3 =	rddreg [dreg:$0x1]  }
0x3: {  	s1 =	rddreg [dreg:$0x2]  }
0x4: {  	s2 =	simm.s32 $0x0;
	s4 =	srdreg.scid;
	s10 =	stileid.u32  }
0x5: {  	s29 =	simm.s32 $0xA00;
	s30 =	simm.s32 $0x2;
	s31 =	simm.s32 $0x500  }
0x6: {  	[smem:$0x7FF] =	sst s2;
	s5 =	sand.u32 $0x1, s4;
	s4 =	sadd.s32 $0xCC00, s0  }
0x7: {  	s8 =	smul.u32 $0x4F000, s10;
	s9 =	sadd.s32 $0x2C00, s0;
	s7 =	sshll.u32 s5, $0x4  }
0x8: {  	s6 =	smul.u32 $0x27800, s5;
	s5 =	ssub.s32 $0x2, s5;
	s7 =	sor.u32 s10, s7  }
0x9: {  	_ =	strace $0x8000004A;
	s15 =	sshrl.u32 s5, $0x1;
	s7 =	smul.u32 $0x2800, s7  }
0xa: {  	s8 =	sshrl.u32 s8, $0x2;
	s10 =	smul.u32 $0x2780, s10;
	s0 =	sadd.s32 s6, s0  }
0xb: {  	s6 =	ssub.s32 s5, s15;
	s5 =	sadd.s32 s8, s1;
	s7 =	sshrl.u32 s7, $0x3  }
0xc: {  	s0 =	sadd.s32 $0x34400, s0;
	s28 =	sadd.s32 $0x10000, s5;
	s16 =	sadd.s32 s9, s7  }
0xd: {  	s17 =	sadd.s32 s3, s7;
	s18 =	sor.u32 $0xA0, s7;
	s19 =	sadd.s32 $0x140, s7  }
0xe: {  	s21 =	sadd.s32 $0x1E0, s7;
	s23 =	sadd.s32 $0x280, s7;
	s25 =	sadd.s32 $0x320, s7  }
0xf: {  	s26 =	sadd.s32 $0x3C0, s7;
	s7 =	sadd.s32 $0x460, s7;
	[dreg:$0x4] =	wrdreg s16  }
0x10: {  	[dreg:$0x5] =	wrdreg s17;
	s11 =	sadd.s32 s9, s18;
	s8 =	sadd.s32 s3, s18  }
0x11: {  	s20 =	sadd.s32 s9, s19;
	s22 =	sadd.s32 s9, s21;
	[dreg:$0x6] =	wrdreg s11  }
0x12: {  	s24 =	sadd.s32 s9, s23;
	s16 =	sadd.s32 s9, s25;
	[dreg:$0x7] =	wrdreg s8  }
0x13: {  	s17 =	sadd.s32 s3, s25;
	s18 =	sadd.s32 s9, s26;
	[dreg:$0x8] =	wrdreg s20  }
0x14: {  	s25 =	smax.u32 s6, $0x1;
	s6 =	simm.s32 $0x640;
	[dreg:$0xa] =	wrdreg s22  }
0x15: {  	s8 =	sadd.s32 s3, s19;
	[dreg:$0xc] =	wrdreg s24;
	s19 =	sadd.s32 s3, s26  }
0x16: {  	s20 =	sadd.s32 s9, s7;
	s22 =	sadd.s32 $0x4000, s5;
	s24 =	sadd.s32 $0x8000, s5  }
0x17: {  	s26 =	sadd.s32 $0xC000, s5;
	s9 =	simm.s32 $0x3C0;
	s11 =	simm.s32 $0x0  }
0x18: {  	[dreg:$0x9] =	wrdreg s8;
	s8 =	sadd.s32 s3, s21;
	s21 =	sadd.s32 s3, s7  }
0x19: {  	s7 =	simm.s32 $0x280;
	[dreg:$0xb] =	wrdreg s8;
	s8 =	sadd.s32 s3, s23  }
0x1a: {  	s23 =	sadd.s32 s10, s0;
	s0 =	simm.s32 $0x140;
	s3 =	simm.s32 $0x1  }
0x1b: {  	v0 =	vimm.f32 $0.0e+00;
	s10 =	simm.s32 $0x8C0;
	[dreg:$0xd] =	wrdreg s8;
	s8 =	simm.s32 $0x780  }
.LBB2_1:
0x1c: {  	s12 =	sand.u32 $0xFE00, s2  }
0x1d: {  	s13 =	sand.u32 $0x70, s2;
	s14 =	sshrl.u32 s12, $0x2  }
0x1e: {  	s12 =	simm.s32 $0x40;
	s14 =	sor.u32 s13, s14;
	s13 =	simm.s32 $0x0  }
.LBB2_2:
0x1f: {  	p0 =	sne.s32 s12, $0xFFC0  }
0x20: {  	[tilespmem:s14+$0xA00] =	vst v0;
	s13 =	sadd.s32 $0x10, s13;
	s14 =	smov.u32 s12;
	s12 =	sadd.s32 $0x40, s12  }
.Ltmp0:
0x21: {  	(pc) =	sbr.rel @p0 .LBB2_2-.Ltmp0, $4  }
0x22: {  	_ = 	snop  }
0x23: {  	s14 =	sand.u32 $0xFE00, s14  }
0x24: {  	s15 =	sand.u32 $0x70, s13;
	s14 =	sshrl.u32 s14, $0x2  }
0x25: {  	s14 =	sor.u32 s15, s14  }
0x26: {  	[tilespmem:s14+$0xA00] =	vst v0  }
0x27: {  	[spmem:s5] =	stream.linear.scatter [tilespmem:s29], [sflag:$0x2], $0x4000, $0x38;
	[tilespmem:$0x1E600] =	vst v63  }
0x28: {  	_ =	swait.ge [sflag:s30], $0x4000  }
0x29: {  	[sflag:s30] =	ssyncset.done $0x0  }
0x2a: {  	[sflag:s30] =	ssyncadd.s32 $0xFFFFC000  }
0x2b: {  	[spmem:s22] =	stream.linear.scatter [tilespmem:s29], [sflag:$0x2], $0x4000, $0x38;
	[tilespmem:$0x1E600] =	vst v63  }
0x2c: {  	_ =	swait.ge [sflag:s30], $0x4000  }
0x2d: {  	[sflag:s30] =	ssyncset.done $0x0  }
0x2e: {  	[sflag:s30] =	ssyncadd.s32 $0xFFFFC000  }
0x2f: {  	[spmem:s24] =	stream.linear.scatter [tilespmem:s29], [sflag:$0x2], $0x4000, $0x38;
	[tilespmem:$0x1E600] =	vst v63  }
0x30: {  	_ =	swait.ge [sflag:s30], $0x4000  }
0x31: {  	[sflag:s30] =	ssyncset.done $0x0  }
0x32: {  	[sflag:s30] =	ssyncadd.s32 $0xFFFFC000  }
0x33: {  	[spmem:s26] =	stream.linear.scatter [tilespmem:s29], [sflag:$0x2], $0x4000, $0x38;
	[tilespmem:$0x1E600] =	vst v63  }
0x34: {  	_ =	swait.ge [sflag:s30], $0x4000  }
0x35: {  	[sflag:s30] =	ssyncset.done $0x0  }
0x36: {  	[sflag:s30] =	ssyncadd.s32 $0xFFFFC000  }
0x37: {  	[spmem:s28] =	stream.linear.scatter [tilespmem:s29], [sflag:$0x2], $0x3C00, $0x38;
	[tilespmem:$0x1E600] =	vst v63  }
0x38: {  	_ =	swait.ge [sflag:s30], $0x3C00  }
0x39: {  	[sflag:s30] =	ssyncset.done $0x0  }
0x3a: {  	[sflag:s30] =	ssyncadd.s32 $0xFFFFC400  }
0x3b: {  	[bflag:$0x0] =	sbarrier.arrive $0xFFFF  }
0x3c: {  	s12 =	rddreg [dreg:$0x4]  }
0x3d: {  	[tilespmem:s2], [sflag:$0x2] =	stream.linear.gather [hbm4b:s12+s2], $0x500, $0x38;
	[tilespmem:$0x1E600] =	vst v63  }
0x3e: {  	_ =	swait.ge [sflag:s30], $0x500  }
0x3f: {  	[sflag:s30] =	ssyncset.done $0x0  }
0x40: {  	s15 =	rddreg [dreg:$0x5];
	[sflag:s30] =	ssyncadd.s32 $0xFFFFFB00  }
0x41: {  	[tilespmem:s31], [sflag:$0x2] =	stream.linear.gather [hbm4b:s15+s2], $0x500, $0x38;
	[tilespmem:$0x1E600] =	vst v63  }
0x42: {  	_ =	swait.ge [sflag:s30], $0x500  }
0x43: {  	[sflag:s30] =	ssyncset.done $0x0  }
0x44: {  	[sflag:s30] =	ssyncadd.s32 $0xFFFFFB00  }
0x45: {  	[tilespmem:s29], [sflag:$0x1] =	stream.indirect.gather [hbm4b:s4+s0], $0x80, s2, s0, $0xb8;
	[tilespmem:$0x1E600] =	vst v63  }
0x46: {  	_ =	swait.ge [sflag:s3], $0xA000  }
0x47: {  	[sflag:s3] =	ssyncset.done $0x0  }
0x48: {  	[sflag:s3] =	ssyncadd.s32 $0xFFFF6000  }
0x49: {  	[spmem:s1] =	stream.indirect.scatter.add.f32 [tilespmem:s29], [sflag:$0x2], $0x80, s31, s0, $0xb8;
	[tilespmem:$0x1E600] =	vst v63  }
0x4a: {  	_ =	swait.ge [sflag:s30], $0xA000  }
0x4b: {  	[sflag:s30] =	ssyncset.done $0x0  }
0x4c: {  	[sflag:s30] =	ssyncadd.s32 $0xFFFF6000  }
0x4d: {  	[tilespmem:s29], [sflag:$0x1] =	stream.indirect.gather [hbm4b:s4+s0], $0x80, s0, s0, $0xb8;
	[tilespmem:$0x1E600] =	vst v63  }
0x4e: {  	_ =	swait.ge [sflag:s3], $0xA000  }
0x4f: {  	[sflag:s3] =	ssyncset.done $0x0  }
0x50: {  	[sflag:s3] =	ssyncadd.s32 $0xFFFF6000  }
0x51: {  	[spmem:s1] =	stream.indirect.scatter.add.f32 [tilespmem:s29], [sflag:$0x2], $0x80, s6, s0, $0xb8;
	[tilespmem:$0x1E600] =	vst v63  }
0x52: {  	_ =	swait.ge [sflag:s30], $0xA000  }
0x53: {  	[sflag:s30] =	ssyncset.done $0x0  }
0x54: {  	[sflag:s30] =	ssyncadd.s32 $0xFFFF6000  }
0x55: {  	[tilespmem:s29], [sflag:$0x1] =	stream.indirect.gather [hbm4b:s4+s0], $0x80, s7, s0, $0xb8;
	[tilespmem:$0x1E600] =	vst v63  }
0x56: {  	_ =	swait.ge [sflag:s3], $0xA000  }
0x57: {  	[sflag:s3] =	ssyncset.done $0x0  }
0x58: {  	[sflag:s3] =	ssyncadd.s32 $0xFFFF6000  }
0x59: {  	[spmem:s1] =	stream.indirect.scatter.add.f32 [tilespmem:s29], [sflag:$0x2], $0x80, s8, s0, $0xb8;
	[tilespmem:$0x1E600] =	vst v63  }
0x5a: {  	_ =	swait.ge [sflag:s30], $0xA000  }
0x5b: {  	[sflag:s30] =	ssyncset.done $0x0  }
0x5c: {  	[sflag:s30] =	ssyncadd.s32 $0xFFFF6000  }
0x5d: {  	[tilespmem:s29], [sflag:$0x1] =	stream.indirect.gather [hbm4b:s4+s0], $0x80, s9, s0, $0xb8;
	[tilespmem:$0x1E600] =	vst v63  }
0x5e: {  	_ =	swait.ge [sflag:s3], $0xA000  }
0x5f: {  	[sflag:s3] =	ssyncset.done $0x0  }
0x60: {  	[sflag:s3] =	ssyncadd.s32 $0xFFFF6000  }
0x61: {  	[spmem:s1] =	stream.indirect.scatter.add.f32 [tilespmem:s29], [sflag:$0x2], $0x80, s10, s0, $0xb8;
	[tilespmem:$0x1E600] =	vst v63  }
0x62: {  	_ =	swait.ge [sflag:s30], $0xA000  }
0x63: {  	[sflag:s30] =	ssyncset.done $0x0  }
0x64: {  	s13 =	rddreg [dreg:$0x6];
	[sflag:s30] =	ssyncadd.s32 $0xFFFF6000  }
0x65: {  	[tilespmem:s2], [sflag:$0x2] =	stream.linear.gather [hbm4b:s13+s2], $0x500, $0x38;
	[tilespmem:$0x1E600] =	vst v63  }
0x66: {  	_ =	swait.ge [sflag:s30], $0x500  }
0x67: {  	[sflag:s30] =	ssyncset.done $0x0  }
0x68: {  	s14 =	rddreg [dreg:$0x7];
	[sflag:s30] =	ssyncadd.s32 $0xFFFFFB00  }
0x69: {  	[tilespmem:s31], [sflag:$0x2] =	stream.linear.gather [hbm4b:s14+s2], $0x500, $0x38;
	[tilespmem:$0x1E600] =	vst v63  }
0x6a: {  	_ =	swait.ge [sflag:s30], $0x500  }
0x6b: {  	[sflag:s30] =	ssyncset.done $0x0  }
0x6c: {  	[sflag:s30] =	ssyncadd.s32 $0xFFFFFB00  }
0x6d: {  	[tilespmem:s29], [sflag:$0x1] =	stream.indirect.gather [hbm4b:s4+s0], $0x80, s2, s0, $0xb8;
	[tilespmem:$0x1E600] =	vst v63  }
0x6e: {  	_ =	swait.ge [sflag:s3], $0xA000  }
0x6f: {  	[sflag:s3] =	ssyncset.done $0x0  }
0x70: {  	[sflag:s3] =	ssyncadd.s32 $0xFFFF6000  }
0x71: {  	[spmem:s1] =	stream.indirect.scatter.add.f32 [tilespmem:s29], [sflag:$0x2], $0x80, s31, s0, $0xb8;
	[tilespmem:$0x1E600] =	vst v63  }
0x72: {  	_ =	swait.ge [sflag:s30], $0xA000  }
0x73: {  	[sflag:s30] =	ssyncset.done $0x0  }
0x74: {  	[sflag:s30] =	ssyncadd.s32 $0xFFFF6000  }
0x75: {  	[tilespmem:s29], [sflag:$0x1] =	stream.indirect.gather [hbm4b:s4+s0], $0x80, s0, s0, $0xb8;
	[tilespmem:$0x1E600] =	vst v63  }
0x76: {  	_ =	swait.ge [sflag:s3], $0xA000  }
0x77: {  	[sflag:s3] =	ssyncset.done $0x0  }
0x78: {  	[sflag:s3] =	ssyncadd.s32 $0xFFFF6000  }
0x79: {  	[spmem:s1] =	stream.indirect.scatter.add.f32 [tilespmem:s29], [sflag:$0x2], $0x80, s6, s0, $0xb8;
	[tilespmem:$0x1E600] =	vst v63  }
0x7a: {  	_ =	swait.ge [sflag:s30], $0xA000  }
0x7b: {  	[sflag:s30] =	ssyncset.done $0x0  }
0x7c: {  	[sflag:s30] =	ssyncadd.s32 $0xFFFF6000  }
0x7d: {  	[tilespmem:s29], [sflag:$0x1] =	stream.indirect.gather [hbm4b:s4+s0], $0x80, s7, s0, $0xb8;
	[tilespmem:$0x1E600] =	vst v63  }
0x7e: {  	_ =	swait.ge [sflag:s3], $0xA000  }
0x7f: {  	[sflag:s3] =	ssyncset.done $0x0  }
0x80: {  	[sflag:s3] =	ssyncadd.s32 $0xFFFF6000  }
0x81: {  	[spmem:s1] =	stream.indirect.scatter.add.f32 [tilespmem:s29], [sflag:$0x2], $0x80, s8, s0, $0xb8;
	[tilespmem:$0x1E600] =	vst v63  }
0x82: {  	_ =	swait.ge [sflag:s30], $0xA000  }
0x83: {  	[sflag:s30] =	ssyncset.done $0x0  }
0x84: {  	[sflag:s30] =	ssyncadd.s32 $0xFFFF6000  }
0x85: {  	[tilespmem:s29], [sflag:$0x1] =	stream.indirect.gather [hbm4b:s4+s0], $0x80, s9, s0, $0xb8;
	[tilespmem:$0x1E600] =	vst v63  }
0x86: {  	_ =	swait.ge [sflag:s3], $0xA000  }
0x87: {  	[sflag:s3] =	ssyncset.done $0x0  }
0x88: {  	[sflag:s3] =	ssyncadd.s32 $0xFFFF6000  }
0x89: {  	[spmem:s1] =	stream.indirect.scatter.add.f32 [tilespmem:s29], [sflag:$0x2], $0x80, s10, s0, $0xb8;
	[tilespmem:$0x1E600] =	vst v63  }
0x8a: {  	_ =	swait.ge [sflag:s30], $0xA000  }
0x8b: {  	[sflag:s30] =	ssyncset.done $0x0  }
0x8c: {  	s15 =	rddreg [dreg:$0x8];
	[sflag:s30] =	ssyncadd.s32 $0xFFFF6000  }
0x8d: {  	[tilespmem:s2], [sflag:$0x2] =	stream.linear.gather [hbm4b:s15+s2], $0x500, $0x38;
	[tilespmem:$0x1E600] =	vst v63  }
0x8e: {  	_ =	swait.ge [sflag:s30], $0x500  }
0x8f: {  	[sflag:s30] =	ssyncset.done $0x0  }
0x90: {  	s13 =	rddreg [dreg:$0x9];
	[sflag:s30] =	ssyncadd.s32 $0xFFFFFB00  }
0x91: {  	[tilespmem:s31], [sflag:$0x2] =	stream.linear.gather [hbm4b:s13+s2], $0x500, $0x38;
	[tilespmem:$0x1E600] =	vst v63  }
0x92: {  	_ =	swait.ge [sflag:s30], $0x500  }
0x93: {  	[sflag:s30] =	ssyncset.done $0x0  }
0x94: {  	[sflag:s30] =	ssyncadd.s32 $0xFFFFFB00  }
0x95: {  	[tilespmem:s29], [sflag:$0x1] =	stream.indirect.gather [hbm4b:s4+s0], $0x80, s2, s0, $0xb8;
	[tilespmem:$0x1E600] =	vst v63  }
0x96: {  	_ =	swait.ge [sflag:s3], $0xA000  }
0x97: {  	[sflag:s3] =	ssyncset.done $0x0  }
0x98: {  	[sflag:s3] =	ssyncadd.s32 $0xFFFF6000  }
0x99: {  	[spmem:s1] =	stream.indirect.scatter.add.f32 [tilespmem:s29], [sflag:$0x2], $0x80, s31, s0, $0xb8;
	[tilespmem:$0x1E600] =	vst v63  }
0x9a: {  	_ =	swait.ge [sflag:s30], $0xA000  }
0x9b: {  	[sflag:s30] =	ssyncset.done $0x0  }
0x9c: {  	[sflag:s30] =	ssyncadd.s32 $0xFFFF6000  }
0x9d: {  	[tilespmem:s29], [sflag:$0x1] =	stream.indirect.gather [hbm4b:s4+s0], $0x80, s0, s0, $0xb8;
	[tilespmem:$0x1E600] =	vst v63  }
0x9e: {  	_ =	swait.ge [sflag:s3], $0xA000  }
0x9f: {  	[sflag:s3] =	ssyncset.done $0x0  }
0xa0: {  	[sflag:s3] =	ssyncadd.s32 $0xFFFF6000  }
0xa1: {  	[spmem:s1] =	stream.indirect.scatter.add.f32 [tilespmem:s29], [sflag:$0x2], $0x80, s6, s0, $0xb8;
	[tilespmem:$0x1E600] =	vst v63  }
0xa2: {  	_ =	swait.ge [sflag:s30], $0xA000  }
0xa3: {  	[sflag:s30] =	ssyncset.done $0x0  }
0xa4: {  	[sflag:s30] =	ssyncadd.s32 $0xFFFF6000  }
0xa5: {  	[tilespmem:s29], [sflag:$0x1] =	stream.indirect.gather [hbm4b:s4+s0], $0x80, s7, s0, $0xb8;
	[tilespmem:$0x1E600] =	vst v63  }
0xa6: {  	_ =	swait.ge [sflag:s3], $0xA000  }
0xa7: {  	[sflag:s3] =	ssyncset.done $0x0  }
0xa8: {  	[sflag:s3] =	ssyncadd.s32 $0xFFFF6000  }
0xa9: {  	[spmem:s1] =	stream.indirect.scatter.add.f32 [tilespmem:s29], [sflag:$0x2], $0x80, s8, s0, $0xb8;
	[tilespmem:$0x1E600] =	vst v63  }
0xaa: {  	_ =	swait.ge [sflag:s30], $0xA000  }
0xab: {  	[sflag:s30] =	ssyncset.done $0x0  }
0xac: {  	[sflag:s30] =	ssyncadd.s32 $0xFFFF6000  }
0xad: {  	[tilespmem:s29], [sflag:$0x1] =	stream.indirect.gather [hbm4b:s4+s0], $0x80, s9, s0, $0xb8;
	[tilespmem:$0x1E600] =	vst v63  }
0xae: {  	_ =	swait.ge [sflag:s3], $0xA000  }
0xaf: {  	[sflag:s3] =	ssyncset.done $0x0  }
0xb0: {  	[sflag:s3] =	ssyncadd.s32 $0xFFFF6000  }
0xb1: {  	[spmem:s1] =	stream.indirect.scatter.add.f32 [tilespmem:s29], [sflag:$0x2], $0x80, s10, s0, $0xb8;
	[tilespmem:$0x1E600] =	vst v63  }
0xb2: {  	_ =	swait.ge [sflag:s30], $0xA000  }
0xb3: {  	[sflag:s30] =	ssyncset.done $0x0  }
0xb4: {  	s14 =	rddreg [dreg:$0xa];
	[sflag:s30] =	ssyncadd.s32 $0xFFFF6000  }
0xb5: {  	[tilespmem:s2], [sflag:$0x2] =	stream.linear.gather [hbm4b:s14+s2], $0x500, $0x38;
	[tilespmem:$0x1E600] =	vst v63  }
0xb6: {  	_ =	swait.ge [sflag:s30], $0x500  }
0xb7: {  	[sflag:s30] =	ssyncset.done $0x0  }
0xb8: {  	s15 =	rddreg [dreg:$0xb];
	[sflag:s30] =	ssyncadd.s32 $0xFFFFFB00  }
0xb9: {  	[tilespmem:s31], [sflag:$0x2] =	stream.linear.gather [hbm4b:s15+s2], $0x500, $0x38;
	[tilespmem:$0x1E600] =	vst v63  }
0xba: {  	_ =	swait.ge [sflag:s30], $0x500  }
0xbb: {  	[sflag:s30] =	ssyncset.done $0x0  }
0xbc: {  	[sflag:s30] =	ssyncadd.s32 $0xFFFFFB00  }
0xbd: {  	[tilespmem:s29], [sflag:$0x1] =	stream.indirect.gather [hbm4b:s4+s0], $0x80, s2, s0, $0xb8;
	[tilespmem:$0x1E600] =	vst v63  }
0xbe: {  	_ =	swait.ge [sflag:s3], $0xA000  }
0xbf: {  	[sflag:s3] =	ssyncset.done $0x0  }
0xc0: {  	[sflag:s3] =	ssyncadd.s32 $0xFFFF6000  }
0xc1: {  	[spmem:s1] =	stream.indirect.scatter.add.f32 [tilespmem:s29], [sflag:$0x2], $0x80, s31, s0, $0xb8;
	[tilespmem:$0x1E600] =	vst v63  }
0xc2: {  	_ =	swait.ge [sflag:s30], $0xA000  }
0xc3: {  	[sflag:s30] =	ssyncset.done $0x0  }
0xc4: {  	[sflag:s30] =	ssyncadd.s32 $0xFFFF6000  }
0xc5: {  	[tilespmem:s29], [sflag:$0x1] =	stream.indirect.gather [hbm4b:s4+s0], $0x80, s0, s0, $0xb8;
	[tilespmem:$0x1E600] =	vst v63  }
0xc6: {  	_ =	swait.ge [sflag:s3], $0xA000  }
0xc7: {  	[sflag:s3] =	ssyncset.done $0x0  }
0xc8: {  	[sflag:s3] =	ssyncadd.s32 $0xFFFF6000  }
0xc9: {  	[spmem:s1] =	stream.indirect.scatter.add.f32 [tilespmem:s29], [sflag:$0x2], $0x80, s6, s0, $0xb8;
	[tilespmem:$0x1E600] =	vst v63  }
0xca: {  	_ =	swait.ge [sflag:s30], $0xA000  }
0xcb: {  	[sflag:s30] =	ssyncset.done $0x0  }
0xcc: {  	[sflag:s30] =	ssyncadd.s32 $0xFFFF6000  }
0xcd: {  	[tilespmem:s29], [sflag:$0x1] =	stream.indirect.gather [hbm4b:s4+s0], $0x80, s7, s0, $0xb8;
	[tilespmem:$0x1E600] =	vst v63  }
0xce: {  	_ =	swait.ge [sflag:s3], $0xA000  }
0xcf: {  	[sflag:s3] =	ssyncset.done $0x0  }
0xd0: {  	[sflag:s3] =	ssyncadd.s32 $0xFFFF6000  }
0xd1: {  	[spmem:s1] =	stream.indirect.scatter.add.f32 [tilespmem:s29], [sflag:$0x2], $0x80, s8, s0, $0xb8;
	[tilespmem:$0x1E600] =	vst v63  }
0xd2: {  	_ =	swait.ge [sflag:s30], $0xA000  }
0xd3: {  	[sflag:s30] =	ssyncset.done $0x0  }
0xd4: {  	[sflag:s30] =	ssyncadd.s32 $0xFFFF6000  }
0xd5: {  	[tilespmem:s29], [sflag:$0x1] =	stream.indirect.gather [hbm4b:s4+s0], $0x80, s9, s0, $0xb8;
	[tilespmem:$0x1E600] =	vst v63  }
0xd6: {  	_ =	swait.ge [sflag:s3], $0xA000  }
0xd7: {  	[sflag:s3] =	ssyncset.done $0x0  }
0xd8: {  	[sflag:s3] =	ssyncadd.s32 $0xFFFF6000  }
0xd9: {  	[spmem:s1] =	stream.indirect.scatter.add.f32 [tilespmem:s29], [sflag:$0x2], $0x80, s10, s0, $0xb8;
	[tilespmem:$0x1E600] =	vst v63  }
0xda: {  	_ =	swait.ge [sflag:s30], $0xA000  }
0xdb: {  	[sflag:s30] =	ssyncset.done $0x0  }
0xdc: {  	s13 =	rddreg [dreg:$0xc];
	[sflag:s30] =	ssyncadd.s32 $0xFFFF6000  }
0xdd: {  	[tilespmem:s2], [sflag:$0x2] =	stream.linear.gather [hbm4b:s13+s2], $0x500, $0x38;
	[tilespmem:$0x1E600] =	vst v63  }
0xde: {  	_ =	swait.ge [sflag:s30], $0x500  }
0xdf: {  	[sflag:s30] =	ssyncset.done $0x0  }
0xe0: {  	s14 =	rddreg [dreg:$0xd];
	[sflag:s30] =	ssyncadd.s32 $0xFFFFFB00  }
0xe1: {  	[tilespmem:s31], [sflag:$0x2] =	stream.linear.gather [hbm4b:s14+s2], $0x500, $0x38;
	[tilespmem:$0x1E600] =	vst v63  }
0xe2: {  	_ =	swait.ge [sflag:s30], $0x500  }
0xe3: {  	[sflag:s30] =	ssyncset.done $0x0  }
0xe4: {  	[sflag:s30] =	ssyncadd.s32 $0xFFFFFB00  }
0xe5: {  	[tilespmem:s29], [sflag:$0x1] =	stream.indirect.gather [hbm4b:s4+s0], $0x80, s2, s0, $0xb8;
	[tilespmem:$0x1E600] =	vst v63  }
0xe6: {  	_ =	swait.ge [sflag:s3], $0xA000  }
0xe7: {  	[sflag:s3] =	ssyncset.done $0x0  }
0xe8: {  	[sflag:s3] =	ssyncadd.s32 $0xFFFF6000  }
0xe9: {  	[spmem:s1] =	stream.indirect.scatter.add.f32 [tilespmem:s29], [sflag:$0x2], $0x80, s31, s0, $0xb8;
	[tilespmem:$0x1E600] =	vst v63  }
0xea: {  	_ =	swait.ge [sflag:s30], $0xA000  }
0xeb: {  	[sflag:s30] =	ssyncset.done $0x0  }
0xec: {  	[sflag:s30] =	ssyncadd.s32 $0xFFFF6000  }
0xed: {  	[tilespmem:s29], [sflag:$0x1] =	stream.indirect.gather [hbm4b:s4+s0], $0x80, s0, s0, $0xb8;
	[tilespmem:$0x1E600] =	vst v63  }
0xee: {  	_ =	swait.ge [sflag:s3], $0xA000  }
0xef: {  	[sflag:s3] =	ssyncset.done $0x0  }
0xf0: {  	[sflag:s3] =	ssyncadd.s32 $0xFFFF6000  }
0xf1: {  	[spmem:s1] =	stream.indirect.scatter.add.f32 [tilespmem:s29], [sflag:$0x2], $0x80, s6, s0, $0xb8;
	[tilespmem:$0x1E600] =	vst v63  }
0xf2: {  	_ =	swait.ge [sflag:s30], $0xA000  }
0xf3: {  	[sflag:s30] =	ssyncset.done $0x0  }
0xf4: {  	[sflag:s30] =	ssyncadd.s32 $0xFFFF6000  }
0xf5: {  	[tilespmem:s29], [sflag:$0x1] =	stream.indirect.gather [hbm4b:s4+s0], $0x80, s7, s0, $0xb8;
	[tilespmem:$0x1E600] =	vst v63  }
0xf6: {  	_ =	swait.ge [sflag:s3], $0xA000  }
0xf7: {  	[sflag:s3] =	ssyncset.done $0x0  }
0xf8: {  	[sflag:s3] =	ssyncadd.s32 $0xFFFF6000  }
0xf9: {  	[spmem:s1] =	stream.indirect.scatter.add.f32 [tilespmem:s29], [sflag:$0x2], $0x80, s8, s0, $0xb8;
	[tilespmem:$0x1E600] =	vst v63  }
0xfa: {  	_ =	swait.ge [sflag:s30], $0xA000  }
0xfb: {  	[sflag:s30] =	ssyncset.done $0x0  }
0xfc: {  	[sflag:s30] =	ssyncadd.s32 $0xFFFF6000  }
0xfd: {  	[tilespmem:s29], [sflag:$0x1] =	stream.indirect.gather [hbm4b:s4+s0], $0x80, s9, s0, $0xb8;
	[tilespmem:$0x1E600] =	vst v63  }
0xfe: {  	_ =	swait.ge [sflag:s3], $0xA000  }
0xff: {  	[sflag:s3] =	ssyncset.done $0x0  }
0x100: {  	[sflag:s3] =	ssyncadd.s32 $0xFFFF6000  }
0x101: {  	[spmem:s1] =	stream.indirect.scatter.add.f32 [tilespmem:s29], [sflag:$0x2], $0x80, s10, s0, $0xb8;
	[tilespmem:$0x1E600] =	vst v63  }
0x102: {  	_ =	swait.ge [sflag:s30], $0xA000  }
0x103: {  	[sflag:s30] =	ssyncset.done $0x0  }
0x104: {  	[sflag:s30] =	ssyncadd.s32 $0xFFFF6000  }
0x105: {  	[tilespmem:s2], [sflag:$0x2] =	stream.linear.gather [hbm4b:s16+s2], $0x500, $0x38;
	[tilespmem:$0x1E600] =	vst v63  }
0x106: {  	_ =	swait.ge [sflag:s30], $0x500  }
0x107: {  	[sflag:s30] =	ssyncset.done $0x0  }
0x108: {  	[sflag:s30] =	ssyncadd.s32 $0xFFFFFB00  }
0x109: {  	[tilespmem:s31], [sflag:$0x2] =	stream.linear.gather [hbm4b:s17+s2], $0x500, $0x38;
	[tilespmem:$0x1E600] =	vst v63  }
0x10a: {  	_ =	swait.ge [sflag:s30], $0x500  }
0x10b: {  	[sflag:s30] =	ssyncset.done $0x0  }
0x10c: {  	[sflag:s30] =	ssyncadd.s32 $0xFFFFFB00  }
0x10d: {  	[tilespmem:s29], [sflag:$0x1] =	stream.indirect.gather [hbm4b:s4+s0], $0x80, s2, s0, $0xb8;
	[tilespmem:$0x1E600] =	vst v63  }
0x10e: {  	_ =	swait.ge [sflag:s3], $0xA000  }
0x10f: {  	[sflag:s3] =	ssyncset.done $0x0  }
0x110: {  	[sflag:s3] =	ssyncadd.s32 $0xFFFF6000  }
0x111: {  	[spmem:s1] =	stream.indirect.scatter.add.f32 [tilespmem:s29], [sflag:$0x2], $0x80, s31, s0, $0xb8;
	[tilespmem:$0x1E600] =	vst v63  }
0x112: {  	_ =	swait.ge [sflag:s30], $0xA000  }
0x113: {  	[sflag:s30] =	ssyncset.done $0x0  }
0x114: {  	[sflag:s30] =	ssyncadd.s32 $0xFFFF6000  }
0x115: {  	[tilespmem:s29], [sflag:$0x1] =	stream.indirect.gather [hbm4b:s4+s0], $0x80, s0, s0, $0xb8;
	[tilespmem:$0x1E600] =	vst v63  }
0x116: {  	_ =	swait.ge [sflag:s3], $0xA000  }
0x117: {  	[sflag:s3] =	ssyncset.done $0x0  }
0x118: {  	[sflag:s3] =	ssyncadd.s32 $0xFFFF6000  }
0x119: {  	[spmem:s1] =	stream.indirect.scatter.add.f32 [tilespmem:s29], [sflag:$0x2], $0x80, s6, s0, $0xb8;
	[tilespmem:$0x1E600] =	vst v63  }
0x11a: {  	_ =	swait.ge [sflag:s30], $0xA000  }
0x11b: {  	[sflag:s30] =	ssyncset.done $0x0  }
0x11c: {  	[sflag:s30] =	ssyncadd.s32 $0xFFFF6000  }
0x11d: {  	[tilespmem:s29], [sflag:$0x1] =	stream.indirect.gather [hbm4b:s4+s0], $0x80, s7, s0, $0xb8;
	[tilespmem:$0x1E600] =	vst v63  }
0x11e: {  	_ =	swait.ge [sflag:s3], $0xA000  }
0x11f: {  	[sflag:s3] =	ssyncset.done $0x0  }
0x120: {  	[sflag:s3] =	ssyncadd.s32 $0xFFFF6000  }
0x121: {  	[spmem:s1] =	stream.indirect.scatter.add.f32 [tilespmem:s29], [sflag:$0x2], $0x80, s8, s0, $0xb8;
	[tilespmem:$0x1E600] =	vst v63  }
0x122: {  	_ =	swait.ge [sflag:s30], $0xA000  }
0x123: {  	[sflag:s30] =	ssyncset.done $0x0  }
0x124: {  	[sflag:s30] =	ssyncadd.s32 $0xFFFF6000  }
0x125: {  	[tilespmem:s29], [sflag:$0x1] =	stream.indirect.gather [hbm4b:s4+s0], $0x80, s9, s0, $0xb8;
	[tilespmem:$0x1E600] =	vst v63  }
0x126: {  	_ =	swait.ge [sflag:s3], $0xA000  }
0x127: {  	[sflag:s3] =	ssyncset.done $0x0  }
0x128: {  	[sflag:s3] =	ssyncadd.s32 $0xFFFF6000  }
0x129: {  	[spmem:s1] =	stream.indirect.scatter.add.f32 [tilespmem:s29], [sflag:$0x2], $0x80, s10, s0, $0xb8;
	[tilespmem:$0x1E600] =	vst v63  }
0x12a: {  	_ =	swait.ge [sflag:s30], $0xA000  }
0x12b: {  	[sflag:s30] =	ssyncset.done $0x0  }
0x12c: {  	[sflag:s30] =	ssyncadd.s32 $0xFFFF6000  }
0x12d: {  	[tilespmem:s2], [sflag:$0x2] =	stream.linear.gather [hbm4b:s18+s2], $0x500, $0x38;
	[tilespmem:$0x1E600] =	vst v63  }
0x12e: {  	_ =	swait.ge [sflag:s30], $0x500  }
0x12f: {  	[sflag:s30] =	ssyncset.done $0x0  }
0x130: {  	[sflag:s30] =	ssyncadd.s32 $0xFFFFFB00  }
0x131: {  	[tilespmem:s31], [sflag:$0x2] =	stream.linear.gather [hbm4b:s19+s2], $0x500, $0x38;
	[tilespmem:$0x1E600] =	vst v63  }
0x132: {  	_ =	swait.ge [sflag:s30], $0x500  }
0x133: {  	[sflag:s30] =	ssyncset.done $0x0  }
0x134: {  	[sflag:s30] =	ssyncadd.s32 $0xFFFFFB00  }
0x135: {  	[tilespmem:s29], [sflag:$0x1] =	stream.indirect.gather [hbm4b:s4+s0], $0x80, s2, s0, $0xb8;
	[tilespmem:$0x1E600] =	vst v63  }
0x136: {  	_ =	swait.ge [sflag:s3], $0xA000  }
0x137: {  	[sflag:s3] =	ssyncset.done $0x0  }
0x138: {  	[sflag:s3] =	ssyncadd.s32 $0xFFFF6000  }
0x139: {  	[spmem:s1] =	stream.indirect.scatter.add.f32 [tilespmem:s29], [sflag:$0x2], $0x80, s31, s0, $0xb8;
	[tilespmem:$0x1E600] =	vst v63  }
0x13a: {  	_ =	swait.ge [sflag:s30], $0xA000  }
0x13b: {  	[sflag:s30] =	ssyncset.done $0x0  }
0x13c: {  	[sflag:s30] =	ssyncadd.s32 $0xFFFF6000  }
0x13d: {  	[tilespmem:s29], [sflag:$0x1] =	stream.indirect.gather [hbm4b:s4+s0], $0x80, s0, s0, $0xb8;
	[tilespmem:$0x1E600] =	vst v63  }
0x13e: {  	_ =	swait.ge [sflag:s3], $0xA000  }
0x13f: {  	[sflag:s3] =	ssyncset.done $0x0  }
0x140: {  	[sflag:s3] =	ssyncadd.s32 $0xFFFF6000  }
0x141: {  	[spmem:s1] =	stream.indirect.scatter.add.f32 [tilespmem:s29], [sflag:$0x2], $0x80, s6, s0, $0xb8;
	[tilespmem:$0x1E600] =	vst v63  }
0x142: {  	_ =	swait.ge [sflag:s30], $0xA000  }
0x143: {  	[sflag:s30] =	ssyncset.done $0x0  }
0x144: {  	[sflag:s30] =	ssyncadd.s32 $0xFFFF6000  }
0x145: {  	[tilespmem:s29], [sflag:$0x1] =	stream.indirect.gather [hbm4b:s4+s0], $0x80, s7, s0, $0xb8;
	[tilespmem:$0x1E600] =	vst v63  }
0x146: {  	_ =	swait.ge [sflag:s3], $0xA000  }
0x147: {  	[sflag:s3] =	ssyncset.done $0x0  }
0x148: {  	[sflag:s3] =	ssyncadd.s32 $0xFFFF6000  }
0x149: {  	[spmem:s1] =	stream.indirect.scatter.add.f32 [tilespmem:s29], [sflag:$0x2], $0x80, s8, s0, $0xb8;
	[tilespmem:$0x1E600] =	vst v63  }
0x14a: {  	_ =	swait.ge [sflag:s30], $0xA000  }
0x14b: {  	[sflag:s30] =	ssyncset.done $0x0  }
0x14c: {  	[sflag:s30] =	ssyncadd.s32 $0xFFFF6000  }
0x14d: {  	[tilespmem:s29], [sflag:$0x1] =	stream.indirect.gather [hbm4b:s4+s0], $0x80, s9, s0, $0xb8;
	[tilespmem:$0x1E600] =	vst v63  }
0x14e: {  	_ =	swait.ge [sflag:s3], $0xA000  }
0x14f: {  	[sflag:s3] =	ssyncset.done $0x0  }
0x150: {  	[sflag:s3] =	ssyncadd.s32 $0xFFFF6000  }
0x151: {  	[spmem:s1] =	stream.indirect.scatter.add.f32 [tilespmem:s29], [sflag:$0x2], $0x80, s10, s0, $0xb8;
	[tilespmem:$0x1E600] =	vst v63  }
0x152: {  	_ =	swait.ge [sflag:s30], $0xA000  }
0x153: {  	[sflag:s30] =	ssyncset.done $0x0  }
0x154: {  	[sflag:s30] =	ssyncadd.s32 $0xFFFF6000  }
0x155: {  	[tilespmem:s2], [sflag:$0x2] =	stream.linear.gather [hbm4b:s20+s2], $0x500, $0x38;
	[tilespmem:$0x1E600] =	vst v63  }
0x156: {  	_ =	swait.ge [sflag:s30], $0x500  }
0x157: {  	[sflag:s30] =	ssyncset.done $0x0  }
0x158: {  	[sflag:s30] =	ssyncadd.s32 $0xFFFFFB00  }
0x159: {  	[tilespmem:s31], [sflag:$0x2] =	stream.linear.gather [hbm4b:s21+s2], $0x500, $0x38;
	[tilespmem:$0x1E600] =	vst v63  }
0x15a: {  	_ =	swait.ge [sflag:s30], $0x500  }
0x15b: {  	[sflag:s30] =	ssyncset.done $0x0  }
0x15c: {  	[sflag:s30] =	ssyncadd.s32 $0xFFFFFB00  }
0x15d: {  	[tilespmem:s29], [sflag:$0x1] =	stream.indirect.gather [hbm4b:s4+s0], $0x80, s2, s0, $0xb8;
	[tilespmem:$0x1E600] =	vst v63  }
0x15e: {  	_ =	swait.ge [sflag:s3], $0xA000  }
0x15f: {  	[sflag:s3] =	ssyncset.done $0x0  }
0x160: {  	[sflag:s3] =	ssyncadd.s32 $0xFFFF6000  }
0x161: {  	[spmem:s1] =	stream.indirect.scatter.add.f32 [tilespmem:s29], [sflag:$0x2], $0x80, s31, s0, $0xb8;
	[tilespmem:$0x1E600] =	vst v63  }
0x162: {  	_ =	swait.ge [sflag:s30], $0xA000  }
0x163: {  	[sflag:s30] =	ssyncset.done $0x0  }
0x164: {  	[sflag:s30] =	ssyncadd.s32 $0xFFFF6000  }
0x165: {  	[tilespmem:s29], [sflag:$0x1] =	stream.indirect.gather [hbm4b:s4+s0], $0x80, s0, s0, $0xb8;
	[tilespmem:$0x1E600] =	vst v63  }
0x166: {  	_ =	swait.ge [sflag:s3], $0xA000  }
0x167: {  	[sflag:s3] =	ssyncset.done $0x0  }
0x168: {  	[sflag:s3] =	ssyncadd.s32 $0xFFFF6000  }
0x169: {  	[spmem:s1] =	stream.indirect.scatter.add.f32 [tilespmem:s29], [sflag:$0x2], $0x80, s6, s0, $0xb8;
	[tilespmem:$0x1E600] =	vst v63  }
0x16a: {  	_ =	swait.ge [sflag:s30], $0xA000  }
0x16b: {  	[sflag:s30] =	ssyncset.done $0x0  }
0x16c: {  	[sflag:s30] =	ssyncadd.s32 $0xFFFF6000  }
0x16d: {  	[tilespmem:s29], [sflag:$0x1] =	stream.indirect.gather [hbm4b:s4+s0], $0x80, s7, s0, $0xb8;
	[tilespmem:$0x1E600] =	vst v63  }
0x16e: {  	_ =	swait.ge [sflag:s3], $0xA000  }
0x16f: {  	[sflag:s3] =	ssyncset.done $0x0  }
0x170: {  	[sflag:s3] =	ssyncadd.s32 $0xFFFF6000  }
0x171: {  	[spmem:s1] =	stream.indirect.scatter.add.f32 [tilespmem:s29], [sflag:$0x2], $0x80, s8, s0, $0xb8;
	[tilespmem:$0x1E600] =	vst v63  }
0x172: {  	_ =	swait.ge [sflag:s30], $0xA000  }
0x173: {  	[sflag:s30] =	ssyncset.done $0x0  }
0x174: {  	[sflag:s30] =	ssyncadd.s32 $0xFFFF6000  }
0x175: {  	[tilespmem:s29], [sflag:$0x1] =	stream.indirect.gather [hbm4b:s4+s0], $0x80, s9, s0, $0xb8;
	[tilespmem:$0x1E600] =	vst v63  }
0x176: {  	_ =	swait.ge [sflag:s3], $0xA000  }
0x177: {  	[sflag:s3] =	ssyncset.done $0x0  }
0x178: {  	[sflag:s3] =	ssyncadd.s32 $0xFFFF6000  }
0x179: {  	[spmem:s1] =	stream.indirect.scatter.add.f32 [tilespmem:s29], [sflag:$0x2], $0x80, s10, s0, $0xb8;
	[tilespmem:$0x1E600] =	vst v63  }
0x17a: {  	s15 =	stileid.u32;
	_ =	swait.ge [sflag:s30], $0xA000  }
0x17b: {  	s11 =	sadd.s32 $0x1, s11;
	s12 =	sshll.u32 s15, $0x6;
	[sflag:s30] =	ssyncset.done $0x0  }
0x17c: {  	p0 =	sne.s32 s11, s25;
	s12 =	sor.u32 $0x1C02, s12;
	[sflag:s30] =	ssyncadd.s32 $0xFFFF6000  }
.Ltmp1:
0x17d: {  	s13 =	sshrl.u32 s5, $0x3;
	[bflag:$0x0] =	sbarrier.arrive $0xFFFF;
	(pc) =	sbr.rel @p0 .LBB2_1-.Ltmp1, $4  }
0x17e: {  	[hbm:s23], [sflag:s12] =	dma.local [spmem:s13], $0x2780  }
0x17f: {  	_ =	swait.ge [sflag:s30], $0x2780  }
0x180: {  	[sflag:s30] =	ssyncset.done $0x0  }
0x181: {  	[sflag:s30] =	ssyncadd.s32 $0xFFFFD880  }
0x182: {  	_ =	sfence.sel $0x180000  }
0x183: {  	[bflag:$0x0] =	sbarrier.arrive $0xFFFF  }
0x184: {  	_ =	strace $0x9000004A  }
0x185: {  	s0 =	stileid.u32;
	[bflag:$0x2] =	sbarrier.arrive $0xFFFF  }
0x186: {  	p0 =	sne.s32 s0, $0x0;
	s0 =	rddreg [dreg:$0x3]  }
0x187: {  	s0 =	sadd.s32 @!p0 $0x100000, s0  }
0x188: {  	[sflag:s0] =	ssyncadd.tile.s32 @!p0 $0x1;
	_ =	shalt  }
.Lfunc_end2:
_tile_overlayer_lowered:
.L_overlay_start_2:
0x189: {  	(tag) =	ssettag $0x2  }
0x18a: {  	s0 =	rddreg [dreg:$0x0];
	s2 =	stileid.u32  }
0x18b: {  	s1 =	rddreg [dreg:$0x1];
	p0 =	sne.s32 s2, $0x0  }
0x18c: {  	s3 =	rddreg [dreg:$0x2];
	[bflag:$0x3] =	sbarrier.arrive $0xFFFF;
	s2 =	simm.s32 @!p0 $0x1C02  }
0x18d: {  	[timem:s3], [sflag:s2] =	dma.local @!p0 [hbm:s0], s1  }
0x18e: {  	s0 =	simm.s32 @!p0 $0x2  }
0x18f: {  	_ =	swait.ge @!p0 [sflag:s0], s1  }
0x190: {  	s1 =	ssub.s32 @!p0 $0x0, s1;
	[sflag:s0] =	ssyncset.done @!p0 $0x0  }
0x191: {  	[sflag:s0] =	ssyncadd.s32 @!p0 s1  }
0x192: {  	[bflag:$0x3] =	sbarrier.arrive $0xFFFF  }
0x193: {  	_ =	shalt  }

// kernel: kernel.14.cloned.1.call-start
scs
__scs_entry_jumppad:
0x0: {  	(pc) =	sbr.rel $0x88, $3  }
0x1: {  	(tag) =	ssettag $0x0;
	lr =	simm.s32 $0x1  }
0x2: {  	[smem:$0x3F99] =	sst lr;
	_ =	strace $0xD0000000  }
0x3: {  	_ = 	snop  }
0x4: {  	_ = 	snop  }
0x5: {  	_ = 	snop  }
0x6: {  	_ = 	snop  }
0x7: {  	_ = 	snop  }
__scs_overlays_trampoline_lowered:
0x8: {  	[smem:$0x3FA8] =	sst s0  }
0x9: {  	[smem:$0x3FA9] =	sst s1  }
0xa: {  	[smem:$0x3FAA] =	sst s2  }
0xb: {  	[smem:$0x3FAB] =	sst s3  }
0xc: {  	[smem:$0x3FAC] =	sst s4  }
0xd: {  	[smem:$0x3FAD] =	sst s5  }
0xe: {  	[smem:$0x3FAE] =	sst s6  }
0xf: {  	[smem:$0x3FAF] =	sst s7  }
0x10: {  	[smem:$0x3FB0] =	sst s8  }
0x11: {  	[smem:$0x3FB1] =	sst s9;
	s0 =	simm.s32 @!p0 $0x0  }
0x12: {  	s1 =	sld [smem:$0x3F97];
	s0 =	simm.s32 @p0 $0x1  }
0x13: {  	[smem:$0x3FB2] =	sst s0;
	s0 =	simm.s32 @!p1 $0x0  }
0x14: {  	s2 =	sld [smem:$0x3F96];
	s0 =	simm.s32 @p1 $0x1  }
0x15: {  	[smem:$0x3FB3] =	sst s0;
	s0 =	simm.s32 @!p2 $0x0  }
0x16: {  	s3 =	sld [smem:$0x3FDB];
	s0 =	simm.s32 @p2 $0x1  }
0x17: {  	s4 =	simm.s32 $0x1BF5;
	[smem:$0x3FB5] =	sst s0  }
0x18: {  	s0 =	sld [smem:$0x3F98];
	_ =	swait.ge [sflag:s4], $0x0  }
0x19: {  	s7 =	sld [smem:$0x3F99]  }
0x1a: {  	s8 =	sadd.s32 $0xFFFFE003, lr  }
0x1b: {  	s9 =	sadd.s32 $0xFFFFFEF7, lr;
	s5 =	simm.s32 $0xFFFFFFFF;
	p2 =	slt.u32 s8, $0xFFFFF086  }
0x1c: {  	p1 =	slt.u32 s9, $0xF7A;
	s5 =	simm.s32 @!p2 $0x0  }
0x1d: {  	s5 =	simm.s32 @p1 $0x1;
	p0 =	seq.s32 s7, s2  }
0x1e: {  	s7 =	smul.u32 @!p0 $0xF7A, s2;
	p2 =	seq.s32 @!p0 s5, $0x0  }
0x1f: {  	s9 =	smul.u32 $0xF7A, s1;
	s8 =	simm.s32 @!p0 $0x1BF5;
	p2 =	por !p2, p0  }
0x20: {  	[sflag:s8] =	ssyncset.s32 @!p0 $0xFFFFF086;
	s6 =	sadd.s32 @!p0 s3, s7;
	s7 =	simm.s32 @!p0 $0x108  }
0x21: {  	s3 =	sadd.s32 s3, s9;
	s6 =	sadd.s32 @!p0 $0x88, s6;
	s7 =	simm.s32 @p2 $0x1082  }
0x22: {  	[simem:s7], [sflag:s8] =	dma.local @!p0 [hbm:s6], $0xF7A  }
0x23: {  	s9 =	sor.u32 $0xD0000000, s2;
	s6 =	simm.s32 $0x108;
	_ =	swait.ge @!p0 [sflag:s8], $0x0  }
0x24: {  	s3 =	sadd.s32 $0x88, s3;
	s6 =	simm.s32 @!p1 $0x1082;
	[sflag:s4] =	ssyncset.s32 $0xFFFFF086  }
0x25: {  	[simem:s6], [sflag:s4] =	dma.local [hbm:s3], $0xF7A  }
0x26: {  	[smem:$0x3F99] =	sst s1;
	(tag) =	ssettag s2;
	_ =	strace s9  }
0x27: {  	s1 =	sld [smem:$0x3FA9]  }
0x28: {  	s2 =	sld [smem:$0x3FAA]  }
0x29: {  	s4 =	sld [smem:$0x3FAC]  }
0x2a: {  	p0 =	seq.s32 s5, $0x0;
	s5 =	sld [smem:$0x3FAD]  }
0x2b: {  	s6 =	sld [smem:$0x3FAE]  }
0x2c: {  	s7 =	sld [smem:$0x3FAF]  }
0x2d: {  	s3 =	simm.s32 $0x108;
	s8 =	sld [smem:$0x3FB0]  }
0x2e: {  	s3 =	simm.s32 @!p0 $0x1082;
	s9 =	sld [smem:$0x3FB1]  }
0x2f: {  	lr =	sadd.s32 s0, s3;
	s0 =	sld [smem:$0x3FA8]  }
0x30: {  	s3 =	sld [smem:$0x3FAB]  }
0x31: {  	[smem:$0x3FB4] =	sst s10  }
0x32: {  	s10 =	sld [smem:$0x3FB2];
	_ =	sdelay $0x3  }
0x33: {  	p0 =	seq.s32 s10, $0x1;
	s10 =	sld [smem:$0x3FB4];
	_ =	sdelay $0x3  }
0x34: {  	[smem:$0x3FB4] =	sst s10  }
0x35: {  	s10 =	sld [smem:$0x3FB3];
	_ =	sdelay $0x3  }
0x36: {  	p1 =	seq.s32 s10, $0x1;
	s10 =	sld [smem:$0x3FB4];
	_ =	sdelay $0x3  }
0x37: {  	[smem:$0x3FB4] =	sst s10  }
0x38: {  	s10 =	sld [smem:$0x3FB5]  }
0x39: {  	_ = 	snop;
	(pc) =	sbr.ind lr, $3  }
0x3a: {  	_ = 	snop  }
0x3b: {  	_ = 	snop  }
0x3c: {  	p2 =	seq.s32 s10, $0x1;
	s10 =	sld [smem:$0x3FB4]  }
0x3d: {  	_ =	shalt  }
0x3e: {  	_ =	shalt  }
0x3f: {  	_ =	shalt  }
0x40: {  	_ =	shalt  }
0x41: {  	_ =	shalt  }
0x42: {  	_ =	shalt  }
0x43: {  	_ =	shalt  }
0x44: {  	_ =	shalt  }
0x45: {  	_ =	shalt  }
0x46: {  	_ =	shalt  }
0x47: {  	_ =	shalt  }
0x48: {  	_ =	shalt  }
0x49: {  	_ =	shalt  }
0x4a: {  	_ =	shalt  }
0x4b: {  	_ =	shalt  }
0x4c: {  	_ =	shalt  }
0x4d: {  	_ =	shalt  }
0x4e: {  	_ =	shalt  }
0x4f: {  	_ =	shalt  }
0x50: {  	_ =	shalt  }
0x51: {  	_ =	shalt  }
0x52: {  	_ =	shalt  }
0x53: {  	_ =	shalt  }
0x54: {  	_ =	shalt  }
0x55: {  	_ =	shalt  }
0x56: {  	_ =	shalt  }
0x57: {  	_ =	shalt  }
0x58: {  	_ =	shalt  }
0x59: {  	_ =	shalt  }
0x5a: {  	_ =	shalt  }
0x5b: {  	_ =	shalt  }
0x5c: {  	_ =	shalt  }
0x5d: {  	_ =	shalt  }
0x5e: {  	_ =	shalt  }
0x5f: {  	_ =	shalt  }
0x60: {  	_ =	shalt  }
0x61: {  	_ =	shalt  }
0x62: {  	_ =	shalt  }
0x63: {  	_ =	shalt  }
0x64: {  	_ =	shalt  }
0x65: {  	_ =	shalt  }
0x66: {  	_ =	shalt  }
0x67: {  	_ =	shalt  }
0x68: {  	_ =	shalt  }
0x69: {  	_ =	shalt  }
0x6a: {  	_ =	shalt  }
0x6b: {  	_ =	shalt  }
0x6c: {  	_ =	shalt  }
0x6d: {  	_ =	shalt  }
0x6e: {  	_ =	shalt  }
0x6f: {  	_ =	shalt  }
0x70: {  	_ =	shalt  }
0x71: {  	_ =	shalt  }
0x72: {  	_ =	shalt  }
0x73: {  	_ =	shalt  }
0x74: {  	_ =	shalt  }
0x75: {  	_ =	shalt  }
0x76: {  	_ =	shalt  }
0x77: {  	_ =	shalt  }
0x78: {  	_ =	shalt  }
0x79: {  	_ =	shalt  }
0x7a: {  	_ =	shalt  }
0x7b: {  	_ =	shalt  }
0x7c: {  	_ =	shalt  }
0x7d: {  	_ =	shalt  }
0x7e: {  	_ =	shalt  }
0x7f: {  	_ =	shalt  }
0x80: {  	_ =	shalt  }
0x81: {  	_ =	shalt  }
0x82: {  	_ =	shalt  }
0x83: {  	_ =	shalt  }
0x84: {  	_ =	shalt  }
0x85: {  	_ =	shalt  }
0x86: {  	_ =	shalt  }
0x87: {  	_ =	shalt  }
.Lfunc_end0:
.L_simem_size_0:
called_computation.2_lowered:
.L_overlay_start_0:
0x88: {  	s2 =	sld [smem:$0x3FD9]  }
0x89: {  	s3 =	sld [smem:$0x3FFE];
	_ =	sdelay $0x1  }
0x8a: {  	s1 =	srdreg.scid  }
0x8b: {  	s0 =	sand.u32 $0x1, s1  }
0x8c: {  	s17 =	sshll.u32 s0, $0xA;
	s2 =	sadd.s32 s3, s2  }
0x8d: {  	s2 =	sadd.s32 s2, s17  }
0x8e: {  	[smem:$0x3FC0] =	sst s2  }
0x8f: {  	_ = 	snop  }
0x90: {  	s2 =	sld [smem:$0x3FD0];
	(tm) =	ssettm $0x1  }
0x91: {  	s18 =	sld [smem:$0x3FFB];
	_ =	sdelay $0x3  }
0x92: {  	_ =	strace s18  }
0x93: {  	s3 =	sld [smem:$0x3FFC];
	_ =	sdelay $0x3  }
0x94: {  	_ =	strace s3  }
0x95: {  	s3 =	sld [smem:$0x3FFD];
	_ =	sdelay $0x3  }
0x96: {  	_ =	strace s3  }
0x97: {  	_ =	strace $0x8FFFFFFF  }
0x98: {  	s19 =	sld [smem:$0x3FDB];
	_ =	sdelay $0x1  }
0x99: {  	s4 =	simm.s32 $_scs_section_size  }
0x9a: {  	s5 =	simm.s32 $_size__tile_overlayer_lowered;
	s6 =	simm.s32 $_tile_overlayer_lowered  }
0x9b: {  	s22 =	simm.s32 $0x1BFF;
	s21 =	sshll.u32 s6, $0x1;
	s3 =	sadd.s32 s4, s19  }
0x9c: {  	s7 =	simm.s32 $0x0;
	s20 =	sshll.u32 s5, $0x1;
	s5 =	sadd.s32 s21, s3  }
0x9d: {  	[timem:s7], [sflag:s22] =	dma.local [hbm:s5], s20  }
0x9e: {  	_ =	swait.ge [sflag:s22], s20  }
0x9f: {  	s4 =	ssub.s32 $0x0, s20;
	[sflag:s22] =	ssyncset.done $0x0  }
0xa0: {  	[sflag:s22] =	ssyncadd.s32 s4;
	_ =	sdelay $0x1  }
0xa1: {  	s23 =	simm.s32 $0x1B8B  }
0xa2: {  	_ =	swait.ge [sflag:s23], $0x1  }
0xa3: {  	[sflag:s23] =	ssyncset.done $0x0  }
0xa4: {  	s25 =	simm.s32 $0x1B8E;
	s24 =	sld [smem:$0x3FFE];
	[sflag:s23] =	ssyncadd.s32 $0xFFFFFFFF  }
0xa5: {  	s26 =	simm.s32 $execute0_lowered;
	[smem:$0x3FD2] =	sst s25  }
0xa6: {  	s5 =	sshll.u32 s26, $0x1;
	_ =	strace $0x8000004C;
	[dreg:$0x1] =	wrdreg $0xFFFFFFFF  }
0xa7: {  	s28 =	simm.s32 $_size_execute0_lowered;
	s3 =	sadd.s32 s3, s5;
	[dreg:$0x0] =	wrdreg $0x0  }
0xa8: {  	s5 =	sshll.u32 s28, $0x1;
	[dreg:$0x2] =	wrdreg s3  }
0xa9: {  	[dreg:$0x3] =	wrdreg s5  }
0xaa: {  	[dreg:$0x4] =	wrdreg $0xC0  }
0xab: {  	_ =	task [dreg:s7], $0x5FFFF  }
0xac: {  	[dreg:$0x1] =	wrdreg $0xFFFFFFFF  }
0xad: {  	[dreg:$0x0] =	wrdreg $0x60  }
0xae: {  	[dreg:$0x2] =	wrdreg s24  }
0xaf: {  	[dreg:$0x3] =	wrdreg s2  }
0xb0: {  	[dreg:$0x4] =	wrdreg $0xAA000  }
0xb1: {  	[dreg:$0x5] =	wrdreg $0x9  }
0xb2: {  	_ =	task.clear_ibuf [dreg:s7], $0x6FFFF;
	_ =	strace $0x9000004C  }
0xb3: {  	s29 =	simm.s32 $0x9;
	_ =	strace $0x8000004E  }
0xb4: {  	_ =	swait.ge [sflag:s29], $0x1  }
0xb5: {  	[sflag:s29] =	ssyncadd.s32 $0xFFFFFFFF  }
0xb6: {  	_ =	strace $0x9000004E  }
0xb7: {  	_ =	sfence  }
0xb8: {  	s30 =	sld [smem:$0x0];
	_ =	sdelay $0x2  }
0xb9: {  	s31 =	sshll.u32 s1, $0xD;
	s1 =	sshrl.u32 s1, $0x2  }
0xba: {  	s3 =	sand.u32 $0x4000, s31;
	s1 =	sadd.s32 s1, s30  }
0xbb: {  	s0 =	sor.u32 s3, s0;
	s1 =	sshll.u32 s1, $0x11  }
0xbc: {  	s0 =	sor.u32 s1, s0  }
0xbd: {  	s0 =	sadd.s32 $0x8F2B, s0  }
0xbe: {  	[sflag:s0] =	ssyncadd.remote.s32 $0x1  }
0xbf: {  	_ =	sfence.sel $0xFFFF  }
0xc0: {  	[dreg:$0x0] =	wrdreg $0xFFFFFFFF;
	(pc) =	sbr.abs _section_cstart, $3  }
0xc1: {  	[dreg:$0x1] =	wrdreg $0xFFFFFFFF  }
0xc2: {  	_ =	task.clear_ibuf [dreg:s7], $0x2FFFF;
	_ =	strace $0x9FFFFFFF  }
0xc3: {  	(tm) =	ssettm $0x7FFFFFFF  }
tec
execute0_lowered:
.L_overlay_start_1:
0x0: {  	(tag) =	ssettag $0x1  }
0x1: {  	s0 =	rddreg [dreg:$0x0]  }
0x2: {  	s3 =	rddreg [dreg:$0x1]  }
0x3: {  	s1 =	rddreg [dreg:$0x2]  }
0x4: {  	s2 =	simm.s32 $0x0;
	s4 =	srdreg.scid;
	s10 =	stileid.u32  }
0x5: {  	s29 =	simm.s32 $0xA00;
	s30 =	simm.s32 $0x2;
	s31 =	simm.s32 $0x500  }
0x6: {  	[smem:$0x7FF] =	sst s2;
	s5 =	sand.u32 $0x1, s4;
	s4 =	sadd.s32 $0xCC00, s0  }
0x7: {  	s8 =	smul.u32 $0x4F000, s10;
	s9 =	sadd.s32 $0x2C00, s0;
	s7 =	sshll.u32 s5, $0x4  }
0x8: {  	s6 =	smul.u32 $0x27800, s5;
	s5 =	ssub.s32 $0x2, s5;
	s7 =	sor.u32 s10, s7  }
0x9: {  	_ =	strace $0x8000004D;
	s15 =	sshrl.u32 s5, $0x1;
	s7 =	smul.u32 $0x2800, s7  }
0xa: {  	s8 =	sshrl.u32 s8, $0x2;
	s10 =	smul.u32 $0x2780, s10;
	s0 =	sadd.s32 s6, s0  }
0xb: {  	s6 =	ssub.s32 s5, s15;
	s5 =	sadd.s32 s8, s1;
	s7 =	sshrl.u32 s7, $0x3  }
0xc: {  	s0 =	sadd.s32 $0x34400, s0;
	s28 =	sadd.s32 $0x10000, s5;
	s16 =	sadd.s32 s9, s7  }
0xd: {  	s17 =	sadd.s32 s3, s7;
	s18 =	sor.u32 $0xA0, s7;
	s19 =	sadd.s32 $0x140, s7  }
0xe: {  	s21 =	sadd.s32 $0x1E0, s7;
	s23 =	sadd.s32 $0x280, s7;
	s25 =	sadd.s32 $0x320, s7  }
0xf: {  	s26 =	sadd.s32 $0x3C0, s7;
	s7 =	sadd.s32 $0x460, s7;
	[dreg:$0x4] =	wrdreg s16  }
0x10: {  	[dreg:$0x5] =	wrdreg s17;
	s11 =	sadd.s32 s9, s18;
	s8 =	sadd.s32 s3, s18  }
0x11: {  	s20 =	sadd.s32 s9, s19;
	s22 =	sadd.s32 s9, s21;
	[dreg:$0x6] =	wrdreg s11  }
0x12: {  	s24 =	sadd.s32 s9, s23;
	s16 =	sadd.s32 s9, s25;
	[dreg:$0x7] =	wrdreg s8  }
0x13: {  	s17 =	sadd.s32 s3, s25;
	s18 =	sadd.s32 s9, s26;
	[dreg:$0x8] =	wrdreg s20  }
0x14: {  	s25 =	smax.u32 s6, $0x1;
	s6 =	simm.s32 $0x640;
	[dreg:$0xa] =	wrdreg s22  }
0x15: {  	s8 =	sadd.s32 s3, s19;
	[dreg:$0xc] =	wrdreg s24;
	s19 =	sadd.s32 s3, s26  }
0x16: {  	s20 =	sadd.s32 s9, s7;
	s22 =	sadd.s32 $0x4000, s5;
	s24 =	sadd.s32 $0x8000, s5  }
0x17: {  	s26 =	sadd.s32 $0xC000, s5;
	s9 =	simm.s32 $0x3C0;
	s11 =	simm.s32 $0x0  }
0x18: {  	[dreg:$0x9] =	wrdreg s8;
	s8 =	sadd.s32 s3, s21;
	s21 =	sadd.s32 s3, s7  }
0x19: {  	s7 =	simm.s32 $0x280;
	[dreg:$0xb] =	wrdreg s8;
	s8 =	sadd.s32 s3, s23  }
0x1a: {  	s23 =	sadd.s32 s10, s0;
	s0 =	simm.s32 $0x140;
	s3 =	simm.s32 $0x1  }
0x1b: {  	v0 =	vimm.f32 $0.0e+00;
	s10 =	simm.s32 $0x8C0;
	[dreg:$0xd] =	wrdreg s8;
	s8 =	simm.s32 $0x780  }
.LBB2_1:
0x1c: {  	s12 =	sand.u32 $0xFE00, s2  }
0x1d: {  	s13 =	sand.u32 $0x70, s2;
	s14 =	sshrl.u32 s12, $0x2  }
0x1e: {  	s12 =	simm.s32 $0x40;
	s14 =	sor.u32 s13, s14;
	s13 =	simm.s32 $0x0  }
.LBB2_2:
0x1f: {  	p0 =	sne.s32 s12, $0xFFC0  }
0x20: {  	[tilespmem:s14+$0xA00] =	vst v0;
	s13 =	sadd.s32 $0x10, s13;
	s14 =	smov.u32 s12;
	s12 =	sadd.s32 $0x40, s12  }
.Ltmp0:
0x21: {  	(pc) =	sbr.rel @p0 .LBB2_2-.Ltmp0, $4  }
0x22: {  	_ = 	snop  }
0x23: {  	s14 =	sand.u32 $0xFE00, s14  }
0x24: {  	s15 =	sand.u32 $0x70, s13;
	s14 =	sshrl.u32 s14, $0x2  }
0x25: {  	s14 =	sor.u32 s15, s14  }
0x26: {  	[tilespmem:s14+$0xA00] =	vst v0  }
0x27: {  	[spmem:s5] =	stream.linear.scatter [tilespmem:s29], [sflag:$0x2], $0x4000, $0x38;
	[tilespmem:$0x1E600] =	vst v63  }
0x28: {  	_ =	swait.ge [sflag:s30], $0x4000  }
0x29: {  	[sflag:s30] =	ssyncset.done $0x0  }
0x2a: {  	[sflag:s30] =	ssyncadd.s32 $0xFFFFC000  }
0x2b: {  	[spmem:s22] =	stream.linear.scatter [tilespmem:s29], [sflag:$0x2], $0x4000, $0x38;
	[tilespmem:$0x1E600] =	vst v63  }
0x2c: {  	_ =	swait.ge [sflag:s30], $0x4000  }
0x2d: {  	[sflag:s30] =	ssyncset.done $0x0  }
0x2e: {  	[sflag:s30] =	ssyncadd.s32 $0xFFFFC000  }
0x2f: {  	[spmem:s24] =	stream.linear.scatter [tilespmem:s29], [sflag:$0x2], $0x4000, $0x38;
	[tilespmem:$0x1E600] =	vst v63  }
0x30: {  	_ =	swait.ge [sflag:s30], $0x4000  }
0x31: {  	[sflag:s30] =	ssyncset.done $0x0  }
0x32: {  	[sflag:s30] =	ssyncadd.s32 $0xFFFFC000  }
0x33: {  	[spmem:s26] =	stream.linear.scatter [tilespmem:s29], [sflag:$0x2], $0x4000, $0x38;
	[tilespmem:$0x1E600] =	vst v63  }
0x34: {  	_ =	swait.ge [sflag:s30], $0x4000  }
0x35: {  	[sflag:s30] =	ssyncset.done $0x0  }
0x36: {  	[sflag:s30] =	ssyncadd.s32 $0xFFFFC000  }
0x37: {  	[spmem:s28] =	stream.linear.scatter [tilespmem:s29], [sflag:$0x2], $0x3C00, $0x38;
	[tilespmem:$0x1E600] =	vst v63  }
0x38: {  	_ =	swait.ge [sflag:s30], $0x3C00  }
0x39: {  	[sflag:s30] =	ssyncset.done $0x0  }
0x3a: {  	[sflag:s30] =	ssyncadd.s32 $0xFFFFC400  }
0x3b: {  	[bflag:$0x0] =	sbarrier.arrive $0xFFFF  }
0x3c: {  	s12 =	rddreg [dreg:$0x4]  }
0x3d: {  	[tilespmem:s2], [sflag:$0x2] =	stream.linear.gather [hbm4b:s12+s2], $0x500, $0x38;
	[tilespmem:$0x1E600] =	vst v63  }
0x3e: {  	_ =	swait.ge [sflag:s30], $0x500  }
0x3f: {  	[sflag:s30] =	ssyncset.done $0x0  }
0x40: {  	s15 =	rddreg [dreg:$0x5];
	[sflag:s30] =	ssyncadd.s32 $0xFFFFFB00  }
0x41: {  	[tilespmem:s31], [sflag:$0x2] =	stream.linear.gather [hbm4b:s15+s2], $0x500, $0x38;
	[tilespmem:$0x1E600] =	vst v63  }
0x42: {  	_ =	swait.ge [sflag:s30], $0x500  }
0x43: {  	[sflag:s30] =	ssyncset.done $0x0  }
0x44: {  	[sflag:s30] =	ssyncadd.s32 $0xFFFFFB00  }
0x45: {  	[tilespmem:s29], [sflag:$0x1] =	stream.indirect.gather [hbm4b:s4+s0], $0x80, s2, s0, $0xb8;
	[tilespmem:$0x1E600] =	vst v63  }
0x46: {  	_ =	swait.ge [sflag:s3], $0xA000  }
0x47: {  	[sflag:s3] =	ssyncset.done $0x0  }
0x48: {  	[sflag:s3] =	ssyncadd.s32 $0xFFFF6000  }
0x49: {  	[spmem:s1] =	stream.indirect.scatter.add.f32 [tilespmem:s29], [sflag:$0x2], $0x80, s31, s0, $0xb8;
	[tilespmem:$0x1E600] =	vst v63  }
0x4a: {  	_ =	swait.ge [sflag:s30], $0xA000  }
0x4b: {  	[sflag:s30] =	ssyncset.done $0x0  }
0x4c: {  	[sflag:s30] =	ssyncadd.s32 $0xFFFF6000  }
0x4d: {  	[tilespmem:s29], [sflag:$0x1] =	stream.indirect.gather [hbm4b:s4+s0], $0x80, s0, s0, $0xb8;
	[tilespmem:$0x1E600] =	vst v63  }
0x4e: {  	_ =	swait.ge [sflag:s3], $0xA000  }
0x4f: {  	[sflag:s3] =	ssyncset.done $0x0  }
0x50: {  	[sflag:s3] =	ssyncadd.s32 $0xFFFF6000  }
0x51: {  	[spmem:s1] =	stream.indirect.scatter.add.f32 [tilespmem:s29], [sflag:$0x2], $0x80, s6, s0, $0xb8;
	[tilespmem:$0x1E600] =	vst v63  }
0x52: {  	_ =	swait.ge [sflag:s30], $0xA000  }
0x53: {  	[sflag:s30] =	ssyncset.done $0x0  }
0x54: {  	[sflag:s30] =	ssyncadd.s32 $0xFFFF6000  }
0x55: {  	[tilespmem:s29], [sflag:$0x1] =	stream.indirect.gather [hbm4b:s4+s0], $0x80, s7, s0, $0xb8;
	[tilespmem:$0x1E600] =	vst v63  }
0x56: {  	_ =	swait.ge [sflag:s3], $0xA000  }
0x57: {  	[sflag:s3] =	ssyncset.done $0x0  }
0x58: {  	[sflag:s3] =	ssyncadd.s32 $0xFFFF6000  }
0x59: {  	[spmem:s1] =	stream.indirect.scatter.add.f32 [tilespmem:s29], [sflag:$0x2], $0x80, s8, s0, $0xb8;
	[tilespmem:$0x1E600] =	vst v63  }
0x5a: {  	_ =	swait.ge [sflag:s30], $0xA000  }
0x5b: {  	[sflag:s30] =	ssyncset.done $0x0  }
0x5c: {  	[sflag:s30] =	ssyncadd.s32 $0xFFFF6000  }
0x5d: {  	[tilespmem:s29], [sflag:$0x1] =	stream.indirect.gather [hbm4b:s4+s0], $0x80, s9, s0, $0xb8;
	[tilespmem:$0x1E600] =	vst v63  }
0x5e: {  	_ =	swait.ge [sflag:s3], $0xA000  }
0x5f: {  	[sflag:s3] =	ssyncset.done $0x0  }
0x60: {  	[sflag:s3] =	ssyncadd.s32 $0xFFFF6000  }
0x61: {  	[spmem:s1] =	stream.indirect.scatter.add.f32 [tilespmem:s29], [sflag:$0x2], $0x80, s10, s0, $0xb8;
	[tilespmem:$0x1E600] =	vst v63  }
0x62: {  	_ =	swait.ge [sflag:s30], $0xA000  }
0x63: {  	[sflag:s30] =	ssyncset.done $0x0  }
0x64: {  	s13 =	rddreg [dreg:$0x6];
	[sflag:s30] =	ssyncadd.s32 $0xFFFF6000  }
0x65: {  	[tilespmem:s2], [sflag:$0x2] =	stream.linear.gather [hbm4b:s13+s2], $0x500, $0x38;
	[tilespmem:$0x1E600] =	vst v63  }
0x66: {  	_ =	swait.ge [sflag:s30], $0x500  }
0x67: {  	[sflag:s30] =	ssyncset.done $0x0  }
0x68: {  	s14 =	rddreg [dreg:$0x7];
	[sflag:s30] =	ssyncadd.s32 $0xFFFFFB00  }
0x69: {  	[tilespmem:s31], [sflag:$0x2] =	stream.linear.gather [hbm4b:s14+s2], $0x500, $0x38;
	[tilespmem:$0x1E600] =	vst v63  }
0x6a: {  	_ =	swait.ge [sflag:s30], $0x500  }
0x6b: {  	[sflag:s30] =	ssyncset.done $0x0  }
0x6c: {  	[sflag:s30] =	ssyncadd.s32 $0xFFFFFB00  }
0x6d: {  	[tilespmem:s29], [sflag:$0x1] =	stream.indirect.gather [hbm4b:s4+s0], $0x80, s2, s0, $0xb8;
	[tilespmem:$0x1E600] =	vst v63  }
0x6e: {  	_ =	swait.ge [sflag:s3], $0xA000  }
0x6f: {  	[sflag:s3] =	ssyncset.done $0x0  }
0x70: {  	[sflag:s3] =	ssyncadd.s32 $0xFFFF6000  }
0x71: {  	[spmem:s1] =	stream.indirect.scatter.add.f32 [tilespmem:s29], [sflag:$0x2], $0x80, s31, s0, $0xb8;
	[tilespmem:$0x1E600] =	vst v63  }
0x72: {  	_ =	swait.ge [sflag:s30], $0xA000  }
0x73: {  	[sflag:s30] =	ssyncset.done $0x0  }
0x74: {  	[sflag:s30] =	ssyncadd.s32 $0xFFFF6000  }
0x75: {  	[tilespmem:s29], [sflag:$0x1] =	stream.indirect.gather [hbm4b:s4+s0], $0x80, s0, s0, $0xb8;
	[tilespmem:$0x1E600] =	vst v63  }
0x76: {  	_ =	swait.ge [sflag:s3], $0xA000  }
0x77: {  	[sflag:s3] =	ssyncset.done $0x0  }
0x78: {  	[sflag:s3] =	ssyncadd.s32 $0xFFFF6000  }
0x79: {  	[spmem:s1] =	stream.indirect.scatter.add.f32 [tilespmem:s29], [sflag:$0x2], $0x80, s6, s0, $0xb8;
	[tilespmem:$0x1E600] =	vst v63  }
0x7a: {  	_ =	swait.ge [sflag:s30], $0xA000  }
0x7b: {  	[sflag:s30] =	ssyncset.done $0x0  }
0x7c: {  	[sflag:s30] =	ssyncadd.s32 $0xFFFF6000  }
0x7d: {  	[tilespmem:s29], [sflag:$0x1] =	stream.indirect.gather [hbm4b:s4+s0], $0x80, s7, s0, $0xb8;
	[tilespmem:$0x1E600] =	vst v63  }
0x7e: {  	_ =	swait.ge [sflag:s3], $0xA000  }
0x7f: {  	[sflag:s3] =	ssyncset.done $0x0  }
0x80: {  	[sflag:s3] =	ssyncadd.s32 $0xFFFF6000  }
0x81: {  	[spmem:s1] =	stream.indirect.scatter.add.f32 [tilespmem:s29], [sflag:$0x2], $0x80, s8, s0, $0xb8;
	[tilespmem:$0x1E600] =	vst v63  }
0x82: {  	_ =	swait.ge [sflag:s30], $0xA000  }
0x83: {  	[sflag:s30] =	ssyncset.done $0x0  }
0x84: {  	[sflag:s30] =	ssyncadd.s32 $0xFFFF6000  }
0x85: {  	[tilespmem:s29], [sflag:$0x1] =	stream.indirect.gather [hbm4b:s4+s0], $0x80, s9, s0, $0xb8;
	[tilespmem:$0x1E600] =	vst v63  }
0x86: {  	_ =	swait.ge [sflag:s3], $0xA000  }
0x87: {  	[sflag:s3] =	ssyncset.done $0x0  }
0x88: {  	[sflag:s3] =	ssyncadd.s32 $0xFFFF6000  }
0x89: {  	[spmem:s1] =	stream.indirect.scatter.add.f32 [tilespmem:s29], [sflag:$0x2], $0x80, s10, s0, $0xb8;
	[tilespmem:$0x1E600] =	vst v63  }
0x8a: {  	_ =	swait.ge [sflag:s30], $0xA000  }
0x8b: {  	[sflag:s30] =	ssyncset.done $0x0  }
0x8c: {  	s15 =	rddreg [dreg:$0x8];
	[sflag:s30] =	ssyncadd.s32 $0xFFFF6000  }
0x8d: {  	[tilespmem:s2], [sflag:$0x2] =	stream.linear.gather [hbm4b:s15+s2], $0x500, $0x38;
	[tilespmem:$0x1E600] =	vst v63  }
0x8e: {  	_ =	swait.ge [sflag:s30], $0x500  }
0x8f: {  	[sflag:s30] =	ssyncset.done $0x0  }
0x90: {  	s13 =	rddreg [dreg:$0x9];
	[sflag:s30] =	ssyncadd.s32 $0xFFFFFB00  }
0x91: {  	[tilespmem:s31], [sflag:$0x2] =	stream.linear.gather [hbm4b:s13+s2], $0x500, $0x38;
	[tilespmem:$0x1E600] =	vst v63  }
0x92: {  	_ =	swait.ge [sflag:s30], $0x500  }
0x93: {  	[sflag:s30] =	ssyncset.done $0x0  }
0x94: {  	[sflag:s30] =	ssyncadd.s32 $0xFFFFFB00  }
0x95: {  	[tilespmem:s29], [sflag:$0x1] =	stream.indirect.gather [hbm4b:s4+s0], $0x80, s2, s0, $0xb8;
	[tilespmem:$0x1E600] =	vst v63  }
0x96: {  	_ =	swait.ge [sflag:s3], $0xA000  }
0x97: {  	[sflag:s3] =	ssyncset.done $0x0  }
0x98: {  	[sflag:s3] =	ssyncadd.s32 $0xFFFF6000  }
0x99: {  	[spmem:s1] =	stream.indirect.scatter.add.f32 [tilespmem:s29], [sflag:$0x2], $0x80, s31, s0, $0xb8;
	[tilespmem:$0x1E600] =	vst v63  }
0x9a: {  	_ =	swait.ge [sflag:s30], $0xA000  }
0x9b: {  	[sflag:s30] =	ssyncset.done $0x0  }
0x9c: {  	[sflag:s30] =	ssyncadd.s32 $0xFFFF6000  }
0x9d: {  	[tilespmem:s29], [sflag:$0x1] =	stream.indirect.gather [hbm4b:s4+s0], $0x80, s0, s0, $0xb8;
	[tilespmem:$0x1E600] =	vst v63  }
0x9e: {  	_ =	swait.ge [sflag:s3], $0xA000  }
0x9f: {  	[sflag:s3] =	ssyncset.done $0x0  }
0xa0: {  	[sflag:s3] =	ssyncadd.s32 $0xFFFF6000  }
0xa1: {  	[spmem:s1] =	stream.indirect.scatter.add.f32 [tilespmem:s29], [sflag:$0x2], $0x80, s6, s0, $0xb8;
	[tilespmem:$0x1E600] =	vst v63  }
0xa2: {  	_ =	swait.ge [sflag:s30], $0xA000  }
0xa3: {  	[sflag:s30] =	ssyncset.done $0x0  }
0xa4: {  	[sflag:s30] =	ssyncadd.s32 $0xFFFF6000  }
0xa5: {  	[tilespmem:s29], [sflag:$0x1] =	stream.indirect.gather [hbm4b:s4+s0], $0x80, s7, s0, $0xb8;
	[tilespmem:$0x1E600] =	vst v63  }
0xa6: {  	_ =	swait.ge [sflag:s3], $0xA000  }
0xa7: {  	[sflag:s3] =	ssyncset.done $0x0  }
0xa8: {  	[sflag:s3] =	ssyncadd.s32 $0xFFFF6000  }
0xa9: {  	[spmem:s1] =	stream.indirect.scatter.add.f32 [tilespmem:s29], [sflag:$0x2], $0x80, s8, s0, $0xb8;
	[tilespmem:$0x1E600] =	vst v63  }
0xaa: {  	_ =	swait.ge [sflag:s30], $0xA000  }
0xab: {  	[sflag:s30] =	ssyncset.done $0x0  }
0xac: {  	[sflag:s30] =	ssyncadd.s32 $0xFFFF6000  }
0xad: {  	[tilespmem:s29], [sflag:$0x1] =	stream.indirect.gather [hbm4b:s4+s0], $0x80, s9, s0, $0xb8;
	[tilespmem:$0x1E600] =	vst v63  }
0xae: {  	_ =	swait.ge [sflag:s3], $0xA000  }
0xaf: {  	[sflag:s3] =	ssyncset.done $0x0  }
0xb0: {  	[sflag:s3] =	ssyncadd.s32 $0xFFFF6000  }
0xb1: {  	[spmem:s1] =	stream.indirect.scatter.add.f32 [tilespmem:s29], [sflag:$0x2], $0x80, s10, s0, $0xb8;
	[tilespmem:$0x1E600] =	vst v63  }
0xb2: {  	_ =	swait.ge [sflag:s30], $0xA000  }
0xb3: {  	[sflag:s30] =	ssyncset.done $0x0  }
0xb4: {  	s14 =	rddreg [dreg:$0xa];
	[sflag:s30] =	ssyncadd.s32 $0xFFFF6000  }
0xb5: {  	[tilespmem:s2], [sflag:$0x2] =	stream.linear.gather [hbm4b:s14+s2], $0x500, $0x38;
	[tilespmem:$0x1E600] =	vst v63  }
0xb6: {  	_ =	swait.ge [sflag:s30], $0x500  }
0xb7: {  	[sflag:s30] =	ssyncset.done $0x0  }
0xb8: {  	s15 =	rddreg [dreg:$0xb];
	[sflag:s30] =	ssyncadd.s32 $0xFFFFFB00  }
0xb9: {  	[tilespmem:s31], [sflag:$0x2] =	stream.linear.gather [hbm4b:s15+s2], $0x500, $0x38;
	[tilespmem:$0x1E600] =	vst v63  }
0xba: {  	_ =	swait.ge [sflag:s30], $0x500  }
0xbb: {  	[sflag:s30] =	ssyncset.done $0x0  }
0xbc: {  	[sflag:s30] =	ssyncadd.s32 $0xFFFFFB00  }
0xbd: {  	[tilespmem:s29], [sflag:$0x1] =	stream.indirect.gather [hbm4b:s4+s0], $0x80, s2, s0, $0xb8;
	[tilespmem:$0x1E600] =	vst v63  }
0xbe: {  	_ =	swait.ge [sflag:s3], $0xA000  }
0xbf: {  	[sflag:s3] =	ssyncset.done $0x0  }
0xc0: {  	[sflag:s3] =	ssyncadd.s32 $0xFFFF6000  }
0xc1: {  	[spmem:s1] =	stream.indirect.scatter.add.f32 [tilespmem:s29], [sflag:$0x2], $0x80, s31, s0, $0xb8;
	[tilespmem:$0x1E600] =	vst v63  }
0xc2: {  	_ =	swait.ge [sflag:s30], $0xA000  }
0xc3: {  	[sflag:s30] =	ssyncset.done $0x0  }
0xc4: {  	[sflag:s30] =	ssyncadd.s32 $0xFFFF6000  }
0xc5: {  	[tilespmem:s29], [sflag:$0x1] =	stream.indirect.gather [hbm4b:s4+s0], $0x80, s0, s0, $0xb8;
	[tilespmem:$0x1E600] =	vst v63  }
0xc6: {  	_ =	swait.ge [sflag:s3], $0xA000  }
0xc7: {  	[sflag:s3] =	ssyncset.done $0x0  }
0xc8: {  	[sflag:s3] =	ssyncadd.s32 $0xFFFF6000  }
0xc9: {  	[spmem:s1] =	stream.indirect.scatter.add.f32 [tilespmem:s29], [sflag:$0x2], $0x80, s6, s0, $0xb8;
	[tilespmem:$0x1E600] =	vst v63  }
0xca: {  	_ =	swait.ge [sflag:s30], $0xA000  }
0xcb: {  	[sflag:s30] =	ssyncset.done $0x0  }
0xcc: {  	[sflag:s30] =	ssyncadd.s32 $0xFFFF6000  }
0xcd: {  	[tilespmem:s29], [sflag:$0x1] =	stream.indirect.gather [hbm4b:s4+s0], $0x80, s7, s0, $0xb8;
	[tilespmem:$0x1E600] =	vst v63  }
0xce: {  	_ =	swait.ge [sflag:s3], $0xA000  }
0xcf: {  	[sflag:s3] =	ssyncset.done $0x0  }
0xd0: {  	[sflag:s3] =	ssyncadd.s32 $0xFFFF6000  }
0xd1: {  	[spmem:s1] =	stream.indirect.scatter.add.f32 [tilespmem:s29], [sflag:$0x2], $0x80, s8, s0, $0xb8;
	[tilespmem:$0x1E600] =	vst v63  }
0xd2: {  	_ =	swait.ge [sflag:s30], $0xA000  }
0xd3: {  	[sflag:s30] =	ssyncset.done $0x0  }
0xd4: {  	[sflag:s30] =	ssyncadd.s32 $0xFFFF6000  }
0xd5: {  	[tilespmem:s29], [sflag:$0x1] =	stream.indirect.gather [hbm4b:s4+s0], $0x80, s9, s0, $0xb8;
	[tilespmem:$0x1E600] =	vst v63  }
0xd6: {  	_ =	swait.ge [sflag:s3], $0xA000  }
0xd7: {  	[sflag:s3] =	ssyncset.done $0x0  }
0xd8: {  	[sflag:s3] =	ssyncadd.s32 $0xFFFF6000  }
0xd9: {  	[spmem:s1] =	stream.indirect.scatter.add.f32 [tilespmem:s29], [sflag:$0x2], $0x80, s10, s0, $0xb8;
	[tilespmem:$0x1E600] =	vst v63  }
0xda: {  	_ =	swait.ge [sflag:s30], $0xA000  }
0xdb: {  	[sflag:s30] =	ssyncset.done $0x0  }
0xdc: {  	s13 =	rddreg [dreg:$0xc];
	[sflag:s30] =	ssyncadd.s32 $0xFFFF6000  }
0xdd: {  	[tilespmem:s2], [sflag:$0x2] =	stream.linear.gather [hbm4b:s13+s2], $0x500, $0x38;
	[tilespmem:$0x1E600] =	vst v63  }
0xde: {  	_ =	swait.ge [sflag:s30], $0x500  }
0xdf: {  	[sflag:s30] =	ssyncset.done $0x0  }
0xe0: {  	s14 =	rddreg [dreg:$0xd];
	[sflag:s30] =	ssyncadd.s32 $0xFFFFFB00  }
0xe1: {  	[tilespmem:s31], [sflag:$0x2] =	stream.linear.gather [hbm4b:s14+s2], $0x500, $0x38;
	[tilespmem:$0x1E600] =	vst v63  }
0xe2: {  	_ =	swait.ge [sflag:s30], $0x500  }
0xe3: {  	[sflag:s30] =	ssyncset.done $0x0  }
0xe4: {  	[sflag:s30] =	ssyncadd.s32 $0xFFFFFB00  }
0xe5: {  	[tilespmem:s29], [sflag:$0x1] =	stream.indirect.gather [hbm4b:s4+s0], $0x80, s2, s0, $0xb8;
	[tilespmem:$0x1E600] =	vst v63  }
0xe6: {  	_ =	swait.ge [sflag:s3], $0xA000  }
0xe7: {  	[sflag:s3] =	ssyncset.done $0x0  }
0xe8: {  	[sflag:s3] =	ssyncadd.s32 $0xFFFF6000  }
0xe9: {  	[spmem:s1] =	stream.indirect.scatter.add.f32 [tilespmem:s29], [sflag:$0x2], $0x80, s31, s0, $0xb8;
	[tilespmem:$0x1E600] =	vst v63  }
0xea: {  	_ =	swait.ge [sflag:s30], $0xA000  }
0xeb: {  	[sflag:s30] =	ssyncset.done $0x0  }
0xec: {  	[sflag:s30] =	ssyncadd.s32 $0xFFFF6000  }
0xed: {  	[tilespmem:s29], [sflag:$0x1] =	stream.indirect.gather [hbm4b:s4+s0], $0x80, s0, s0, $0xb8;
	[tilespmem:$0x1E600] =	vst v63  }
0xee: {  	_ =	swait.ge [sflag:s3], $0xA000  }
0xef: {  	[sflag:s3] =	ssyncset.done $0x0  }
0xf0: {  	[sflag:s3] =	ssyncadd.s32 $0xFFFF6000  }
0xf1: {  	[spmem:s1] =	stream.indirect.scatter.add.f32 [tilespmem:s29], [sflag:$0x2], $0x80, s6, s0, $0xb8;
	[tilespmem:$0x1E600] =	vst v63  }
0xf2: {  	_ =	swait.ge [sflag:s30], $0xA000  }
0xf3: {  	[sflag:s30] =	ssyncset.done $0x0  }
0xf4: {  	[sflag:s30] =	ssyncadd.s32 $0xFFFF6000  }
0xf5: {  	[tilespmem:s29], [sflag:$0x1] =	stream.indirect.gather [hbm4b:s4+s0], $0x80, s7, s0, $0xb8;
	[tilespmem:$0x1E600] =	vst v63  }
0xf6: {  	_ =	swait.ge [sflag:s3], $0xA000  }
0xf7: {  	[sflag:s3] =	ssyncset.done $0x0  }
0xf8: {  	[sflag:s3] =	ssyncadd.s32 $0xFFFF6000  }
0xf9: {  	[spmem:s1] =	stream.indirect.scatter.add.f32 [tilespmem:s29], [sflag:$0x2], $0x80, s8, s0, $0xb8;
	[tilespmem:$0x1E600] =	vst v63  }
0xfa: {  	_ =	swait.ge [sflag:s30], $0xA000  }
0xfb: {  	[sflag:s30] =	ssyncset.done $0x0  }
0xfc: {  	[sflag:s30] =	ssyncadd.s32 $0xFFFF6000  }
0xfd: {  	[tilespmem:s29], [sflag:$0x1] =	stream.indirect.gather [hbm4b:s4+s0], $0x80, s9, s0, $0xb8;
	[tilespmem:$0x1E600] =	vst v63  }
0xfe: {  	_ =	swait.ge [sflag:s3], $0xA000  }
0xff: {  	[sflag:s3] =	ssyncset.done $0x0  }
0x100: {  	[sflag:s3] =	ssyncadd.s32 $0xFFFF6000  }
0x101: {  	[spmem:s1] =	stream.indirect.scatter.add.f32 [tilespmem:s29], [sflag:$0x2], $0x80, s10, s0, $0xb8;
	[tilespmem:$0x1E600] =	vst v63  }
0x102: {  	_ =	swait.ge [sflag:s30], $0xA000  }
0x103: {  	[sflag:s30] =	ssyncset.done $0x0  }
0x104: {  	[sflag:s30] =	ssyncadd.s32 $0xFFFF6000  }
0x105: {  	[tilespmem:s2], [sflag:$0x2] =	stream.linear.gather [hbm4b:s16+s2], $0x500, $0x38;
	[tilespmem:$0x1E600] =	vst v63  }
0x106: {  	_ =	swait.ge [sflag:s30], $0x500  }
0x107: {  	[sflag:s30] =	ssyncset.done $0x0  }
0x108: {  	[sflag:s30] =	ssyncadd.s32 $0xFFFFFB00  }
0x109: {  	[tilespmem:s31], [sflag:$0x2] =	stream.linear.gather [hbm4b:s17+s2], $0x500, $0x38;
	[tilespmem:$0x1E600] =	vst v63  }
0x10a: {  	_ =	swait.ge [sflag:s30], $0x500  }
0x10b: {  	[sflag:s30] =	ssyncset.done $0x0  }
0x10c: {  	[sflag:s30] =	ssyncadd.s32 $0xFFFFFB00  }
0x10d: {  	[tilespmem:s29], [sflag:$0x1] =	stream.indirect.gather [hbm4b:s4+s0], $0x80, s2, s0, $0xb8;
	[tilespmem:$0x1E600] =	vst v63  }
0x10e: {  	_ =	swait.ge [sflag:s3], $0xA000  }
0x10f: {  	[sflag:s3] =	ssyncset.done $0x0  }
0x110: {  	[sflag:s3] =	ssyncadd.s32 $0xFFFF6000  }
0x111: {  	[spmem:s1] =	stream.indirect.scatter.add.f32 [tilespmem:s29], [sflag:$0x2], $0x80, s31, s0, $0xb8;
	[tilespmem:$0x1E600] =	vst v63  }
0x112: {  	_ =	swait.ge [sflag:s30], $0xA000  }
0x113: {  	[sflag:s30] =	ssyncset.done $0x0  }
0x114: {  	[sflag:s30] =	ssyncadd.s32 $0xFFFF6000  }
0x115: {  	[tilespmem:s29], [sflag:$0x1] =	stream.indirect.gather [hbm4b:s4+s0], $0x80, s0, s0, $0xb8;
	[tilespmem:$0x1E600] =	vst v63  }
0x116: {  	_ =	swait.ge [sflag:s3], $0xA000  }
0x117: {  	[sflag:s3] =	ssyncset.done $0x0  }
0x118: {  	[sflag:s3] =	ssyncadd.s32 $0xFFFF6000  }
0x119: {  	[spmem:s1] =	stream.indirect.scatter.add.f32 [tilespmem:s29], [sflag:$0x2], $0x80, s6, s0, $0xb8;
	[tilespmem:$0x1E600] =	vst v63  }
0x11a: {  	_ =	swait.ge [sflag:s30], $0xA000  }
0x11b: {  	[sflag:s30] =	ssyncset.done $0x0  }
0x11c: {  	[sflag:s30] =	ssyncadd.s32 $0xFFFF6000  }
0x11d: {  	[tilespmem:s29], [sflag:$0x1] =	stream.indirect.gather [hbm4b:s4+s0], $0x80, s7, s0, $0xb8;
	[tilespmem:$0x1E600] =	vst v63  }
0x11e: {  	_ =	swait.ge [sflag:s3], $0xA000  }
0x11f: {  	[sflag:s3] =	ssyncset.done $0x0  }
0x120: {  	[sflag:s3] =	ssyncadd.s32 $0xFFFF6000  }
0x121: {  	[spmem:s1] =	stream.indirect.scatter.add.f32 [tilespmem:s29], [sflag:$0x2], $0x80, s8, s0, $0xb8;
	[tilespmem:$0x1E600] =	vst v63  }
0x122: {  	_ =	swait.ge [sflag:s30], $0xA000  }
0x123: {  	[sflag:s30] =	ssyncset.done $0x0  }
0x124: {  	[sflag:s30] =	ssyncadd.s32 $0xFFFF6000  }
0x125: {  	[tilespmem:s29], [sflag:$0x1] =	stream.indirect.gather [hbm4b:s4+s0], $0x80, s9, s0, $0xb8;
	[tilespmem:$0x1E600] =	vst v63  }
0x126: {  	_ =	swait.ge [sflag:s3], $0xA000  }
0x127: {  	[sflag:s3] =	ssyncset.done $0x0  }
0x128: {  	[sflag:s3] =	ssyncadd.s32 $0xFFFF6000  }
0x129: {  	[spmem:s1] =	stream.indirect.scatter.add.f32 [tilespmem:s29], [sflag:$0x2], $0x80, s10, s0, $0xb8;
	[tilespmem:$0x1E600] =	vst v63  }
0x12a: {  	_ =	swait.ge [sflag:s30], $0xA000  }
0x12b: {  	[sflag:s30] =	ssyncset.done $0x0  }
0x12c: {  	[sflag:s30] =	ssyncadd.s32 $0xFFFF6000  }
0x12d: {  	[tilespmem:s2], [sflag:$0x2] =	stream.linear.gather [hbm4b:s18+s2], $0x500, $0x38;
	[tilespmem:$0x1E600] =	vst v63  }
0x12e: {  	_ =	swait.ge [sflag:s30], $0x500  }
0x12f: {  	[sflag:s30] =	ssyncset.done $0x0  }
0x130: {  	[sflag:s30] =	ssyncadd.s32 $0xFFFFFB00  }
0x131: {  	[tilespmem:s31], [sflag:$0x2] =	stream.linear.gather [hbm4b:s19+s2], $0x500, $0x38;
	[tilespmem:$0x1E600] =	vst v63  }
0x132: {  	_ =	swait.ge [sflag:s30], $0x500  }
0x133: {  	[sflag:s30] =	ssyncset.done $0x0  }
0x134: {  	[sflag:s30] =	ssyncadd.s32 $0xFFFFFB00  }
0x135: {  	[tilespmem:s29], [sflag:$0x1] =	stream.indirect.gather [hbm4b:s4+s0], $0x80, s2, s0, $0xb8;
	[tilespmem:$0x1E600] =	vst v63  }
0x136: {  	_ =	swait.ge [sflag:s3], $0xA000  }
0x137: {  	[sflag:s3] =	ssyncset.done $0x0  }
0x138: {  	[sflag:s3] =	ssyncadd.s32 $0xFFFF6000  }
0x139: {  	[spmem:s1] =	stream.indirect.scatter.add.f32 [tilespmem:s29], [sflag:$0x2], $0x80, s31, s0, $0xb8;
	[tilespmem:$0x1E600] =	vst v63  }
0x13a: {  	_ =	swait.ge [sflag:s30], $0xA000  }
0x13b: {  	[sflag:s30] =	ssyncset.done $0x0  }
0x13c: {  	[sflag:s30] =	ssyncadd.s32 $0xFFFF6000  }
0x13d: {  	[tilespmem:s29], [sflag:$0x1] =	stream.indirect.gather [hbm4b:s4+s0], $0x80, s0, s0, $0xb8;
	[tilespmem:$0x1E600] =	vst v63  }
0x13e: {  	_ =	swait.ge [sflag:s3], $0xA000  }
0x13f: {  	[sflag:s3] =	ssyncset.done $0x0  }
0x140: {  	[sflag:s3] =	ssyncadd.s32 $0xFFFF6000  }
0x141: {  	[spmem:s1] =	stream.indirect.scatter.add.f32 [tilespmem:s29], [sflag:$0x2], $0x80, s6, s0, $0xb8;
	[tilespmem:$0x1E600] =	vst v63  }
0x142: {  	_ =	swait.ge [sflag:s30], $0xA000  }
0x143: {  	[sflag:s30] =	ssyncset.done $0x0  }
0x144: {  	[sflag:s30] =	ssyncadd.s32 $0xFFFF6000  }
0x145: {  	[tilespmem:s29], [sflag:$0x1] =	stream.indirect.gather [hbm4b:s4+s0], $0x80, s7, s0, $0xb8;
	[tilespmem:$0x1E600] =	vst v63  }
0x146: {  	_ =	swait.ge [sflag:s3], $0xA000  }
0x147: {  	[sflag:s3] =	ssyncset.done $0x0  }
0x148: {  	[sflag:s3] =	ssyncadd.s32 $0xFFFF6000  }
0x149: {  	[spmem:s1] =	stream.indirect.scatter.add.f32 [tilespmem:s29], [sflag:$0x2], $0x80, s8, s0, $0xb8;
	[tilespmem:$0x1E600] =	vst v63  }
0x14a: {  	_ =	swait.ge [sflag:s30], $0xA000  }
0x14b: {  	[sflag:s30] =	ssyncset.done $0x0  }
0x14c: {  	[sflag:s30] =	ssyncadd.s32 $0xFFFF6000  }
0x14d: {  	[tilespmem:s29], [sflag:$0x1] =	stream.indirect.gather [hbm4b:s4+s0], $0x80, s9, s0, $0xb8;
	[tilespmem:$0x1E600] =	vst v63  }
0x14e: {  	_ =	swait.ge [sflag:s3], $0xA000  }
0x14f: {  	[sflag:s3] =	ssyncset.done $0x0  }
0x150: {  	[sflag:s3] =	ssyncadd.s32 $0xFFFF6000  }
0x151: {  	[spmem:s1] =	stream.indirect.scatter.add.f32 [tilespmem:s29], [sflag:$0x2], $0x80, s10, s0, $0xb8;
	[tilespmem:$0x1E600] =	vst v63  }
0x152: {  	_ =	swait.ge [sflag:s30], $0xA000  }
0x153: {  	[sflag:s30] =	ssyncset.done $0x0  }
0x154: {  	[sflag:s30] =	ssyncadd.s32 $0xFFFF6000  }
0x155: {  	[tilespmem:s2], [sflag:$0x2] =	stream.linear.gather [hbm4b:s20+s2], $0x500, $0x38;
	[tilespmem:$0x1E600] =	vst v63  }
0x156: {  	_ =	swait.ge [sflag:s30], $0x500  }
0x157: {  	[sflag:s30] =	ssyncset.done $0x0  }
0x158: {  	[sflag:s30] =	ssyncadd.s32 $0xFFFFFB00  }
0x159: {  	[tilespmem:s31], [sflag:$0x2] =	stream.linear.gather [hbm4b:s21+s2], $0x500, $0x38;
	[tilespmem:$0x1E600] =	vst v63  }
0x15a: {  	_ =	swait.ge [sflag:s30], $0x500  }
0x15b: {  	[sflag:s30] =	ssyncset.done $0x0  }
0x15c: {  	[sflag:s30] =	ssyncadd.s32 $0xFFFFFB00  }
0x15d: {  	[tilespmem:s29], [sflag:$0x1] =	stream.indirect.gather [hbm4b:s4+s0], $0x80, s2, s0, $0xb8;
	[tilespmem:$0x1E600] =	vst v63  }
0x15e: {  	_ =	swait.ge [sflag:s3], $0xA000  }
0x15f: {  	[sflag:s3] =	ssyncset.done $0x0  }
0x160: {  	[sflag:s3] =	ssyncadd.s32 $0xFFFF6000  }
0x161: {  	[spmem:s1] =	stream.indirect.scatter.add.f32 [tilespmem:s29], [sflag:$0x2], $0x80, s31, s0, $0xb8;
	[tilespmem:$0x1E600] =	vst v63  }
0x162: {  	_ =	swait.ge [sflag:s30], $0xA000  }
0x163: {  	[sflag:s30] =	ssyncset.done $0x0  }
0x164: {  	[sflag:s30] =	ssyncadd.s32 $0xFFFF6000  }
0x165: {  	[tilespmem:s29], [sflag:$0x1] =	stream.indirect.gather [hbm4b:s4+s0], $0x80, s0, s0, $0xb8;
	[tilespmem:$0x1E600] =	vst v63  }
0x166: {  	_ =	swait.ge [sflag:s3], $0xA000  }
0x167: {  	[sflag:s3] =	ssyncset.done $0x0  }
0x168: {  	[sflag:s3] =	ssyncadd.s32 $0xFFFF6000  }
0x169: {  	[spmem:s1] =	stream.indirect.scatter.add.f32 [tilespmem:s29], [sflag:$0x2], $0x80, s6, s0, $0xb8;
	[tilespmem:$0x1E600] =	vst v63  }
0x16a: {  	_ =	swait.ge [sflag:s30], $0xA000  }
0x16b: {  	[sflag:s30] =	ssyncset.done $0x0  }
0x16c: {  	[sflag:s30] =	ssyncadd.s32 $0xFFFF6000  }
0x16d: {  	[tilespmem:s29], [sflag:$0x1] =	stream.indirect.gather [hbm4b:s4+s0], $0x80, s7, s0, $0xb8;
	[tilespmem:$0x1E600] =	vst v63  }
0x16e: {  	_ =	swait.ge [sflag:s3], $0xA000  }
0x16f: {  	[sflag:s3] =	ssyncset.done $0x0  }
0x170: {  	[sflag:s3] =	ssyncadd.s32 $0xFFFF6000  }
0x171: {  	[spmem:s1] =	stream.indirect.scatter.add.f32 [tilespmem:s29], [sflag:$0x2], $0x80, s8, s0, $0xb8;
	[tilespmem:$0x1E600] =	vst v63  }
0x172: {  	_ =	swait.ge [sflag:s30], $0xA000  }
0x173: {  	[sflag:s30] =	ssyncset.done $0x0  }
0x174: {  	[sflag:s30] =	ssyncadd.s32 $0xFFFF6000  }
0x175: {  	[tilespmem:s29], [sflag:$0x1] =	stream.indirect.gather [hbm4b:s4+s0], $0x80, s9, s0, $0xb8;
	[tilespmem:$0x1E600] =	vst v63  }
0x176: {  	_ =	swait.ge [sflag:s3], $0xA000  }
0x177: {  	[sflag:s3] =	ssyncset.done $0x0  }
0x178: {  	[sflag:s3] =	ssyncadd.s32 $0xFFFF6000  }
0x179: {  	[spmem:s1] =	stream.indirect.scatter.add.f32 [tilespmem:s29], [sflag:$0x2], $0x80, s10, s0, $0xb8;
	[tilespmem:$0x1E600] =	vst v63  }
0x17a: {  	s15 =	stileid.u32;
	_ =	swait.ge [sflag:s30], $0xA000  }
0x17b: {  	s11 =	sadd.s32 $0x1, s11;
	s12 =	sshll.u32 s15, $0x6;
	[sflag:s30] =	ssyncset.done $0x0  }
0x17c: {  	p0 =	sne.s32 s11, s25;
	s12 =	sor.u32 $0x1C02, s12;
	[sflag:s30] =	ssyncadd.s32 $0xFFFF6000  }
.Ltmp1:
0x17d: {  	s13 =	sshrl.u32 s5, $0x3;
	[bflag:$0x0] =	sbarrier.arrive $0xFFFF;
	(pc) =	sbr.rel @p0 .LBB2_1-.Ltmp1, $4  }
0x17e: {  	[hbm:s23], [sflag:s12] =	dma.local [spmem:s13], $0x2780  }
0x17f: {  	_ =	swait.ge [sflag:s30], $0x2780  }
0x180: {  	[sflag:s30] =	ssyncset.done $0x0  }
0x181: {  	[sflag:s30] =	ssyncadd.s32 $0xFFFFD880  }
0x182: {  	_ =	sfence.sel $0x180000  }
0x183: {  	[bflag:$0x0] =	sbarrier.arrive $0xFFFF  }
0x184: {  	_ =	strace $0x9000004D  }
0x185: {  	s0 =	stileid.u32;
	[bflag:$0x2] =	sbarrier.arrive $0xFFFF  }
0x186: {  	p0 =	sne.s32 s0, $0x0;
	s0 =	rddreg [dreg:$0x3]  }
0x187: {  	s0 =	sadd.s32 @!p0 $0x100000, s0  }
0x188: {  	[sflag:s0] =	ssyncadd.tile.s32 @!p0 $0x1;
	_ =	shalt  }
.Lfunc_end2:
_tile_overlayer_lowered:
.L_overlay_start_2:
0x189: {  	(tag) =	ssettag $0x2  }
0x18a: {  	s0 =	rddreg [dreg:$0x0];
	s2 =	stileid.u32  }
0x18b: {  	s1 =	rddreg [dreg:$0x1];
	p0 =	sne.s32 s2, $0x0  }
0x18c: {  	s3 =	rddreg [dreg:$0x2];
	[bflag:$0x3] =	sbarrier.arrive $0xFFFF;
	s2 =	simm.s32 @!p0 $0x1C02  }
0x18d: {  	[timem:s3], [sflag:s2] =	dma.local @!p0 [hbm:s0], s1  }
0x18e: {  	s0 =	simm.s32 @!p0 $0x2  }
0x18f: {  	_ =	swait.ge @!p0 [sflag:s0], s1  }
0x190: {  	s1 =	ssub.s32 @!p0 $0x0, s1;
	[sflag:s0] =	ssyncset.done @!p0 $0x0  }
0x191: {  	[sflag:s0] =	ssyncadd.s32 @!p0 s1  }
0x192: {  	[bflag:$0x3] =	sbarrier.arrive $0xFFFF  }
0x193: {  	_ =	shalt  }

// kernel: kernel.8.cloned.1.call-start
scs
__scs_entry_jumppad:
0x0: {  	(pc) =	sbr.rel $0x88, $3  }
0x1: {  	(tag) =	ssettag $0x0;
	lr =	simm.s32 $0x1  }
0x2: {  	[smem:$0x3F99] =	sst lr;
	_ =	strace $0xD0000000  }
0x3: {  	_ = 	snop  }
0x4: {  	_ = 	snop  }
0x5: {  	_ = 	snop  }
0x6: {  	_ = 	snop  }
0x7: {  	_ = 	snop  }
__scs_overlays_trampoline_lowered:
0x8: {  	[smem:$0x3FA8] =	sst s0  }
0x9: {  	[smem:$0x3FA9] =	sst s1  }
0xa: {  	[smem:$0x3FAA] =	sst s2  }
0xb: {  	[smem:$0x3FAB] =	sst s3  }
0xc: {  	[smem:$0x3FAC] =	sst s4  }
0xd: {  	[smem:$0x3FAD] =	sst s5  }
0xe: {  	[smem:$0x3FAE] =	sst s6  }
0xf: {  	[smem:$0x3FAF] =	sst s7  }
0x10: {  	[smem:$0x3FB0] =	sst s8  }
0x11: {  	[smem:$0x3FB1] =	sst s9;
	s0 =	simm.s32 @!p0 $0x0  }
0x12: {  	s1 =	sld [smem:$0x3F97];
	s0 =	simm.s32 @p0 $0x1  }
0x13: {  	[smem:$0x3FB2] =	sst s0;
	s0 =	simm.s32 @!p1 $0x0  }
0x14: {  	s2 =	sld [smem:$0x3F96];
	s0 =	simm.s32 @p1 $0x1  }
0x15: {  	[smem:$0x3FB3] =	sst s0;
	s0 =	simm.s32 @!p2 $0x0  }
0x16: {  	s3 =	sld [smem:$0x3FDB];
	s0 =	simm.s32 @p2 $0x1  }
0x17: {  	s4 =	simm.s32 $0x1BF5;
	[smem:$0x3FB5] =	sst s0  }
0x18: {  	s0 =	sld [smem:$0x3F98];
	_ =	swait.ge [sflag:s4], $0x0  }
0x19: {  	s7 =	sld [smem:$0x3F99]  }
0x1a: {  	s8 =	sadd.s32 $0xFFFFE003, lr  }
0x1b: {  	s9 =	sadd.s32 $0xFFFFFEF7, lr;
	s5 =	simm.s32 $0xFFFFFFFF;
	p2 =	slt.u32 s8, $0xFFFFF086  }
0x1c: {  	p1 =	slt.u32 s9, $0xF7A;
	s5 =	simm.s32 @!p2 $0x0  }
0x1d: {  	s5 =	simm.s32 @p1 $0x1;
	p0 =	seq.s32 s7, s2  }
0x1e: {  	s7 =	smul.u32 @!p0 $0xF7A, s2;
	p2 =	seq.s32 @!p0 s5, $0x0  }
0x1f: {  	s9 =	smul.u32 $0xF7A, s1;
	s8 =	simm.s32 @!p0 $0x1BF5;
	p2 =	por !p2, p0  }
0x20: {  	[sflag:s8] =	ssyncset.s32 @!p0 $0xFFFFF086;
	s6 =	sadd.s32 @!p0 s3, s7;
	s7 =	simm.s32 @!p0 $0x108  }
0x21: {  	s3 =	sadd.s32 s3, s9;
	s6 =	sadd.s32 @!p0 $0x88, s6;
	s7 =	simm.s32 @p2 $0x1082  }
0x22: {  	[simem:s7], [sflag:s8] =	dma.local @!p0 [hbm:s6], $0xF7A  }
0x23: {  	s9 =	sor.u32 $0xD0000000, s2;
	s6 =	simm.s32 $0x108;
	_ =	swait.ge @!p0 [sflag:s8], $0x0  }
0x24: {  	s3 =	sadd.s32 $0x88, s3;
	s6 =	simm.s32 @!p1 $0x1082;
	[sflag:s4] =	ssyncset.s32 $0xFFFFF086  }
0x25: {  	[simem:s6], [sflag:s4] =	dma.local [hbm:s3], $0xF7A  }
0x26: {  	[smem:$0x3F99] =	sst s1;
	(tag) =	ssettag s2;
	_ =	strace s9  }
0x27: {  	s1 =	sld [smem:$0x3FA9]  }
0x28: {  	s2 =	sld [smem:$0x3FAA]  }
0x29: {  	s4 =	sld [smem:$0x3FAC]  }
0x2a: {  	p0 =	seq.s32 s5, $0x0;
	s5 =	sld [smem:$0x3FAD]  }
0x2b: {  	s6 =	sld [smem:$0x3FAE]  }
0x2c: {  	s7 =	sld [smem:$0x3FAF]  }
0x2d: {  	s3 =	simm.s32 $0x108;
	s8 =	sld [smem:$0x3FB0]  }
0x2e: {  	s3 =	simm.s32 @!p0 $0x1082;
	s9 =	sld [smem:$0x3FB1]  }
0x2f: {  	lr =	sadd.s32 s0, s3;
	s0 =	sld [smem:$0x3FA8]  }
0x30: {  	s3 =	sld [smem:$0x3FAB]  }
0x31: {  	[smem:$0x3FB4] =	sst s10  }
0x32: {  	s10 =	sld [smem:$0x3FB2];
	_ =	sdelay $0x3  }
0x33: {  	p0 =	seq.s32 s10, $0x1;
	s10 =	sld [smem:$0x3FB4];
	_ =	sdelay $0x3  }
0x34: {  	[smem:$0x3FB4] =	sst s10  }
0x35: {  	s10 =	sld [smem:$0x3FB3];
	_ =	sdelay $0x3  }
0x36: {  	p1 =	seq.s32 s10, $0x1;
	s10 =	sld [smem:$0x3FB4];
	_ =	sdelay $0x3  }
0x37: {  	[smem:$0x3FB4] =	sst s10  }
0x38: {  	s10 =	sld [smem:$0x3FB5]  }
0x39: {  	_ = 	snop;
	(pc) =	sbr.ind lr, $3  }
0x3a: {  	_ = 	snop  }
0x3b: {  	_ = 	snop  }
0x3c: {  	p2 =	seq.s32 s10, $0x1;
	s10 =	sld [smem:$0x3FB4]  }
0x3d: {  	_ =	shalt  }
0x3e: {  	_ =	shalt  }
0x3f: {  	_ =	shalt  }
0x40: {  	_ =	shalt  }
0x41: {  	_ =	shalt  }
0x42: {  	_ =	shalt  }
0x43: {  	_ =	shalt  }
0x44: {  	_ =	shalt  }
0x45: {  	_ =	shalt  }
0x46: {  	_ =	shalt  }
0x47: {  	_ =	shalt  }
0x48: {  	_ =	shalt  }
0x49: {  	_ =	shalt  }
0x4a: {  	_ =	shalt  }
0x4b: {  	_ =	shalt  }
0x4c: {  	_ =	shalt  }
0x4d: {  	_ =	shalt  }
0x4e: {  	_ =	shalt  }
0x4f: {  	_ =	shalt  }
0x50: {  	_ =	shalt  }
0x51: {  	_ =	shalt  }
0x52: {  	_ =	shalt  }
0x53: {  	_ =	shalt  }
0x54: {  	_ =	shalt  }
0x55: {  	_ =	shalt  }
0x56: {  	_ =	shalt  }
0x57: {  	_ =	shalt  }
0x58: {  	_ =	shalt  }
0x59: {  	_ =	shalt  }
0x5a: {  	_ =	shalt  }
0x5b: {  	_ =	shalt  }
0x5c: {  	_ =	shalt  }
0x5d: {  	_ =	shalt  }
0x5e: {  	_ =	shalt  }
0x5f: {  	_ =	shalt  }
0x60: {  	_ =	shalt  }
0x61: {  	_ =	shalt  }
0x62: {  	_ =	shalt  }
0x63: {  	_ =	shalt  }
0x64: {  	_ =	shalt  }
0x65: {  	_ =	shalt  }
0x66: {  	_ =	shalt  }
0x67: {  	_ =	shalt  }
0x68: {  	_ =	shalt  }
0x69: {  	_ =	shalt  }
0x6a: {  	_ =	shalt  }
0x6b: {  	_ =	shalt  }
0x6c: {  	_ =	shalt  }
0x6d: {  	_ =	shalt  }
0x6e: {  	_ =	shalt  }
0x6f: {  	_ =	shalt  }
0x70: {  	_ =	shalt  }
0x71: {  	_ =	shalt  }
0x72: {  	_ =	shalt  }
0x73: {  	_ =	shalt  }
0x74: {  	_ =	shalt  }
0x75: {  	_ =	shalt  }
0x76: {  	_ =	shalt  }
0x77: {  	_ =	shalt  }
0x78: {  	_ =	shalt  }
0x79: {  	_ =	shalt  }
0x7a: {  	_ =	shalt  }
0x7b: {  	_ =	shalt  }
0x7c: {  	_ =	shalt  }
0x7d: {  	_ =	shalt  }
0x7e: {  	_ =	shalt  }
0x7f: {  	_ =	shalt  }
0x80: {  	_ =	shalt  }
0x81: {  	_ =	shalt  }
0x82: {  	_ =	shalt  }
0x83: {  	_ =	shalt  }
0x84: {  	_ =	shalt  }
0x85: {  	_ =	shalt  }
0x86: {  	_ =	shalt  }
0x87: {  	_ =	shalt  }
.Lfunc_end0:
.L_simem_size_0:
called_computation_lowered:
.L_overlay_start_0:
0x88: {  	s2 =	sld [smem:$0x3FD9]  }
0x89: {  	s3 =	sld [smem:$0x3FFE];
	_ =	sdelay $0x1  }
0x8a: {  	s1 =	srdreg.scid  }
0x8b: {  	s0 =	sand.u32 $0x1, s1  }
0x8c: {  	s17 =	sshll.u32 s0, $0xA;
	s2 =	sadd.s32 s3, s2  }
0x8d: {  	s2 =	sadd.s32 s2, s17  }
0x8e: {  	[smem:$0x3FC0] =	sst s2  }
0x8f: {  	_ = 	snop  }
0x90: {  	s2 =	sld [smem:$0x3FD0];
	(tm) =	ssettm $0x1  }
0x91: {  	s18 =	sld [smem:$0x3FFB];
	_ =	sdelay $0x3  }
0x92: {  	_ =	strace s18  }
0x93: {  	s3 =	sld [smem:$0x3FFC];
	_ =	sdelay $0x3  }
0x94: {  	_ =	strace s3  }
0x95: {  	s3 =	sld [smem:$0x3FFD];
	_ =	sdelay $0x3  }
0x96: {  	_ =	strace s3  }
0x97: {  	_ =	strace $0x8FFFFFFF  }
0x98: {  	s19 =	sld [smem:$0x3FDB];
	_ =	sdelay $0x1  }
0x99: {  	s4 =	simm.s32 $_scs_section_size  }
0x9a: {  	s5 =	simm.s32 $_size__tile_overlayer_lowered;
	s6 =	simm.s32 $_tile_overlayer_lowered  }
0x9b: {  	s22 =	simm.s32 $0x1BFF;
	s21 =	sshll.u32 s6, $0x1;
	s3 =	sadd.s32 s4, s19  }
0x9c: {  	s7 =	simm.s32 $0x0;
	s20 =	sshll.u32 s5, $0x1;
	s5 =	sadd.s32 s21, s3  }
0x9d: {  	[timem:s7], [sflag:s22] =	dma.local [hbm:s5], s20  }
0x9e: {  	_ =	swait.ge [sflag:s22], s20  }
0x9f: {  	s4 =	ssub.s32 $0x0, s20;
	[sflag:s22] =	ssyncset.done $0x0  }
0xa0: {  	[sflag:s22] =	ssyncadd.s32 s4;
	_ =	sdelay $0x1  }
0xa1: {  	s23 =	simm.s32 $0x1B8B  }
0xa2: {  	_ =	swait.ge [sflag:s23], $0x1  }
0xa3: {  	[sflag:s23] =	ssyncset.done $0x0  }
0xa4: {  	s25 =	simm.s32 $0x1B8E;
	s24 =	sld [smem:$0x3FFE];
	[sflag:s23] =	ssyncadd.s32 $0xFFFFFFFF  }
0xa5: {  	s26 =	simm.s32 $execute0_lowered;
	[smem:$0x3FD2] =	sst s25  }
0xa6: {  	s5 =	sshll.u32 s26, $0x1;
	_ =	strace $0x80000046;
	[dreg:$0x1] =	wrdreg $0xFFFFFFFF  }
0xa7: {  	s28 =	simm.s32 $_size_execute0_lowered;
	s3 =	sadd.s32 s3, s5;
	[dreg:$0x0] =	wrdreg $0x0  }
0xa8: {  	s5 =	sshll.u32 s28, $0x1;
	[dreg:$0x2] =	wrdreg s3  }
0xa9: {  	[dreg:$0x3] =	wrdreg s5  }
0xaa: {  	[dreg:$0x4] =	wrdreg $0xC0  }
0xab: {  	_ =	task [dreg:s7], $0x5FFFF  }
0xac: {  	[dreg:$0x1] =	wrdreg $0xFFFFFFFF  }
0xad: {  	[dreg:$0x0] =	wrdreg $0x60  }
0xae: {  	[dreg:$0x2] =	wrdreg s2  }
0xaf: {  	[dreg:$0x3] =	wrdreg s24  }
0xb0: {  	[dreg:$0x4] =	wrdreg $0x68000  }
0xb1: {  	[dreg:$0x5] =	wrdreg $0x9  }
0xb2: {  	_ =	task.clear_ibuf [dreg:s7], $0x6FFFF;
	_ =	strace $0x90000046  }
0xb3: {  	s29 =	simm.s32 $0x9;
	_ =	strace $0x80000048  }
0xb4: {  	_ =	swait.ge [sflag:s29], $0x1  }
0xb5: {  	[sflag:s29] =	ssyncadd.s32 $0xFFFFFFFF  }
0xb6: {  	_ =	strace $0x90000048  }
0xb7: {  	_ =	sfence  }
0xb8: {  	s30 =	sld [smem:$0x0];
	_ =	sdelay $0x2  }
0xb9: {  	s31 =	sshll.u32 s1, $0xD;
	s1 =	sshrl.u32 s1, $0x2  }
0xba: {  	s3 =	sand.u32 $0x4000, s31;
	s1 =	sadd.s32 s1, s30  }
0xbb: {  	s0 =	sor.u32 s3, s0;
	s1 =	sshll.u32 s1, $0x11  }
0xbc: {  	s0 =	sor.u32 s1, s0  }
0xbd: {  	s0 =	sadd.s32 $0x8F2B, s0  }
0xbe: {  	[sflag:s0] =	ssyncadd.remote.s32 $0x1  }
0xbf: {  	_ =	sfence.sel $0xFFFF  }
0xc0: {  	[dreg:$0x0] =	wrdreg $0xFFFFFFFF;
	(pc) =	sbr.abs _section_cstart, $3  }
0xc1: {  	[dreg:$0x1] =	wrdreg $0xFFFFFFFF  }
0xc2: {  	_ =	task.clear_ibuf [dreg:s7], $0x2FFFF;
	_ =	strace $0x9FFFFFFF  }
0xc3: {  	(tm) =	ssettm $0x7FFFFFFF  }
tec
execute0_lowered:
.L_overlay_start_1:
0x0: {  	(tag) =	ssettag $0x1  }
0x1: {  	s9 =	rddreg [dreg:$0x0]  }
0x2: {  	s4 =	rddreg [dreg:$0x1]  }
0x3: {  	s1 =	rddreg [dreg:$0x2]  }
0x4: {  	s0 =	rddreg [dreg:$0x3];
	s2 =	simm.s32 $0x0;
	s3 =	srdreg.scid  }
0x5: {  	s13 =	simm.s32 $0x80;
	[smem:$0x7FF] =	sst s2;
	s5 =	sand.u32 $0x1, s3  }
0x6: {  	s3 =	stileid.u32;
	s6 =	smul.u32 $0x27800, s5;
	_ =	strace $0x80000047  }
0x7: {  	s7 =	smul.u32 $0x4F000, s3;
	s30 =	ssub.s32 $0x2, s5;
	s5 =	sshll.u32 s5, $0x4  }
0x8: {  	s15 =	smul.u32 $0x2780, s3;
	s16 =	sshll.u32 s3, $0x6;
	s31 =	sshrl.u32 s30, $0x1  }
0x9: {  	s5 =	sor.u32 s3, s5;
	s10 =	sadd.s32 s6, s4;
	s7 =	sshrl.u32 s7, $0x2  }
0xa: {  	s11 =	ssub.s32 s30, s31;
	s12 =	smul.u32 $0x500, s5;
	s4 =	sadd.s32 s7, s1  }
0xb: {  	s14 =	sadd.s32 $0xCC00, s10;
	s10 =	smax.u32 s11, $0x1;
	s11 =	simm.s32 $0x2800  }
0xc: {  	s5 =	sadd.s32 $0x4000, s4;
	s6 =	sadd.s32 $0x8000, s4;
	s7 =	sadd.s32 $0xC000, s4  }
0xd: {  	s8 =	sadd.s32 $0x10000, s4;
	s9 =	sadd.s32 s9, s12;
	s12 =	simm.s32 $0x1  }
0xe: {  	v0 =	vimm.f32 $0.0e+00;
	v1 =	vimm.f32 $1.000000000e+00;
	s14 =	sadd.s32 s15, s14;
	s15 =	sor.u32 $0x1C01, s16;
	s16 =	sshrl.u32 s4, $0x3  }
.LBB2_1:
0xf: {  	s17 =	simm.s32 $0x200;
	s18 =	simm.s32 $0x0  }
.LBB2_2:
0x10: {  	p0 =	sne.s32 s17, $0xFE00;
	[tilespmem:s18+$0x2800] =	vst v0;
	s18 =	smov.u32 s17;
	s17 =	sadd.s32 $0x200, s17  }
.Ltmp0:
0x11: {  	(pc) =	sbr.rel @p0 .LBB2_2-.Ltmp0, $2  }
0x12: {  	_ =	sdelay $0x2  }
0x13: {  	s18 =	sshra.s32 s18, $0x2  }
0x14: {  	[tilespmem:s18+$0x2800] =	vst v0  }
0x15: {  	[spmem:s4] =	stream.linear.scatter [tilespmem:s11], [sflag:$0x1], $0x4000, $0x38;
	[tilespmem:$0x8F80] =	vst v63  }
0x16: {  	_ =	swait.ge [sflag:s12], $0x4000  }
0x17: {  	[sflag:s12] =	ssyncset.done $0x0  }
0x18: {  	[sflag:s12] =	ssyncadd.s32 $0xFFFFC000  }
0x19: {  	[spmem:s5] =	stream.linear.scatter [tilespmem:s11], [sflag:$0x1], $0x4000, $0x38;
	[tilespmem:$0x8F80] =	vst v63  }
0x1a: {  	_ =	swait.ge [sflag:s12], $0x4000  }
0x1b: {  	[sflag:s12] =	ssyncset.done $0x0  }
0x1c: {  	[sflag:s12] =	ssyncadd.s32 $0xFFFFC000  }
0x1d: {  	[spmem:s6] =	stream.linear.scatter [tilespmem:s11], [sflag:$0x1], $0x4000, $0x38;
	[tilespmem:$0x8F80] =	vst v63  }
0x1e: {  	_ =	swait.ge [sflag:s12], $0x4000  }
0x1f: {  	[sflag:s12] =	ssyncset.done $0x0  }
0x20: {  	[sflag:s12] =	ssyncadd.s32 $0xFFFFC000  }
0x21: {  	[spmem:s7] =	stream.linear.scatter [tilespmem:s11], [sflag:$0x1], $0x4000, $0x38;
	[tilespmem:$0x8F80] =	vst v63  }
0x22: {  	_ =	swait.ge [sflag:s12], $0x4000  }
0x23: {  	[sflag:s12] =	ssyncset.done $0x0  }
0x24: {  	[sflag:s12] =	ssyncadd.s32 $0xFFFFC000  }
0x25: {  	[spmem:s8] =	stream.linear.scatter [tilespmem:s11], [sflag:$0x1], $0x3C00, $0x38;
	[tilespmem:$0x8F80] =	vst v63  }
0x26: {  	_ =	swait.ge [sflag:s12], $0x3C00  }
0x27: {  	[sflag:s12] =	ssyncset.done $0x0  }
0x28: {  	s17 =	simm.s32 $0x200;
	s18 =	simm.s32 $0x0;
	[sflag:s12] =	ssyncadd.s32 $0xFFFFC400  }
.LBB2_4:
0x29: {  	p0 =	sne.s32 s17, $0xFE00;
	[tilespmem:s18+$0x2800] =	vst v1;
	s18 =	smov.u32 s17;
	s17 =	sadd.s32 $0x200, s17  }
.Ltmp1:
0x2a: {  	(pc) =	sbr.rel @p0 .LBB2_4-.Ltmp1, $2  }
0x2b: {  	_ =	sdelay $0x2  }
0x2c: {  	s18 =	sshra.s32 s18, $0x2  }
0x2d: {  	[tilespmem:s18+$0x2800] =	vst v1  }
0x2e: {  	s17 =	simm.s32 $0x0;
	[bflag:$0x0] =	sbarrier.arrive $0xFFFF  }
0x2f: {  	[tilespmem:s17], [sflag:$0x1] =	stream.linear.gather [hbm4b:s9+s17], $0x2800, $0x38;
	[tilespmem:$0x8F80] =	vst v63  }
0x30: {  	_ =	swait.ge [sflag:s12], $0x2800  }
0x31: {  	[sflag:s12] =	ssyncset.done $0x0  }
0x32: {  	s31 =	simm.s32 $0x0;
	[sflag:s12] =	ssyncadd.s32 $0xFFFFD800  }
0x33: {  	[spmem:s1] =	stream.indirect.scatter.add.f32 [tilespmem:s11], [sflag:$0x1], $0x10, s31, s13, $0xb8;
	[tilespmem:$0x8F80] =	vst v63  }
0x34: {  	_ =	swait.ge [sflag:s12], $0x800  }
0x35: {  	s17 =	simm.s32 $0x200;
	[sflag:s12] =	ssyncset.done $0x0  }
.LBB2_6:
0x36: {  	s18 =	sshra.s32 s17, $0x2;
	[sflag:s12] =	ssyncadd.s32 $0xFFFFF800;
	p0 =	sne.s32 s17, $0x9E00  }
0x37: {  	[spmem:s1] =	stream.indirect.scatter.add.f32 [tilespmem:s11], [sflag:$0x1], $0x10, s18, s13, $0xb8;
	[tilespmem:$0x8F80] =	vst v63  }
.Ltmp2:
0x38: {  	_ = 	snop;
	(pc) =	sbr.rel @p0 .LBB2_6-.Ltmp2, $4  }
0x39: {  	_ = 	snop  }
0x3a: {  	s17 =	sadd.s32 $0x200, s17  }
0x3b: {  	_ =	swait.ge [sflag:s12], $0x800  }
0x3c: {  	[sflag:s12] =	ssyncset.done $0x0  }
0x3d: {  	s2 =	sadd.s32 $0x1, s2  }
0x3e: {  	[sflag:s12] =	ssyncadd.s32 $0xFFFFF800;
	p0 =	sne.s32 s2, s10  }
.Ltmp3:
0x3f: {  	[bflag:$0x0] =	sbarrier.arrive $0xFFFF;
	(pc) =	sbr.rel @p0 .LBB2_1-.Ltmp3, $4  }
0x40: {  	[hbm:s14], [sflag:s15] =	dma.local [spmem:s16], $0x2780  }
0x41: {  	_ =	swait.ge [sflag:s12], $0x2780  }
0x42: {  	[sflag:s12] =	ssyncset.done $0x0  }
0x43: {  	[sflag:s12] =	ssyncadd.s32 $0xFFFFD880  }
0x44: {  	_ =	sfence.sel $0x180000  }
0x45: {  	[bflag:$0x0] =	sbarrier.arrive $0xFFFF  }
0x46: {  	p0 =	sne.s32 s3, $0x0;
	_ =	strace $0x90000047  }
0x47: {  	s0 =	sadd.s32 @!p0 $0x100000, s0;
	[bflag:$0x2] =	sbarrier.arrive $0xFFFF  }
0x48: {  	[sflag:s0] =	ssyncadd.tile.s32 @!p0 $0x1;
	_ =	shalt  }
.Lfunc_end2:
_tile_overlayer_lowered:
.L_overlay_start_2:
0x49: {  	(tag) =	ssettag $0x2  }
0x4a: {  	s0 =	rddreg [dreg:$0x0];
	s2 =	stileid.u32  }
0x4b: {  	s1 =	rddreg [dreg:$0x1];
	p0 =	sne.s32 s2, $0x0  }
0x4c: {  	s3 =	rddreg [dreg:$0x2];
	[bflag:$0x3] =	sbarrier.arrive $0xFFFF;
	s2 =	simm.s32 @!p0 $0x1C01  }
0x4d: {  	[timem:s3], [sflag:s2] =	dma.local @!p0 [hbm:s0], s1  }
0x4e: {  	s0 =	simm.s32 @!p0 $0x1  }
0x4f: {  	_ =	swait.ge @!p0 [sflag:s0], s1  }
0x50: {  	s1 =	ssub.s32 @!p0 $0x0, s1;
	[sflag:s0] =	ssyncset.done @!p0 $0x0  }
0x51: {  	[sflag:s0] =	ssyncadd.s32 @!p0 s1  }
0x52: {  	[bflag:$0x3] =	sbarrier.arrive $0xFFFF  }
0x53: {  	_ =	shalt  }

</sc_bundles>
